<compile_context>
chip_gen: v7x
topology: tpu7x:2x2x1
jax: 0.10.2.dev20260603
libtpu: 0.0.44.dev20260713+nightly
codegen_flags: <defaults>
</compile_context>

<pallas_src>
import functools

import jax
import jax.numpy as jnp
from jax import lax
from jax.experimental import pallas as pl
from jax.experimental.pallas import tpu as pltpu
from jax.experimental.pallas import tpu_sc as plsc

N = 10000
E = 320000
D = 128
H = 8
DH = 16
NC = 2
NS = 16
NW = NC * NS
EPT = E // NW
CH = 50
EPC = E // NS
NCHUNK = EPC // CH
PAIRS = NCHUNK // 2
IDXR = 6
NACC = N + 8
RPT = 624
RREM = N - RPT * NS
RREMZ = NACC - RPT * NS

_BLK = 1000
_GRID = N // _BLK


def _prologue_body(xa, xp, wa, ba, wp, bp, a_sw, a_dw, a_sr, a_dr,
                   h2_o, as2_o, ad2_o, mx_o):
    ha = jnp.dot(xa[...], wa[...], preferred_element_type=jnp.float32) + ba[...]
    hp = jnp.dot(xp[...], wp[...], preferred_element_type=jnp.float32) + bp[...]
    h2_o[0] = ha
    h2_o[1] = hp
    outs = []
    for hmat, amat, ref, rel in ((ha, a_sw, as2_o, 0), (hp, a_dw, ad2_o, 0),
                                 (hp, a_sr, as2_o, 1), (ha, a_dr, ad2_o, 1)):
        t = jnp.dot(hmat, amat[...], preferred_element_type=jnp.float32)
        ref[rel] = jnp.concatenate([t, t], axis=1)
        outs.append(t.max(axis=0, keepdims=True))
    m = jnp.concatenate(outs, axis=0)
    m = jnp.concatenate([m, jnp.full((4, 8), -1e30, jnp.float32)], axis=0)
    m = jnp.concatenate([m, jnp.full((8, 120), -1e30, jnp.float32)], axis=1)

    @pl.when(pl.program_id(0) == 0)
    def _():
        mx_o[...] = jnp.full((8, 128), -1e30, jnp.float32)
    mx_o[...] = jnp.maximum(mx_o[...], m)


def _prologue(xa, xp, wa, ba, wp, bp, a_sw, a_dw, a_sr, a_dr):
    row = lambda i: (i, 0)
    full2 = pl.BlockSpec((128, 8), lambda i: (0, 0))
    return pl.pallas_call(
        _prologue_body,
        grid=(_GRID,),
        in_specs=[
            pl.BlockSpec((_BLK, D), row), pl.BlockSpec((_BLK, D), row),
            pl.BlockSpec((D, D), lambda i: (0, 0)),
            pl.BlockSpec((1, D), lambda i: (0, 0)),
            pl.BlockSpec((D, D), lambda i: (0, 0)),
            pl.BlockSpec((1, D), lambda i: (0, 0)),
            full2, full2, full2, full2,
        ],
        out_specs=[
            pl.BlockSpec((NC, _BLK, D), lambda i: (0, i, 0)),
            pl.BlockSpec((NC, _BLK, 2 * H), lambda i: (0, i, 0)),
            pl.BlockSpec((NC, _BLK, 2 * H), lambda i: (0, i, 0)),
            pl.BlockSpec((8, 128), lambda i: (0, 0)),
        ],
        out_shape=[
            jax.ShapeDtypeStruct((NC, N, D), jnp.float32),
            jax.ShapeDtypeStruct((NC, N, 2 * H), jnp.float32),
            jax.ShapeDtypeStruct((NC, N, 2 * H), jnp.float32),
            jax.ShapeDtypeStruct((8, 128), jnp.float32),
        ],
    )(xa, xp, wa, ba, wp, bp, a_sw, a_dw, a_sr, a_dr)


def _sc_edge_body(h2_hbm, as2_hbm, ad2_hbm,
                  src4_hbm, dst4_hbm, cexp2_hbm, zn_hbm, zd_hbm,
                  num_o, den_o,
                  srcs_v, dsts_v, as_v0, as_v1, ad_v0, ad_v1,
                  rows_v0, rows_v1, msg_v0, msg_v1, den_v0, den_v1, cexp_v,
                  acc_n, acc_d, g0, g1, s0, s1, i0, i1):
    c = lax.axis_index("c")
    s = lax.axis_index("s")
    r0 = s * RPT

    pltpu.sync_copy(cexp2_hbm.at[c], cexp_v)

    def run(h_hbm, as_hbm, ad_hbm):
        def issue_idx(k, sem):
            pltpu.async_copy(src4_hbm.at[c, s, k], srcs_v.at[k % IDXR], sem)
            pltpu.async_copy(dst4_hbm.at[c, s, k], dsts_v.at[k % IDXR], sem)

        def wait_idx(sem):
            pltpu.make_async_copy(src4_hbm.at[0, 0, 0], srcs_v.at[0], sem).wait()
            pltpu.make_async_copy(dst4_hbm.at[0, 0, 0], dsts_v.at[0], sem).wait()

        def issue_gathers(k, asv, adv, rv, sem):
            pltpu.async_copy(as_hbm.at[srcs_v.at[k % IDXR]], asv, sem)
            pltpu.async_copy(ad_hbm.at[dsts_v.at[k % IDXR]], adv, sem)
            pltpu.async_copy(h_hbm.at[srcs_v.at[k % IDXR]], rv, sem)

        def wait_gathers(asv, adv, rv, sem):
            pltpu.make_async_copy(as_hbm.at[srcs_v.at[0]], asv, sem).wait()
            pltpu.make_async_copy(ad_hbm.at[dsts_v.at[0]], adv, sem).wait()
            pltpu.make_async_copy(h_hbm.at[srcs_v.at[0]], rv, sem).wait()

        def issue_scatters(k, mv, dv, sem):
            pltpu.async_copy(dv, acc_d.at[dsts_v.at[k % IDXR]], sem, add=True)
            pltpu.async_copy(mv, acc_n.at[dsts_v.at[k % IDXR]], sem, add=True)

        def wait_scatters(mv, dv, sem):
            pltpu.make_async_copy(dv, acc_d.at[dsts_v.at[0]], sem).wait()
            pltpu.make_async_copy(mv, acc_n.at[dsts_v.at[0]], sem).wait()

        issue_idx(0, i0)
        issue_idx(1, i1)
        wait_idx(i0)
        issue_gathers(0, as_v0, ad_v0, rows_v0, g0)
        wait_idx(i1)
        issue_gathers(1, as_v1, ad_v1, rows_v1, g1)
        issue_idx(2, i0)
        issue_idx(3, i1)

        pltpu.sync_copy(zn_hbm.at[pl.ds(r0, RPT)], acc_n.at[pl.ds(r0, RPT)])
        pltpu.sync_copy(zd_hbm.at[pl.ds(r0, RPT)], acc_d.at[pl.ds(r0, RPT)])

        @pl.when(s == NS - 1)
        def _():
            rz = NS * RPT
            pltpu.sync_copy(zn_hbm.at[pl.ds(rz, RREMZ)],
                            acc_n.at[pl.ds(rz, RREMZ)])
            pltpu.sync_copy(zd_hbm.at[pl.ds(rz, RREMZ)],
                            acc_d.at[pl.ds(rz, RREMZ)])

        plsc.subcore_barrier()

        lane = lax.iota(jnp.int32, 16)
        low8 = lane < 8
        cvec = cexp_v[...]

        def compute(asv, adv, rv, mv, dv):
            @plsc.parallel_loop(0, CH, step=1, unroll=4)
            def _(e):
                v = asv[e, :] + adv[e, :]
                w = jnp.exp(jnp.maximum(v, 0.2 * v)) * cvec
                dv[e, :] = jnp.where(low8, w, 0.0)
                for h in range(H):
                    mv[e, pl.ds(h * 16, 16)] = rv[e, pl.ds(h * 16, 16)] * w[h]

        def pair(k2, carry):
            a = 2 * k2
            for (k, asv, adv, rv, mv, dv, gs, ss, isem) in (
                    (a, as_v0, ad_v0, rows_v0, msg_v0, den_v0, g0, s0, i0),
                    (a + 1, as_v1, ad_v1, rows_v1, msg_v1, den_v1, g1, s1, i1)):
                wait_gathers(asv, adv, rv, gs)

                @pl.when(k2 >= 1)
                def _():
                    wait_scatters(mv, dv, ss)

                @pl.when(k2 < PAIRS - 2)
                def _():
                    issue_idx(k + 4, isem)

                compute(asv, adv, rv, mv, dv)

                @pl.when(k2 < PAIRS - 1)
                def _():
                    wait_idx(isem)
                    issue_gathers(k + 2, asv, adv, rv, gs)

                issue_scatters(k, mv, dv, ss)
            return carry

        lax.fori_loop(0, PAIRS, pair, 0)
        wait_scatters(msg_v0, den_v0, s0)
        wait_scatters(msg_v1, den_v1, s1)
        plsc.subcore_barrier()

        pltpu.sync_copy(acc_n.at[pl.ds(r0, RPT)], num_o.at[c, pl.ds(r0, RPT)])
        pltpu.sync_copy(acc_d.at[pl.ds(r0, RPT)], den_o.at[c, pl.ds(r0, RPT)])

        @pl.when(s == NS - 1)
        def _():
            rz = NS * RPT
            pltpu.sync_copy(acc_n.at[pl.ds(rz, RREM)],
                            num_o.at[c, pl.ds(rz, RREM)])
            pltpu.sync_copy(acc_d.at[pl.ds(rz, RREM)],
                            den_o.at[c, pl.ds(rz, RREM)])

    run(h2_hbm.at[c], as2_hbm.at[c], ad2_hbm.at[c])


@functools.cache
def _sc_edge_call():
    mesh = plsc.VectorSubcoreMesh(core_axis_name="c", subcore_axis_name="s")
    return pl.kernel(
        _sc_edge_body,
        mesh=mesh,
        compiler_params=pltpu.CompilerParams(use_tc_tiling_on_sc=False),
        out_type=(
            jax.ShapeDtypeStruct((NC, N, D), jnp.float32),
            jax.ShapeDtypeStruct((NC, N, 2 * H), jnp.float32),
        ),
        scratch_types=[
            pltpu.VMEM((IDXR, CH), jnp.int32),
            pltpu.VMEM((IDXR, CH), jnp.int32),
            pltpu.VMEM((CH, 2 * H), jnp.float32),
            pltpu.VMEM((CH, 2 * H), jnp.float32),
            pltpu.VMEM((CH, 2 * H), jnp.float32),
            pltpu.VMEM((CH, 2 * H), jnp.float32),
            pltpu.VMEM((CH, D), jnp.float32),
            pltpu.VMEM((CH, D), jnp.float32),
            pltpu.VMEM((CH, D), jnp.float32),
            pltpu.VMEM((CH, D), jnp.float32),
            pltpu.VMEM((CH, 2 * H), jnp.float32),
            pltpu.VMEM((CH, 2 * H), jnp.float32),
            pltpu.VMEM((16,), jnp.float32),
            pltpu.VMEM_SHARED((NACC, D), jnp.float32),
            pltpu.VMEM_SHARED((NACC, 2 * H), jnp.float32),
            pltpu.SemaphoreType.DMA,
            pltpu.SemaphoreType.DMA,
            pltpu.SemaphoreType.DMA,
            pltpu.SemaphoreType.DMA,
            pltpu.SemaphoreType.DMA,
            pltpu.SemaphoreType.DMA,
        ],
    )


def _sc_edge(h2, as2, ad2, src_w, dst_w, src_r, dst_r, cexp2, zn, zd):
    src4 = jnp.stack([src_w.reshape(NS, NCHUNK, CH),
                      src_r.reshape(NS, NCHUNK, CH)])
    dst4 = jnp.stack([dst_w.reshape(NS, NCHUNK, CH),
                      dst_r.reshape(NS, NCHUNK, CH)])
    return _sc_edge_call()(h2, as2, ad2, src4, dst4, cexp2, zn, zd)


def _epilogue_body(num, den, sel, wl, bl, yp_o, ya_o):
    s = sel[...]
    wlin = wl[...]
    blin = bl[...]
    for rel, ref in ((0, yp_o), (1, ya_o)):
        n = num[rel]
        d = den[rel, :, 0:8]
        inv = 1.0 / (d + 1e-16)
        out = jnp.maximum(
            n * jnp.dot(inv, s, preferred_element_type=jnp.float32), 0.0)
        ref[...] = jnp.dot(out, wlin, preferred_element_type=jnp.float32) + blin


def _epilogue(num2, den2, sel, wl, bl):
    return pl.pallas_call(
        _epilogue_body,
        grid=(_GRID,),
        in_specs=[
            pl.BlockSpec((NC, _BLK, D), lambda i: (0, i, 0)),
            pl.BlockSpec((NC, _BLK, 2 * H), lambda i: (0, i, 0)),
            pl.BlockSpec((H, D), lambda i: (0, 0)),
            pl.BlockSpec((D, D), lambda i: (0, 0)),
            pl.BlockSpec((1, D), lambda i: (0, 0)),
        ],
        out_specs=[
            pl.BlockSpec((_BLK, D), lambda i: (i, 0)),
            pl.BlockSpec((_BLK, D), lambda i: (i, 0)),
        ],
        out_shape=[
            jax.ShapeDtypeStruct((N, D), jnp.float32),
            jax.ShapeDtypeStruct((N, D), jnp.float32),
        ],
    )(num2, den2, sel, wl, bl)


def _blockdiag(att):
    flat = att.reshape(D)
    rows = jnp.arange(D)
    return jnp.zeros((D, H), jnp.float32).at[rows, rows // DH].set(flat)


def kernel(x_author, x_paper, edge_index_writes, edge_index_rev,
           W_proj_author, b_proj_author, W_proj_paper, b_proj_paper,
           att_src_writes, att_dst_writes, att_src_rev, att_dst_rev,
           q, Wk, bk, W_lin, b_lin):
    a_sw = _blockdiag(att_src_writes)
    a_dw = _blockdiag(att_dst_writes)
    a_sr = _blockdiag(att_src_rev)
    a_dr = _blockdiag(att_dst_rev)

    h2, as2, ad2, mx = _prologue(
        x_author, x_paper,
        W_proj_author, b_proj_author.reshape(1, D),
        W_proj_paper, b_proj_paper.reshape(1, D),
        a_sw, a_dw, a_sr, a_dr)

    m_w = mx[0, 0:8] + mx[1, 0:8]
    m_r = mx[2, 0:8] + mx[3, 0:8]
    cexp_w = jnp.exp(-jnp.maximum(m_w, 0.2 * m_w))
    cexp_r = jnp.exp(-jnp.maximum(m_r, 0.2 * m_r))
    cexp_w = jnp.concatenate([cexp_w, cexp_w])
    cexp_r = jnp.concatenate([cexp_r, cexp_r])

    zn = jnp.zeros((NACC, D), jnp.float32)
    zd = jnp.zeros((NACC, 2 * H), jnp.float32)
    cexp2 = jnp.stack([cexp_w, cexp_r])

    num2, den2 = _sc_edge(h2, as2, ad2,
                          edge_index_writes[0], edge_index_writes[1],
                          edge_index_rev[0], edge_index_rev[1],
                          cexp2, zn, zd)

    sel = jnp.kron(jnp.eye(H, dtype=jnp.float32),
                   jnp.ones((1, DH), jnp.float32))
    y_paper, y_author = _epilogue(num2, den2, sel, W_lin, b_lin.reshape(1, D))
    return y_author, y_paper

# --- scband reference (transcript-rebuilt; emitter-appended) ---
"""Pipeline reference for scband-han-38104949850441 (READ-ONLY COPY).

The authoritative reference and input builder live on the scoring server;
editing this copy changes nothing except your own understanding.
"""

import jax, jax.numpy as jnp
import numpy as np

N_AUTHOR = 10000
N_PAPER = 10000
E = 320000
D_IN = 128
HID = 128
OUT = 128
H = 8
DH = HID // H


def _uniform(key, shape, fan_in):
    s = 1.0 / np.sqrt(fan_in)
    return jax.random.uniform(key, shape, jnp.float32, -s, s)


def edge_softmax(alpha, dst, num_dst):
    amax = jax.ops.segment_max(alpha, dst, num_segments=num_dst)
    amax = jnp.where(jnp.isfinite(amax), amax, 0.0)
    ea = jnp.exp(alpha - amax[dst])
    denom = jax.ops.segment_sum(ea, dst, num_segments=num_dst)
    return ea / (denom[dst] + 1e-16)


def setup_inputs(seed: int = 0) -> dict:
    key = jax.random.key(seed)
    ks = jax.random.split(key, 20)
    inp = {}
    inp["x_author"] = jax.random.normal(ks[0], (N_AUTHOR, D_IN), dtype=jnp.float32)
    inp["x_paper"] = jax.random.normal(ks[1], (N_PAPER, D_IN), dtype=jnp.float32)
    # edge_index[0] = src indices, edge_index[1] = dst indices (both node types have 10000 nodes)
    inp["edge_index_writes"] = jax.random.randint(ks[2], (2, E), 0, N_PAPER, dtype=jnp.int32)
    inp["edge_index_rev"] = jax.random.randint(ks[3], (2, E), 0, N_AUTHOR, dtype=jnp.int32)
    # per-node-type input projections (HANConv.proj)
    inp["W_proj_author"] = _uniform(ks[4], (D_IN, HID), D_IN)
    inp["b_proj_author"] = _uniform(ks[5], (HID,), D_IN)
    inp["W_proj_paper"] = _uniform(ks[6], (D_IN, HID), D_IN)
    inp["b_proj_paper"] = _uniform(ks[7], (HID,), D_IN)
    # per-edge-type attention vectors (lin_src / lin_dst), shape [H, DH]
    inp["att_src_writes"] = _uniform(ks[8], (H, DH), DH)
    inp["att_dst_writes"] = _uniform(ks[9], (H, DH), DH)
    inp["att_src_rev"] = _uniform(ks[10], (H, DH), DH)
    inp["att_dst_rev"] = _uniform(ks[11], (H, DH), DH)
    # semantic-level attention (q, k_lin)
    inp["q"] = _uniform(ks[12], (HID,), HID)
    inp["Wk"] = _uniform(ks[13], (HID, HID), HID)
    inp["bk"] = _uniform(ks[14], (HID,), HID)
    # final output projection (HAN.lin)
    inp["W_lin"] = _uniform(ks[15], (HID, OUT), HID)
    inp["b_lin"] = _uniform(ks[16], (OUT,), HID)
    return inp


def reference(x_author, x_paper, edge_index_writes, edge_index_rev,
              W_proj_author, b_proj_author, W_proj_paper, b_proj_paper,
              att_src_writes, att_dst_writes, att_src_rev, att_dst_rev,
              q, Wk, bk, W_lin, b_lin):
    # eval mode: dropout is identity
    h_author = (x_author @ W_proj_author + b_proj_author).reshape(N_AUTHOR, H, DH)
    h_paper = (x_paper @ W_proj_paper + b_proj_paper).reshape(N_PAPER, H, DH)

    def conv(x_src_h, x_dst_h, ei, a_s, a_d, n_dst):
        src, dst = ei[0], ei[1]
        alpha_src = (x_src_h * a_s[None, :, :]).sum(-1)  # [N_src, H]
        alpha_dst = (x_dst_h * a_d[None, :, :]).sum(-1)  # [N_dst, H]
        alpha = alpha_src[src] + alpha_dst[dst]          # [E, H]
        alpha = jax.nn.leaky_relu(alpha, 0.2)
        alpha = edge_softmax(alpha, dst, n_dst)
        msg = (x_src_h[src] * alpha[:, :, None]).reshape(-1, HID)
        out = jax.ops.segment_sum(msg, dst, num_segments=n_dst)
        return jax.nn.relu(out)

    out_paper = conv(h_author, h_paper, edge_index_writes, att_src_writes, att_dst_writes, N_PAPER)
    out_author = conv(h_paper, h_author, edge_index_rev, att_src_rev, att_dst_rev, N_AUTHOR)

    def group(xs):
        out = jnp.stack(xs)                                   # [M, N, HID]
        score = (q * jnp.tanh(out @ Wk + bk).mean(axis=1)).sum(-1)  # [M]
        attn = jax.nn.softmax(score, axis=0)
        return (attn[:, None, None] * out).sum(0)

    z_author = group([out_author])
    z_paper = group([out_paper])
    y_author = z_author @ W_lin + b_lin
    y_paper = z_paper @ W_lin + b_lin
    return y_author, y_paper

if __name__ == "__main__":
    import jax
    _d = setup_inputs()
    print(jax.jit(kernel)(*tuple(_d.values())))

</pallas_src>

<mosaic_0001>
#map = affine_map<(d0, d1) -> (0, 0, 0)>
#map1 = affine_map<(d0, d1) -> (0, 0, 0, 0)>
#map2 = affine_map<(d0, d1) -> (0, 0)>
module attributes {stable_mosaic.version = 14 : i64} {
  func.func @_sc_edge_body(%arg0: i32, %arg1: i32, %arg2: memref<2x10000x128xf32, #tpu.memory_space<hbm>>, %arg3: memref<2x10000x16xf32, #tpu.memory_space<hbm>>, %arg4: memref<2x10000x16xf32, #tpu.memory_space<hbm>>, %arg5: memref<2x16x400x50xi32, #tpu.memory_space<hbm>>, %arg6: memref<2x16x400x50xi32, #tpu.memory_space<hbm>>, %arg7: memref<2x16xf32, #tpu.memory_space<hbm>>, %arg8: memref<10008x128xf32, #tpu.memory_space<hbm>>, %arg9: memref<10008x16xf32, #tpu.memory_space<hbm>>, %arg10: memref<2x10000x128xf32, #tpu.memory_space<hbm>>, %arg11: memref<2x10000x16xf32, #tpu.memory_space<hbm>>, %arg12: memref<6x50xi32, #tpu.memory_space<vmem>>, %arg13: memref<6x50xi32, #tpu.memory_space<vmem>>, %arg14: memref<50x16xf32, #tpu.memory_space<vmem>>, %arg15: memref<50x16xf32, #tpu.memory_space<vmem>>, %arg16: memref<50x16xf32, #tpu.memory_space<vmem>>, %arg17: memref<50x16xf32, #tpu.memory_space<vmem>>, %arg18: memref<50x128xf32, #tpu.memory_space<vmem>>, %arg19: memref<50x128xf32, #tpu.memory_space<vmem>>, %arg20: memref<50x128xf32, #tpu.memory_space<vmem>>, %arg21: memref<50x128xf32, #tpu.memory_space<vmem>>, %arg22: memref<50x16xf32, #tpu.memory_space<vmem>>, %arg23: memref<50x16xf32, #tpu.memory_space<vmem>>, %arg24: memref<16xf32, #tpu.memory_space<vmem>>, %arg25: memref<10008x128xf32, #tpu.memory_space<vmem_shared>>, %arg26: memref<10008x16xf32, #tpu.memory_space<vmem_shared>>, %arg27: memref<!tpu.dma_semaphore, #tpu.memory_space<semaphore_mem>>, %arg28: memref<!tpu.dma_semaphore, #tpu.memory_space<semaphore_mem>>, %arg29: memref<!tpu.dma_semaphore, #tpu.memory_space<semaphore_mem>>, %arg30: memref<!tpu.dma_semaphore, #tpu.memory_space<semaphore_mem>>, %arg31: memref<!tpu.dma_semaphore, #tpu.memory_space<semaphore_mem>>, %arg32: memref<!tpu.dma_semaphore, #tpu.memory_space<semaphore_mem>>) attributes {dimension_semantics = [#tpu.dimension_semantics<core_parallel>, #tpu.dimension_semantics<subcore_parallel>], iteration_bounds = array<i64: 2, 16>, scalar_prefetch = 0 : i64, scratch_operands = 21 : i64, tpu.core_type = #tpu.core_type<sc_vector_subcore>, window_params = [{transform_indices = #map}, {transform_indices = #map}, {transform_indices = #map}, {transform_indices = #map1}, {transform_indices = #map1}, {transform_indices = #map2}, {transform_indices = #map2}, {transform_indices = #map2}, {transform_indices = #map}, {transform_indices = #map}]} {
    %mul3A = arith.constant 624 : i32
    %mul3A_0 = arith.muli %arg1, %mul3A : i32
    "tpu.region"() ({
      %run_scoped3A = tpu.sem_alloc : memref<!tpu.dma_semaphore, #tpu.memory_space<semaphore_mem>>
      %dma_start3A_286 = arith.constant 0 : i32
      %dma_start3A_287 = tpu.memref_slice %arg7[%arg0, %dma_start3A_286] : memref<2x16xf32, #tpu.memory_space<hbm>> -> memref<1x16xf32, #tpu.memory_space<hbm>>
      %dma_start3A_288 = tpu.memref_squeeze %dma_start3A_287 : memref<1x16xf32, #tpu.memory_space<hbm>> -> memref<16xf32, #tpu.memory_space<hbm>>
      %dma_start3A_289 = arith.constant 0 : i32
      %dma_start3A_290 = tpu.memref_slice %arg7[%arg0, %dma_start3A_289] : memref<2x16xf32, #tpu.memory_space<hbm>> -> memref<1x16xf32, #tpu.memory_space<hbm>>
      %dma_start3A_291 = tpu.memref_squeeze %dma_start3A_290 : memref<1x16xf32, #tpu.memory_space<hbm>> -> memref<16xf32, #tpu.memory_space<hbm>>
      tpu.enqueue_dma source(%dma_start3A_291 : memref<16xf32, #tpu.memory_space<hbm>>) target(%arg24 : memref<16xf32, #tpu.memory_space<vmem>>) target_semaphore(%run_scoped3A : memref<!tpu.dma_semaphore, #tpu.memory_space<semaphore_mem>>)
      %dma_wait3A_292 = arith.constant 0 : i32
      %dma_wait3A_293 = tpu.memref_slice %arg7[%arg0, %dma_wait3A_292] : memref<2x16xf32, #tpu.memory_space<hbm>> -> memref<1x16xf32, #tpu.memory_space<hbm>>
      %dma_wait3A_294 = tpu.memref_squeeze %dma_wait3A_293 : memref<1x16xf32, #tpu.memory_space<hbm>> -> memref<16xf32, #tpu.memory_space<hbm>>
      %dma_wait3A_295 = arith.constant 0 : i32
      %dma_wait3A_296 = tpu.memref_slice %arg7[%arg0, %dma_wait3A_295] : memref<2x16xf32, #tpu.memory_space<hbm>> -> memref<1x16xf32, #tpu.memory_space<hbm>>
      %dma_wait3A_297 = tpu.memref_squeeze %dma_wait3A_296 : memref<1x16xf32, #tpu.memory_space<hbm>> -> memref<16xf32, #tpu.memory_space<hbm>>
      tpu.wait_dma2 semaphore(%run_scoped3A : memref<!tpu.dma_semaphore, #tpu.memory_space<semaphore_mem>>) src(%dma_wait3A_297 : memref<16xf32, #tpu.memory_space<hbm>>) dst(%arg24 : memref<16xf32, #tpu.memory_space<vmem>>)
      tpu.yield
    }) : () -> ()
    %dma_start3A = arith.constant 0 : i32
    %dma_start3A_1 = arith.constant 0 : i32
    %dma_start3A_2 = arith.constant 0 : i32
    %dma_start3A_3 = tpu.memref_slice %arg12[%dma_start3A_1, %dma_start3A_2] : memref<6x50xi32, #tpu.memory_space<vmem>> -> memref<1x50xi32, #tpu.memory_space<vmem>>
    %dma_start3A_4 = tpu.memref_squeeze %dma_start3A_3 : memref<1x50xi32, #tpu.memory_space<vmem>> -> memref<50xi32, #tpu.memory_space<vmem>>
    %dma_start3A_5 = arith.constant 0 : i32
    %dma_start3A_6 = tpu.memref_slice %arg5[%arg0, %arg1, %dma_start3A, %dma_start3A_5] : memref<2x16x400x50xi32, #tpu.memory_space<hbm>> -> memref<1x1x1x50xi32, #tpu.memory_space<hbm>>
    %dma_start3A_7 = tpu.memref_squeeze %dma_start3A_6 : memref<1x1x1x50xi32, #tpu.memory_space<hbm>> -> memref<50xi32, #tpu.memory_space<hbm>>
    %dma_start3A_8 = arith.constant 0 : i32
    %dma_start3A_9 = tpu.memref_slice %arg12[%dma_start3A_1, %dma_start3A_8] : memref<6x50xi32, #tpu.memory_space<vmem>> -> memref<1x50xi32, #tpu.memory_space<vmem>>
    %dma_start3A_10 = tpu.memref_squeeze %dma_start3A_9 : memref<1x50xi32, #tpu.memory_space<vmem>> -> memref<50xi32, #tpu.memory_space<vmem>>
    %dma_start3A_11 = arith.constant 0 : i32
    %dma_start3A_12 = tpu.memref_slice %arg5[%arg0, %arg1, %dma_start3A, %dma_start3A_11] : memref<2x16x400x50xi32, #tpu.memory_space<hbm>> -> memref<1x1x1x50xi32, #tpu.memory_space<hbm>>
    %dma_start3A_13 = tpu.memref_squeeze %dma_start3A_12 : memref<1x1x1x50xi32, #tpu.memory_space<hbm>> -> memref<50xi32, #tpu.memory_space<hbm>>
    tpu.enqueue_dma source(%dma_start3A_13 : memref<50xi32, #tpu.memory_space<hbm>>) target(%dma_start3A_10 : memref<50xi32, #tpu.memory_space<vmem>>) target_semaphore(%arg31 : memref<!tpu.dma_semaphore, #tpu.memory_space<semaphore_mem>>)
    %dma_start3A_14 = arith.constant 0 : i32
    %dma_start3A_15 = arith.constant 0 : i32
    %dma_start3A_16 = arith.constant 0 : i32
    %dma_start3A_17 = tpu.memref_slice %arg13[%dma_start3A_15, %dma_start3A_16] : memref<6x50xi32, #tpu.memory_space<vmem>> -> memref<1x50xi32, #tpu.memory_space<vmem>>
    %dma_start3A_18 = tpu.memref_squeeze %dma_start3A_17 : memref<1x50xi32, #tpu.memory_space<vmem>> -> memref<50xi32, #tpu.memory_space<vmem>>
    %dma_start3A_19 = arith.constant 0 : i32
    %dma_start3A_20 = tpu.memref_slice %arg6[%arg0, %arg1, %dma_start3A_14, %dma_start3A_19] : memref<2x16x400x50xi32, #tpu.memory_space<hbm>> -> memref<1x1x1x50xi32, #tpu.memory_space<hbm>>
    %dma_start3A_21 = tpu.memref_squeeze %dma_start3A_20 : memref<1x1x1x50xi32, #tpu.memory_space<hbm>> -> memref<50xi32, #tpu.memory_space<hbm>>
    %dma_start3A_22 = arith.constant 0 : i32
    %dma_start3A_23 = tpu.memref_slice %arg13[%dma_start3A_15, %dma_start3A_22] : memref<6x50xi32, #tpu.memory_space<vmem>> -> memref<1x50xi32, #tpu.memory_space<vmem>>
    %dma_start3A_24 = tpu.memref_squeeze %dma_start3A_23 : memref<1x50xi32, #tpu.memory_space<vmem>> -> memref<50xi32, #tpu.memory_space<vmem>>
    %dma_start3A_25 = arith.constant 0 : i32
    %dma_start3A_26 = tpu.memref_slice %arg6[%arg0, %arg1, %dma_start3A_14, %dma_start3A_25] : memref<2x16x400x50xi32, #tpu.memory_space<hbm>> -> memref<1x1x1x50xi32, #tpu.memory_space<hbm>>
    %dma_start3A_27 = tpu.memref_squeeze %dma_start3A_26 : memref<1x1x1x50xi32, #tpu.memory_space<hbm>> -> memref<50xi32, #tpu.memory_space<hbm>>
    tpu.enqueue_dma source(%dma_start3A_27 : memref<50xi32, #tpu.memory_space<hbm>>) target(%dma_start3A_24 : memref<50xi32, #tpu.memory_space<vmem>>) target_semaphore(%arg31 : memref<!tpu.dma_semaphore, #tpu.memory_space<semaphore_mem>>)
    %dma_start3A_28 = arith.constant 1 : i32
    %dma_start3A_29 = arith.constant 1 : i32
    %dma_start3A_30 = arith.constant 0 : i32
    %dma_start3A_31 = tpu.memref_slice %arg12[%dma_start3A_29, %dma_start3A_30] : memref<6x50xi32, #tpu.memory_space<vmem>> -> memref<1x50xi32, #tpu.memory_space<vmem>>
    %dma_start3A_32 = tpu.memref_squeeze %dma_start3A_31 : memref<1x50xi32, #tpu.memory_space<vmem>> -> memref<50xi32, #tpu.memory_space<vmem>>
    %dma_start3A_33 = arith.constant 0 : i32
    %dma_start3A_34 = tpu.memref_slice %arg5[%arg0, %arg1, %dma_start3A_28, %dma_start3A_33] : memref<2x16x400x50xi32, #tpu.memory_space<hbm>> -> memref<1x1x1x50xi32, #tpu.memory_space<hbm>>
    %dma_start3A_35 = tpu.memref_squeeze %dma_start3A_34 : memref<1x1x1x50xi32, #tpu.memory_space<hbm>> -> memref<50xi32, #tpu.memory_space<hbm>>
    %dma_start3A_36 = arith.constant 0 : i32
    %dma_start3A_37 = tpu.memref_slice %arg12[%dma_start3A_29, %dma_start3A_36] : memref<6x50xi32, #tpu.memory_space<vmem>> -> memref<1x50xi32, #tpu.memory_space<vmem>>
    %dma_start3A_38 = tpu.memref_squeeze %dma_start3A_37 : memref<1x50xi32, #tpu.memory_space<vmem>> -> memref<50xi32, #tpu.memory_space<vmem>>
    %dma_start3A_39 = arith.constant 0 : i32
    %dma_start3A_40 = tpu.memref_slice %arg5[%arg0, %arg1, %dma_start3A_28, %dma_start3A_39] : memref<2x16x400x50xi32, #tpu.memory_space<hbm>> -> memref<1x1x1x50xi32, #tpu.memory_space<hbm>>
    %dma_start3A_41 = tpu.memref_squeeze %dma_start3A_40 : memref<1x1x1x50xi32, #tpu.memory_space<hbm>> -> memref<50xi32, #tpu.memory_space<hbm>>
    tpu.enqueue_dma source(%dma_start3A_41 : memref<50xi32, #tpu.memory_space<hbm>>) target(%dma_start3A_38 : memref<50xi32, #tpu.memory_space<vmem>>) target_semaphore(%arg32 : memref<!tpu.dma_semaphore, #tpu.memory_space<semaphore_mem>>)
    %dma_start3A_42 = arith.constant 1 : i32
    %dma_start3A_43 = arith.constant 1 : i32
    %dma_start3A_44 = arith.constant 0 : i32
    %dma_start3A_45 = tpu.memref_slice %arg13[%dma_start3A_43, %dma_start3A_44] : memref<6x50xi32, #tpu.memory_space<vmem>> -> memref<1x50xi32, #tpu.memory_space<vmem>>
    %dma_start3A_46 = tpu.memref_squeeze %dma_start3A_45 : memref<1x50xi32, #tpu.memory_space<vmem>> -> memref<50xi32, #tpu.memory_space<vmem>>
    %dma_start3A_47 = arith.constant 0 : i32
    %dma_start3A_48 = tpu.memref_slice %arg6[%arg0, %arg1, %dma_start3A_42, %dma_start3A_47] : memref<2x16x400x50xi32, #tpu.memory_space<hbm>> -> memref<1x1x1x50xi32, #tpu.memory_space<hbm>>
    %dma_start3A_49 = tpu.memref_squeeze %dma_start3A_48 : memref<1x1x1x50xi32, #tpu.memory_space<hbm>> -> memref<50xi32, #tpu.memory_space<hbm>>
    %dma_start3A_50 = arith.constant 0 : i32
    %dma_start3A_51 = tpu.memref_slice %arg13[%dma_start3A_43, %dma_start3A_50] : memref<6x50xi32, #tpu.memory_space<vmem>> -> memref<1x50xi32, #tpu.memory_space<vmem>>
    %dma_start3A_52 = tpu.memref_squeeze %dma_start3A_51 : memref<1x50xi32, #tpu.memory_space<vmem>> -> memref<50xi32, #tpu.memory_space<vmem>>
    %dma_start3A_53 = arith.constant 0 : i32
    %dma_start3A_54 = tpu.memref_slice %arg6[%arg0, %arg1, %dma_start3A_42, %dma_start3A_53] : memref<2x16x400x50xi32, #tpu.memory_space<hbm>> -> memref<1x1x1x50xi32, #tpu.memory_space<hbm>>
    %dma_start3A_55 = tpu.memref_squeeze %dma_start3A_54 : memref<1x1x1x50xi32, #tpu.memory_space<hbm>> -> memref<50xi32, #tpu.memory_space<hbm>>
    tpu.enqueue_dma source(%dma_start3A_55 : memref<50xi32, #tpu.memory_space<hbm>>) target(%dma_start3A_52 : memref<50xi32, #tpu.memory_space<vmem>>) target_semaphore(%arg32 : memref<!tpu.dma_semaphore, #tpu.memory_space<semaphore_mem>>)
    %dma_wait3A = arith.constant 0 : i32
    %dma_wait3A_56 = arith.constant 0 : i32
    %dma_wait3A_57 = arith.constant 0 : i32
    %dma_wait3A_58 = arith.constant 0 : i32
    %dma_wait3A_59 = arith.constant 0 : i32
    %dma_wait3A_60 = tpu.memref_slice %arg12[%dma_wait3A_58, %dma_wait3A_59] : memref<6x50xi32, #tpu.memory_space<vmem>> -> memref<1x50xi32, #tpu.memory_space<vmem>>
    %dma_wait3A_61 = tpu.memref_squeeze %dma_wait3A_60 : memref<1x50xi32, #tpu.memory_space<vmem>> -> memref<50xi32, #tpu.memory_space<vmem>>
    %dma_wait3A_62 = arith.constant 0 : i32
    %dma_wait3A_63 = tpu.memref_slice %arg5[%dma_wait3A, %dma_wait3A_56, %dma_wait3A_57, %dma_wait3A_62] : memref<2x16x400x50xi32, #tpu.memory_space<hbm>> -> memref<1x1x1x50xi32, #tpu.memory_space<hbm>>
    %dma_wait3A_64 = tpu.memref_squeeze %dma_wait3A_63 : memref<1x1x1x50xi32, #tpu.memory_space<hbm>> -> memref<50xi32, #tpu.memory_space<hbm>>
    %dma_wait3A_65 = arith.constant 0 : i32
    %dma_wait3A_66 = tpu.memref_slice %arg12[%dma_wait3A_58, %dma_wait3A_65] : memref<6x50xi32, #tpu.memory_space<vmem>> -> memref<1x50xi32, #tpu.memory_space<vmem>>
    %dma_wait3A_67 = tpu.memref_squeeze %dma_wait3A_66 : memref<1x50xi32, #tpu.memory_space<vmem>> -> memref<50xi32, #tpu.memory_space<vmem>>
    %dma_wait3A_68 = arith.constant 0 : i32
    %dma_wait3A_69 = tpu.memref_slice %arg5[%dma_wait3A, %dma_wait3A_56, %dma_wait3A_57, %dma_wait3A_68] : memref<2x16x400x50xi32, #tpu.memory_space<hbm>> -> memref<1x1x1x50xi32, #tpu.memory_space<hbm>>
    %dma_wait3A_70 = tpu.memref_squeeze %dma_wait3A_69 : memref<1x1x1x50xi32, #tpu.memory_space<hbm>> -> memref<50xi32, #tpu.memory_space<hbm>>
    tpu.wait_dma2 semaphore(%arg31 : memref<!tpu.dma_semaphore, #tpu.memory_space<semaphore_mem>>) src(%dma_wait3A_70 : memref<50xi32, #tpu.memory_space<hbm>>) dst(%dma_wait3A_67 : memref<50xi32, #tpu.memory_space<vmem>>)
    %dma_wait3A_71 = arith.constant 0 : i32
    %dma_wait3A_72 = arith.constant 0 : i32
    %dma_wait3A_73 = arith.constant 0 : i32
    %dma_wait3A_74 = arith.constant 0 : i32
    %dma_wait3A_75 = arith.constant 0 : i32
    %dma_wait3A_76 = tpu.memref_slice %arg13[%dma_wait3A_74, %dma_wait3A_75] : memref<6x50xi32, #tpu.memory_space<vmem>> -> memref<1x50xi32, #tpu.memory_space<vmem>>
    %dma_wait3A_77 = tpu.memref_squeeze %dma_wait3A_76 : memref<1x50xi32, #tpu.memory_space<vmem>> -> memref<50xi32, #tpu.memory_space<vmem>>
    %dma_wait3A_78 = arith.constant 0 : i32
    %dma_wait3A_79 = tpu.memref_slice %arg6[%dma_wait3A_71, %dma_wait3A_72, %dma_wait3A_73, %dma_wait3A_78] : memref<2x16x400x50xi32, #tpu.memory_space<hbm>> -> memref<1x1x1x50xi32, #tpu.memory_space<hbm>>
    %dma_wait3A_80 = tpu.memref_squeeze %dma_wait3A_79 : memref<1x1x1x50xi32, #tpu.memory_space<hbm>> -> memref<50xi32, #tpu.memory_space<hbm>>
    %dma_wait3A_81 = arith.constant 0 : i32
    %dma_wait3A_82 = tpu.memref_slice %arg13[%dma_wait3A_74, %dma_wait3A_81] : memref<6x50xi32, #tpu.memory_space<vmem>> -> memref<1x50xi32, #tpu.memory_space<vmem>>
    %dma_wait3A_83 = tpu.memref_squeeze %dma_wait3A_82 : memref<1x50xi32, #tpu.memory_space<vmem>> -> memref<50xi32, #tpu.memory_space<vmem>>
    %dma_wait3A_84 = arith.constant 0 : i32
    %dma_wait3A_85 = tpu.memref_slice %arg6[%dma_wait3A_71, %dma_wait3A_72, %dma_wait3A_73, %dma_wait3A_84] : memref<2x16x400x50xi32, #tpu.memory_space<hbm>> -> memref<1x1x1x50xi32, #tpu.memory_space<hbm>>
    %dma_wait3A_86 = tpu.memref_squeeze %dma_wait3A_85 : memref<1x1x1x50xi32, #tpu.memory_space<hbm>> -> memref<50xi32, #tpu.memory_space<hbm>>
    tpu.wait_dma2 semaphore(%arg31 : memref<!tpu.dma_semaphore, #tpu.memory_space<semaphore_mem>>) src(%dma_wait3A_86 : memref<50xi32, #tpu.memory_space<hbm>>) dst(%dma_wait3A_83 : memref<50xi32, #tpu.memory_space<vmem>>)
    %dma_start3A_87 = arith.constant 0 : i32
    %dma_start3A_88 = arith.constant 0 : i32
    %dma_start3A_89 = tpu.memref_slice %arg12[%dma_start3A_87, %dma_start3A_88] : memref<6x50xi32, #tpu.memory_space<vmem>> -> memref<1x50xi32, #tpu.memory_space<vmem>>
    %dma_start3A_90 = tpu.memref_squeeze %dma_start3A_89 : memref<1x50xi32, #tpu.memory_space<vmem>> -> memref<50xi32, #tpu.memory_space<vmem>>
    %dma_start3A_91 = arith.constant 0 : i32
    %dma_start3A_92 = arith.constant 0 : i32
    %dma_start3A_93 = tpu.memref_slice %arg3[%arg0, %dma_start3A_91, %dma_start3A_92] : memref<2x10000x16xf32, #tpu.memory_space<hbm>> -> memref<1x10000x16xf32, #tpu.memory_space<hbm>>
    %dma_start3A_94 = tpu.memref_squeeze %dma_start3A_93 : memref<1x10000x16xf32, #tpu.memory_space<hbm>> -> memref<10000x16xf32, #tpu.memory_space<hbm>>
    %dma_start3A_95 = arith.constant 0 : i32
    %dma_start3A_96 = arith.constant 0 : i32
    %dma_start3A_97 = tpu.memref_slice %dma_start3A_94[%dma_start3A_95, %dma_start3A_96] : memref<10000x16xf32, #tpu.memory_space<hbm>> -> memref<10000x16xf32, #tpu.memory_space<hbm>>
    tpu.enqueue_indirect_dma source(%dma_start3A_97 : memref<10000x16xf32, #tpu.memory_space<hbm>>) target(%arg14 : memref<50x16xf32, #tpu.memory_space<vmem>>) offsets(%dma_start3A_90 : memref<50xi32, #tpu.memory_space<vmem>>) semaphore(%arg27 : memref<!tpu.dma_semaphore, #tpu.memory_space<semaphore_mem>>)
    %dma_start3A_98 = arith.constant 0 : i32
    %dma_start3A_99 = arith.constant 0 : i32
    %dma_start3A_100 = tpu.memref_slice %arg13[%dma_start3A_98, %dma_start3A_99] : memref<6x50xi32, #tpu.memory_space<vmem>> -> memref<1x50xi32, #tpu.memory_space<vmem>>
    %dma_start3A_101 = tpu.memref_squeeze %dma_start3A_100 : memref<1x50xi32, #tpu.memory_space<vmem>> -> memref<50xi32, #tpu.memory_space<vmem>>
    %dma_start3A_102 = arith.constant 0 : i32
    %dma_start3A_103 = arith.constant 0 : i32
    %dma_start3A_104 = tpu.memref_slice %arg4[%arg0, %dma_start3A_102, %dma_start3A_103] : memref<2x10000x16xf32, #tpu.memory_space<hbm>> -> memref<1x10000x16xf32, #tpu.memory_space<hbm>>
    %dma_start3A_105 = tpu.memref_squeeze %dma_start3A_104 : memref<1x10000x16xf32, #tpu.memory_space<hbm>> -> memref<10000x16xf32, #tpu.memory_space<hbm>>
    %dma_start3A_106 = arith.constant 0 : i32
    %dma_start3A_107 = arith.constant 0 : i32
    %dma_start3A_108 = tpu.memref_slice %dma_start3A_105[%dma_start3A_106, %dma_start3A_107] : memref<10000x16xf32, #tpu.memory_space<hbm>> -> memref<10000x16xf32, #tpu.memory_space<hbm>>
    tpu.enqueue_indirect_dma source(%dma_start3A_108 : memref<10000x16xf32, #tpu.memory_space<hbm>>) target(%arg16 : memref<50x16xf32, #tpu.memory_space<vmem>>) offsets(%dma_start3A_101 : memref<50xi32, #tpu.memory_space<vmem>>) semaphore(%arg27 : memref<!tpu.dma_semaphore, #tpu.memory_space<semaphore_mem>>)
    %dma_start3A_109 = arith.constant 0 : i32
    %dma_start3A_110 = arith.constant 0 : i32
    %dma_start3A_111 = tpu.memref_slice %arg12[%dma_start3A_109, %dma_start3A_110] : memref<6x50xi32, #tpu.memory_space<vmem>> -> memref<1x50xi32, #tpu.memory_space<vmem>>
    %dma_start3A_112 = tpu.memref_squeeze %dma_start3A_111 : memref<1x50xi32, #tpu.memory_space<vmem>> -> memref<50xi32, #tpu.memory_space<vmem>>
    %dma_start3A_113 = arith.constant 0 : i32
    %dma_start3A_114 = arith.constant 0 : i32
    %dma_start3A_115 = tpu.memref_slice %arg2[%arg0, %dma_start3A_113, %dma_start3A_114] : memref<2x10000x128xf32, #tpu.memory_space<hbm>> -> memref<1x10000x128xf32, #tpu.memory_space<hbm>>
    %dma_start3A_116 = tpu.memref_squeeze %dma_start3A_115 : memref<1x10000x128xf32, #tpu.memory_space<hbm>> -> memref<10000x128xf32, #tpu.memory_space<hbm>>
    %dma_start3A_117 = arith.constant 0 : i32
    %dma_start3A_118 = arith.constant 0 : i32
    %dma_start3A_119 = tpu.memref_slice %dma_start3A_116[%dma_start3A_117, %dma_start3A_118] : memref<10000x128xf32, #tpu.memory_space<hbm>> -> memref<10000x128xf32, #tpu.memory_space<hbm>>
    tpu.enqueue_indirect_dma source(%dma_start3A_119 : memref<10000x128xf32, #tpu.memory_space<hbm>>) target(%arg18 : memref<50x128xf32, #tpu.memory_space<vmem>>) offsets(%dma_start3A_112 : memref<50xi32, #tpu.memory_space<vmem>>) semaphore(%arg27 : memref<!tpu.dma_semaphore, #tpu.memory_space<semaphore_mem>>)
    %dma_wait3A_120 = arith.constant 0 : i32
    %dma_wait3A_121 = arith.constant 0 : i32
    %dma_wait3A_122 = arith.constant 0 : i32
    %dma_wait3A_123 = arith.constant 0 : i32
    %dma_wait3A_124 = arith.constant 0 : i32
    %dma_wait3A_125 = tpu.memref_slice %arg12[%dma_wait3A_123, %dma_wait3A_124] : memref<6x50xi32, #tpu.memory_space<vmem>> -> memref<1x50xi32, #tpu.memory_space<vmem>>
    %dma_wait3A_126 = tpu.memref_squeeze %dma_wait3A_125 : memref<1x50xi32, #tpu.memory_space<vmem>> -> memref<50xi32, #tpu.memory_space<vmem>>
    %dma_wait3A_127 = arith.constant 0 : i32
    %dma_wait3A_128 = tpu.memref_slice %arg5[%dma_wait3A_120, %dma_wait3A_121, %dma_wait3A_122, %dma_wait3A_127] : memref<2x16x400x50xi32, #tpu.memory_space<hbm>> -> memref<1x1x1x50xi32, #tpu.memory_space<hbm>>
    %dma_wait3A_129 = tpu.memref_squeeze %dma_wait3A_128 : memref<1x1x1x50xi32, #tpu.memory_space<hbm>> -> memref<50xi32, #tpu.memory_space<hbm>>
    %dma_wait3A_130 = arith.constant 0 : i32
    %dma_wait3A_131 = tpu.memref_slice %arg12[%dma_wait3A_123, %dma_wait3A_130] : memref<6x50xi32, #tpu.memory_space<vmem>> -> memref<1x50xi32, #tpu.memory_space<vmem>>
    %dma_wait3A_132 = tpu.memref_squeeze %dma_wait3A_131 : memref<1x50xi32, #tpu.memory_space<vmem>> -> memref<50xi32, #tpu.memory_space<vmem>>
    %dma_wait3A_133 = arith.constant 0 : i32
    %dma_wait3A_134 = tpu.memref_slice %arg5[%dma_wait3A_120, %dma_wait3A_121, %dma_wait3A_122, %dma_wait3A_133] : memref<2x16x400x50xi32, #tpu.memory_space<hbm>> -> memref<1x1x1x50xi32, #tpu.memory_space<hbm>>
    %dma_wait3A_135 = tpu.memref_squeeze %dma_wait3A_134 : memref<1x1x1x50xi32, #tpu.memory_space<hbm>> -> memref<50xi32, #tpu.memory_space<hbm>>
    tpu.wait_dma2 semaphore(%arg32 : memref<!tpu.dma_semaphore, #tpu.memory_space<semaphore_mem>>) src(%dma_wait3A_135 : memref<50xi32, #tpu.memory_space<hbm>>) dst(%dma_wait3A_132 : memref<50xi32, #tpu.memory_space<vmem>>)
    %dma_wait3A_136 = arith.constant 0 : i32
    %dma_wait3A_137 = arith.constant 0 : i32
    %dma_wait3A_138 = arith.constant 0 : i32
    %dma_wait3A_139 = arith.constant 0 : i32
    %dma_wait3A_140 = arith.constant 0 : i32
    %dma_wait3A_141 = tpu.memref_slice %arg13[%dma_wait3A_139, %dma_wait3A_140] : memref<6x50xi32, #tpu.memory_space<vmem>> -> memref<1x50xi32, #tpu.memory_space<vmem>>
    %dma_wait3A_142 = tpu.memref_squeeze %dma_wait3A_141 : memref<1x50xi32, #tpu.memory_space<vmem>> -> memref<50xi32, #tpu.memory_space<vmem>>
    %dma_wait3A_143 = arith.constant 0 : i32
    %dma_wait3A_144 = tpu.memref_slice %arg6[%dma_wait3A_136, %dma_wait3A_137, %dma_wait3A_138, %dma_wait3A_143] : memref<2x16x400x50xi32, #tpu.memory_space<hbm>> -> memref<1x1x1x50xi32, #tpu.memory_space<hbm>>
    %dma_wait3A_145 = tpu.memref_squeeze %dma_wait3A_144 : memref<1x1x1x50xi32, #tpu.memory_space<hbm>> -> memref<50xi32, #tpu.memory_space<hbm>>
    %dma_wait3A_146 = arith.constant 0 : i32
    %dma_wait3A_147 = tpu.memref_slice %arg13[%dma_wait3A_139, %dma_wait3A_146] : memref<6x50xi32, #tpu.memory_space<vmem>> -> memref<1x50xi32, #tpu.memory_space<vmem>>
    %dma_wait3A_148 = tpu.memref_squeeze %dma_wait3A_147 : memref<1x50xi32, #tpu.memory_space<vmem>> -> memref<50xi32, #tpu.memory_space<vmem>>
    %dma_wait3A_149 = arith.constant 0 : i32
    %dma_wait3A_150 = tpu.memref_slice %arg6[%dma_wait3A_136, %dma_wait3A_137, %dma_wait3A_138, %dma_wait3A_149] : memref<2x16x400x50xi32, #tpu.memory_space<hbm>> -> memref<1x1x1x50xi32, #tpu.memory_space<hbm>>
    %dma_wait3A_151 = tpu.memref_squeeze %dma_wait3A_150 : memref<1x1x1x50xi32, #tpu.memory_space<hbm>> -> memref<50xi32, #tpu.memory_space<hbm>>
    tpu.wait_dma2 semaphore(%arg32 : memref<!tpu.dma_semaphore, #tpu.memory_space<semaphore_mem>>) src(%dma_wait3A_151 : memref<50xi32, #tpu.memory_space<hbm>>) dst(%dma_wait3A_148 : memref<50xi32, #tpu.memory_space<vmem>>)
    %dma_start3A_152 = arith.constant 1 : i32
    %dma_start3A_153 = arith.constant 0 : i32
    %dma_start3A_154 = tpu.memref_slice %arg12[%dma_start3A_152, %dma_start3A_153] : memref<6x50xi32, #tpu.memory_space<vmem>> -> memref<1x50xi32, #tpu.memory_space<vmem>>
    %dma_start3A_155 = tpu.memref_squeeze %dma_start3A_154 : memref<1x50xi32, #tpu.memory_space<vmem>> -> memref<50xi32, #tpu.memory_space<vmem>>
    %dma_start3A_156 = arith.constant 0 : i32
    %dma_start3A_157 = arith.constant 0 : i32
    %dma_start3A_158 = tpu.memref_slice %arg3[%arg0, %dma_start3A_156, %dma_start3A_157] : memref<2x10000x16xf32, #tpu.memory_space<hbm>> -> memref<1x10000x16xf32, #tpu.memory_space<hbm>>
    %dma_start3A_159 = tpu.memref_squeeze %dma_start3A_158 : memref<1x10000x16xf32, #tpu.memory_space<hbm>> -> memref<10000x16xf32, #tpu.memory_space<hbm>>
    %dma_start3A_160 = arith.constant 0 : i32
    %dma_start3A_161 = arith.constant 0 : i32
    %dma_start3A_162 = tpu.memref_slice %dma_start3A_159[%dma_start3A_160, %dma_start3A_161] : memref<10000x16xf32, #tpu.memory_space<hbm>> -> memref<10000x16xf32, #tpu.memory_space<hbm>>
    tpu.enqueue_indirect_dma source(%dma_start3A_162 : memref<10000x16xf32, #tpu.memory_space<hbm>>) target(%arg15 : memref<50x16xf32, #tpu.memory_space<vmem>>) offsets(%dma_start3A_155 : memref<50xi32, #tpu.memory_space<vmem>>) semaphore(%arg28 : memref<!tpu.dma_semaphore, #tpu.memory_space<semaphore_mem>>)
    %dma_start3A_163 = arith.constant 1 : i32
    %dma_start3A_164 = arith.constant 0 : i32
    %dma_start3A_165 = tpu.memref_slice %arg13[%dma_start3A_163, %dma_start3A_164] : memref<6x50xi32, #tpu.memory_space<vmem>> -> memref<1x50xi32, #tpu.memory_space<vmem>>
    %dma_start3A_166 = tpu.memref_squeeze %dma_start3A_165 : memref<1x50xi32, #tpu.memory_space<vmem>> -> memref<50xi32, #tpu.memory_space<vmem>>
    %dma_start3A_167 = arith.constant 0 : i32
    %dma_start3A_168 = arith.constant 0 : i32
    %dma_start3A_169 = tpu.memref_slice %arg4[%arg0, %dma_start3A_167, %dma_start3A_168] : memref<2x10000x16xf32, #tpu.memory_space<hbm>> -> memref<1x10000x16xf32, #tpu.memory_space<hbm>>
    %dma_start3A_170 = tpu.memref_squeeze %dma_start3A_169 : memref<1x10000x16xf32, #tpu.memory_space<hbm>> -> memref<10000x16xf32, #tpu.memory_space<hbm>>
    %dma_start3A_171 = arith.constant 0 : i32
    %dma_start3A_172 = arith.constant 0 : i32
    %dma_start3A_173 = tpu.memref_slice %dma_start3A_170[%dma_start3A_171, %dma_start3A_172] : memref<10000x16xf32, #tpu.memory_space<hbm>> -> memref<10000x16xf32, #tpu.memory_space<hbm>>
    tpu.enqueue_indirect_dma source(%dma_start3A_173 : memref<10000x16xf32, #tpu.memory_space<hbm>>) target(%arg17 : memref<50x16xf32, #tpu.memory_space<vmem>>) offsets(%dma_start3A_166 : memref<50xi32, #tpu.memory_space<vmem>>) semaphore(%arg28 : memref<!tpu.dma_semaphore, #tpu.memory_space<semaphore_mem>>)
    %dma_start3A_174 = arith.constant 1 : i32
    %dma_start3A_175 = arith.constant 0 : i32
    %dma_start3A_176 = tpu.memref_slice %arg12[%dma_start3A_174, %dma_start3A_175] : memref<6x50xi32, #tpu.memory_space<vmem>> -> memref<1x50xi32, #tpu.memory_space<vmem>>
    %dma_start3A_177 = tpu.memref_squeeze %dma_start3A_176 : memref<1x50xi32, #tpu.memory_space<vmem>> -> memref<50xi32, #tpu.memory_space<vmem>>
    %dma_start3A_178 = arith.constant 0 : i32
    %dma_start3A_179 = arith.constant 0 : i32
    %dma_start3A_180 = tpu.memref_slice %arg2[%arg0, %dma_start3A_178, %dma_start3A_179] : memref<2x10000x128xf32, #tpu.memory_space<hbm>> -> memref<1x10000x128xf32, #tpu.memory_space<hbm>>
    %dma_start3A_181 = tpu.memref_squeeze %dma_start3A_180 : memref<1x10000x128xf32, #tpu.memory_space<hbm>> -> memref<10000x128xf32, #tpu.memory_space<hbm>>
    %dma_start3A_182 = arith.constant 0 : i32
    %dma_start3A_183 = arith.constant 0 : i32
    %dma_start3A_184 = tpu.memref_slice %dma_start3A_181[%dma_start3A_182, %dma_start3A_183] : memref<10000x128xf32, #tpu.memory_space<hbm>> -> memref<10000x128xf32, #tpu.memory_space<hbm>>
    tpu.enqueue_indirect_dma source(%dma_start3A_184 : memref<10000x128xf32, #tpu.memory_space<hbm>>) target(%arg19 : memref<50x128xf32, #tpu.memory_space<vmem>>) offsets(%dma_start3A_177 : memref<50xi32, #tpu.memory_space<vmem>>) semaphore(%arg28 : memref<!tpu.dma_semaphore, #tpu.memory_space<semaphore_mem>>)
    %dma_start3A_185 = arith.constant 2 : i32
    %dma_start3A_186 = arith.constant 2 : i32
    %dma_start3A_187 = arith.constant 0 : i32
    %dma_start3A_188 = tpu.memref_slice %arg12[%dma_start3A_186, %dma_start3A_187] : memref<6x50xi32, #tpu.memory_space<vmem>> -> memref<1x50xi32, #tpu.memory_space<vmem>>
    %dma_start3A_189 = tpu.memref_squeeze %dma_start3A_188 : memref<1x50xi32, #tpu.memory_space<vmem>> -> memref<50xi32, #tpu.memory_space<vmem>>
    %dma_start3A_190 = arith.constant 0 : i32
    %dma_start3A_191 = tpu.memref_slice %arg5[%arg0, %arg1, %dma_start3A_185, %dma_start3A_190] : memref<2x16x400x50xi32, #tpu.memory_space<hbm>> -> memref<1x1x1x50xi32, #tpu.memory_space<hbm>>
    %dma_start3A_192 = tpu.memref_squeeze %dma_start3A_191 : memref<1x1x1x50xi32, #tpu.memory_space<hbm>> -> memref<50xi32, #tpu.memory_space<hbm>>
    %dma_start3A_193 = arith.constant 0 : i32
    %dma_start3A_194 = tpu.memref_slice %arg12[%dma_start3A_186, %dma_start3A_193] : memref<6x50xi32, #tpu.memory_space<vmem>> -> memref<1x50xi32, #tpu.memory_space<vmem>>
    %dma_start3A_195 = tpu.memref_squeeze %dma_start3A_194 : memref<1x50xi32, #tpu.memory_space<vmem>> -> memref<50xi32, #tpu.memory_space<vmem>>
    %dma_start3A_196 = arith.constant 0 : i32
    %dma_start3A_197 = tpu.memref_slice %arg5[%arg0, %arg1, %dma_start3A_185, %dma_start3A_196] : memref<2x16x400x50xi32, #tpu.memory_space<hbm>> -> memref<1x1x1x50xi32, #tpu.memory_space<hbm>>
    %dma_start3A_198 = tpu.memref_squeeze %dma_start3A_197 : memref<1x1x1x50xi32, #tpu.memory_space<hbm>> -> memref<50xi32, #tpu.memory_space<hbm>>
    tpu.enqueue_dma source(%dma_start3A_198 : memref<50xi32, #tpu.memory_space<hbm>>) target(%dma_start3A_195 : memref<50xi32, #tpu.memory_space<vmem>>) target_semaphore(%arg31 : memref<!tpu.dma_semaphore, #tpu.memory_space<semaphore_mem>>)
    %dma_start3A_199 = arith.constant 2 : i32
    %dma_start3A_200 = arith.constant 2 : i32
    %dma_start3A_201 = arith.constant 0 : i32
    %dma_start3A_202 = tpu.memref_slice %arg13[%dma_start3A_200, %dma_start3A_201] : memref<6x50xi32, #tpu.memory_space<vmem>> -> memref<1x50xi32, #tpu.memory_space<vmem>>
    %dma_start3A_203 = tpu.memref_squeeze %dma_start3A_202 : memref<1x50xi32, #tpu.memory_space<vmem>> -> memref<50xi32, #tpu.memory_space<vmem>>
    %dma_start3A_204 = arith.constant 0 : i32
    %dma_start3A_205 = tpu.memref_slice %arg6[%arg0, %arg1, %dma_start3A_199, %dma_start3A_204] : memref<2x16x400x50xi32, #tpu.memory_space<hbm>> -> memref<1x1x1x50xi32, #tpu.memory_space<hbm>>
    %dma_start3A_206 = tpu.memref_squeeze %dma_start3A_205 : memref<1x1x1x50xi32, #tpu.memory_space<hbm>> -> memref<50xi32, #tpu.memory_space<hbm>>
    %dma_start3A_207 = arith.constant 0 : i32
    %dma_start3A_208 = tpu.memref_slice %arg13[%dma_start3A_200, %dma_start3A_207] : memref<6x50xi32, #tpu.memory_space<vmem>> -> memref<1x50xi32, #tpu.memory_space<vmem>>
    %dma_start3A_209 = tpu.memref_squeeze %dma_start3A_208 : memref<1x50xi32, #tpu.memory_space<vmem>> -> memref<50xi32, #tpu.memory_space<vmem>>
    %dma_start3A_210 = arith.constant 0 : i32
    %dma_start3A_211 = tpu.memref_slice %arg6[%arg0, %arg1, %dma_start3A_199, %dma_start3A_210] : memref<2x16x400x50xi32, #tpu.memory_space<hbm>> -> memref<1x1x1x50xi32, #tpu.memory_space<hbm>>
    %dma_start3A_212 = tpu.memref_squeeze %dma_start3A_211 : memref<1x1x1x50xi32, #tpu.memory_space<hbm>> -> memref<50xi32, #tpu.memory_space<hbm>>
    tpu.enqueue_dma source(%dma_start3A_212 : memref<50xi32, #tpu.memory_space<hbm>>) target(%dma_start3A_209 : memref<50xi32, #tpu.memory_space<vmem>>) target_semaphore(%arg31 : memref<!tpu.dma_semaphore, #tpu.memory_space<semaphore_mem>>)
    %dma_start3A_213 = arith.constant 3 : i32
    %dma_start3A_214 = arith.constant 3 : i32
    %dma_start3A_215 = arith.constant 0 : i32
    %dma_start3A_216 = tpu.memref_slice %arg12[%dma_start3A_214, %dma_start3A_215] : memref<6x50xi32, #tpu.memory_space<vmem>> -> memref<1x50xi32, #tpu.memory_space<vmem>>
    %dma_start3A_217 = tpu.memref_squeeze %dma_start3A_216 : memref<1x50xi32, #tpu.memory_space<vmem>> -> memref<50xi32, #tpu.memory_space<vmem>>
    %dma_start3A_218 = arith.constant 0 : i32
    %dma_start3A_219 = tpu.memref_slice %arg5[%arg0, %arg1, %dma_start3A_213, %dma_start3A_218] : memref<2x16x400x50xi32, #tpu.memory_space<hbm>> -> memref<1x1x1x50xi32, #tpu.memory_space<hbm>>
    %dma_start3A_220 = tpu.memref_squeeze %dma_start3A_219 : memref<1x1x1x50xi32, #tpu.memory_space<hbm>> -> memref<50xi32, #tpu.memory_space<hbm>>
    %dma_start3A_221 = arith.constant 0 : i32
    %dma_start3A_222 = tpu.memref_slice %arg12[%dma_start3A_214, %dma_start3A_221] : memref<6x50xi32, #tpu.memory_space<vmem>> -> memref<1x50xi32, #tpu.memory_space<vmem>>
    %dma_start3A_223 = tpu.memref_squeeze %dma_start3A_222 : memref<1x50xi32, #tpu.memory_space<vmem>> -> memref<50xi32, #tpu.memory_space<vmem>>
    %dma_start3A_224 = arith.constant 0 : i32
    %dma_start3A_225 = tpu.memref_slice %arg5[%arg0, %arg1, %dma_start3A_213, %dma_start3A_224] : memref<2x16x400x50xi32, #tpu.memory_space<hbm>> -> memref<1x1x1x50xi32, #tpu.memory_space<hbm>>
    %dma_start3A_226 = tpu.memref_squeeze %dma_start3A_225 : memref<1x1x1x50xi32, #tpu.memory_space<hbm>> -> memref<50xi32, #tpu.memory_space<hbm>>
    tpu.enqueue_dma source(%dma_start3A_226 : memref<50xi32, #tpu.memory_space<hbm>>) target(%dma_start3A_223 : memref<50xi32, #tpu.memory_space<vmem>>) target_semaphore(%arg32 : memref<!tpu.dma_semaphore, #tpu.memory_space<semaphore_mem>>)
    %dma_start3A_227 = arith.constant 3 : i32
    %dma_start3A_228 = arith.constant 3 : i32
    %dma_start3A_229 = arith.constant 0 : i32
    %dma_start3A_230 = tpu.memref_slice %arg13[%dma_start3A_228, %dma_start3A_229] : memref<6x50xi32, #tpu.memory_space<vmem>> -> memref<1x50xi32, #tpu.memory_space<vmem>>
    %dma_start3A_231 = tpu.memref_squeeze %dma_start3A_230 : memref<1x50xi32, #tpu.memory_space<vmem>> -> memref<50xi32, #tpu.memory_space<vmem>>
    %dma_start3A_232 = arith.constant 0 : i32
    %dma_start3A_233 = tpu.memref_slice %arg6[%arg0, %arg1, %dma_start3A_227, %dma_start3A_232] : memref<2x16x400x50xi32, #tpu.memory_space<hbm>> -> memref<1x1x1x50xi32, #tpu.memory_space<hbm>>
    %dma_start3A_234 = tpu.memref_squeeze %dma_start3A_233 : memref<1x1x1x50xi32, #tpu.memory_space<hbm>> -> memref<50xi32, #tpu.memory_space<hbm>>
    %dma_start3A_235 = arith.constant 0 : i32
    %dma_start3A_236 = tpu.memref_slice %arg13[%dma_start3A_228, %dma_start3A_235] : memref<6x50xi32, #tpu.memory_space<vmem>> -> memref<1x50xi32, #tpu.memory_space<vmem>>
    %dma_start3A_237 = tpu.memref_squeeze %dma_start3A_236 : memref<1x50xi32, #tpu.memory_space<vmem>> -> memref<50xi32, #tpu.memory_space<vmem>>
    %dma_start3A_238 = arith.constant 0 : i32
    %dma_start3A_239 = tpu.memref_slice %arg6[%arg0, %arg1, %dma_start3A_227, %dma_start3A_238] : memref<2x16x400x50xi32, #tpu.memory_space<hbm>> -> memref<1x1x1x50xi32, #tpu.memory_space<hbm>>
    %dma_start3A_240 = tpu.memref_squeeze %dma_start3A_239 : memref<1x1x1x50xi32, #tpu.memory_space<hbm>> -> memref<50xi32, #tpu.memory_space<hbm>>
    tpu.enqueue_dma source(%dma_start3A_240 : memref<50xi32, #tpu.memory_space<hbm>>) target(%dma_start3A_237 : memref<50xi32, #tpu.memory_space<vmem>>) target_semaphore(%arg32 : memref<!tpu.dma_semaphore, #tpu.memory_space<semaphore_mem>>)
    "tpu.region"() ({
      %run_scoped3A = tpu.sem_alloc : memref<!tpu.dma_semaphore, #tpu.memory_space<semaphore_mem>>
      %dma_start3A_286 = arith.constant 0 : i32
      %dma_start3A_287 = tpu.memref_slice %arg25[%mul3A_0, %dma_start3A_286] : memref<10008x128xf32, #tpu.memory_space<vmem_shared>> -> memref<624x128xf32, #tpu.memory_space<vmem_shared>>
      %dma_start3A_288 = arith.constant 0 : i32
      %dma_start3A_289 = tpu.memref_slice %arg8[%mul3A_0, %dma_start3A_288] : memref<10008x128xf32, #tpu.memory_space<hbm>> -> memref<624x128xf32, #tpu.memory_space<hbm>>
      tpu.enqueue_dma source(%dma_start3A_289 : memref<624x128xf32, #tpu.memory_space<hbm>>) target(%dma_start3A_287 : memref<624x128xf32, #tpu.memory_space<vmem_shared>>) target_semaphore(%run_scoped3A : memref<!tpu.dma_semaphore, #tpu.memory_space<semaphore_mem>>)
      %dma_wait3A_290 = arith.constant 0 : i32
      %dma_wait3A_291 = tpu.memref_slice %arg25[%mul3A_0, %dma_wait3A_290] : memref<10008x128xf32, #tpu.memory_space<vmem_shared>> -> memref<624x128xf32, #tpu.memory_space<vmem_shared>>
      %dma_wait3A_292 = arith.constant 0 : i32
      %dma_wait3A_293 = tpu.memref_slice %arg8[%mul3A_0, %dma_wait3A_292] : memref<10008x128xf32, #tpu.memory_space<hbm>> -> memref<624x128xf32, #tpu.memory_space<hbm>>
      tpu.wait_dma2 semaphore(%run_scoped3A : memref<!tpu.dma_semaphore, #tpu.memory_space<semaphore_mem>>) src(%dma_wait3A_293 : memref<624x128xf32, #tpu.memory_space<hbm>>) dst(%dma_wait3A_291 : memref<624x128xf32, #tpu.memory_space<vmem_shared>>)
      tpu.yield
    }) : () -> ()
    "tpu.region"() ({
      %run_scoped3A = tpu.sem_alloc : memref<!tpu.dma_semaphore, #tpu.memory_space<semaphore_mem>>
      %dma_start3A_286 = arith.constant 0 : i32
      %dma_start3A_287 = tpu.memref_slice %arg26[%mul3A_0, %dma_start3A_286] : memref<10008x16xf32, #tpu.memory_space<vmem_shared>> -> memref<624x16xf32, #tpu.memory_space<vmem_shared>>
      %dma_start3A_288 = arith.constant 0 : i32
      %dma_start3A_289 = tpu.memref_slice %arg9[%mul3A_0, %dma_start3A_288] : memref<10008x16xf32, #tpu.memory_space<hbm>> -> memref<624x16xf32, #tpu.memory_space<hbm>>
      tpu.enqueue_dma source(%dma_start3A_289 : memref<624x16xf32, #tpu.memory_space<hbm>>) target(%dma_start3A_287 : memref<624x16xf32, #tpu.memory_space<vmem_shared>>) target_semaphore(%run_scoped3A : memref<!tpu.dma_semaphore, #tpu.memory_space<semaphore_mem>>)
      %dma_wait3A_290 = arith.constant 0 : i32
      %dma_wait3A_291 = tpu.memref_slice %arg26[%mul3A_0, %dma_wait3A_290] : memref<10008x16xf32, #tpu.memory_space<vmem_shared>> -> memref<624x16xf32, #tpu.memory_space<vmem_shared>>
      %dma_wait3A_292 = arith.constant 0 : i32
      %dma_wait3A_293 = tpu.memref_slice %arg9[%mul3A_0, %dma_wait3A_292] : memref<10008x16xf32, #tpu.memory_space<hbm>> -> memref<624x16xf32, #tpu.memory_space<hbm>>
      tpu.wait_dma2 semaphore(%run_scoped3A : memref<!tpu.dma_semaphore, #tpu.memory_space<semaphore_mem>>) src(%dma_wait3A_293 : memref<624x16xf32, #tpu.memory_space<hbm>>) dst(%dma_wait3A_291 : memref<624x16xf32, #tpu.memory_space<vmem_shared>>)
      tpu.yield
    }) : () -> ()
    %eq3A = arith.constant 15 : i32
    %eq3A_241 = arith.cmpi eq, %arg1, %eq3A : i32
    %convert_element_type3A = arith.extui %eq3A_241 : i1 to i32
    %cond3A = arith.constant 0 : i32
    %cond3A_242 = arith.cmpi ne, %convert_element_type3A, %cond3A : i32
    scf.if %cond3A_242 {
      "tpu.region"() ({
        %run_scoped3A = tpu.sem_alloc : memref<!tpu.dma_semaphore, #tpu.memory_space<semaphore_mem>>
        %dma_start3A_286 = arith.constant 9984 : i32
        %dma_start3A_287 = arith.constant 0 : i32
        %dma_start3A_288 = tpu.memref_slice %arg25[%dma_start3A_286, %dma_start3A_287] : memref<10008x128xf32, #tpu.memory_space<vmem_shared>> -> memref<24x128xf32, #tpu.memory_space<vmem_shared>>
        %dma_start3A_289 = arith.constant 9984 : i32
        %dma_start3A_290 = arith.constant 0 : i32
        %dma_start3A_291 = tpu.memref_slice %arg8[%dma_start3A_289, %dma_start3A_290] : memref<10008x128xf32, #tpu.memory_space<hbm>> -> memref<24x128xf32, #tpu.memory_space<hbm>>
        tpu.enqueue_dma source(%dma_start3A_291 : memref<24x128xf32, #tpu.memory_space<hbm>>) target(%dma_start3A_288 : memref<24x128xf32, #tpu.memory_space<vmem_shared>>) target_semaphore(%run_scoped3A : memref<!tpu.dma_semaphore, #tpu.memory_space<semaphore_mem>>)
        %dma_wait3A_292 = arith.constant 9984 : i32
        %dma_wait3A_293 = arith.constant 0 : i32
        %dma_wait3A_294 = tpu.memref_slice %arg25[%dma_wait3A_292, %dma_wait3A_293] : memref<10008x128xf32, #tpu.memory_space<vmem_shared>> -> memref<24x128xf32, #tpu.memory_space<vmem_shared>>
        %dma_wait3A_295 = arith.constant 9984 : i32
        %dma_wait3A_296 = arith.constant 0 : i32
        %dma_wait3A_297 = tpu.memref_slice %arg8[%dma_wait3A_295, %dma_wait3A_296] : memref<10008x128xf32, #tpu.memory_space<hbm>> -> memref<24x128xf32, #tpu.memory_space<hbm>>
        tpu.wait_dma2 semaphore(%run_scoped3A : memref<!tpu.dma_semaphore, #tpu.memory_space<semaphore_mem>>) src(%dma_wait3A_297 : memref<24x128xf32, #tpu.memory_space<hbm>>) dst(%dma_wait3A_294 : memref<24x128xf32, #tpu.memory_space<vmem_shared>>)
        tpu.yield
      }) : () -> ()
      "tpu.region"() ({
        %run_scoped3A = tpu.sem_alloc : memref<!tpu.dma_semaphore, #tpu.memory_space<semaphore_mem>>
        %dma_start3A_286 = arith.constant 9984 : i32
        %dma_start3A_287 = arith.constant 0 : i32
        %dma_start3A_288 = tpu.memref_slice %arg26[%dma_start3A_286, %dma_start3A_287] : memref<10008x16xf32, #tpu.memory_space<vmem_shared>> -> memref<24x16xf32, #tpu.memory_space<vmem_shared>>
        %dma_start3A_289 = arith.constant 9984 : i32
        %dma_start3A_290 = arith.constant 0 : i32
        %dma_start3A_291 = tpu.memref_slice %arg9[%dma_start3A_289, %dma_start3A_290] : memref<10008x16xf32, #tpu.memory_space<hbm>> -> memref<24x16xf32, #tpu.memory_space<hbm>>
        tpu.enqueue_dma source(%dma_start3A_291 : memref<24x16xf32, #tpu.memory_space<hbm>>) target(%dma_start3A_288 : memref<24x16xf32, #tpu.memory_space<vmem_shared>>) target_semaphore(%run_scoped3A : memref<!tpu.dma_semaphore, #tpu.memory_space<semaphore_mem>>)
        %dma_wait3A_292 = arith.constant 9984 : i32
        %dma_wait3A_293 = arith.constant 0 : i32
        %dma_wait3A_294 = tpu.memref_slice %arg26[%dma_wait3A_292, %dma_wait3A_293] : memref<10008x16xf32, #tpu.memory_space<vmem_shared>> -> memref<24x16xf32, #tpu.memory_space<vmem_shared>>
        %dma_wait3A_295 = arith.constant 9984 : i32
        %dma_wait3A_296 = arith.constant 0 : i32
        %dma_wait3A_297 = tpu.memref_slice %arg9[%dma_wait3A_295, %dma_wait3A_296] : memref<10008x16xf32, #tpu.memory_space<hbm>> -> memref<24x16xf32, #tpu.memory_space<hbm>>
        tpu.wait_dma2 semaphore(%run_scoped3A : memref<!tpu.dma_semaphore, #tpu.memory_space<semaphore_mem>>) src(%dma_wait3A_297 : memref<24x16xf32, #tpu.memory_space<hbm>>) dst(%dma_wait3A_294 : memref<24x16xf32, #tpu.memory_space<vmem_shared>>)
        tpu.yield
      }) : () -> ()
    } else {
    }
    %barrier3A = arith.constant 0 : index
    tpu.barrier barrier_id(%barrier3A)
    %iota3A = tpu.iota {dimensions = array<i32: 0>} : vector<16xi32>
    %lt3A = arith.constant 8 : i32
    %lt3A_243 = vector.broadcast %lt3A : i32 to vector<16xi32>
    %lt3A_244 = arith.cmpi slt, %iota3A, %lt3A_243 : vector<16xi32>
    %get3A = arith.constant 0 : index
    %get3A_245 = tpu.vector_load %arg24[%get3A] {strides = array<i32>} : memref<16xf32, #tpu.memory_space<vmem>>, vector<16xf32>,
    %get3A_246 = vector.shape_cast %get3A_245 : vector<16xf32> to vector<16xf32>
    %scan3A = arith.constant 0 : i32
    %scan3A_247 = arith.constant 0 : i32
    %scan3A_248 = arith.constant 200 : i32
    %scan3A_249 = arith.addi %scan3A_247, %scan3A_248 : i32
    %scan3A_250 = arith.constant 1 : i32
    scf.for %scan3A_286 = %scan3A_247 to %scan3A_249 step %scan3A_250  : i32 {
      %mul3A_287 = arith.constant 2 : i32
      %mul3A_288 = arith.muli %mul3A_287, %scan3A_286 : i32
      %add3A = arith.constant 1 : i32
      %add3A_289 = arith.addi %mul3A_288, %add3A : i32
      %dma_wait3A_290 = arith.constant 0 : i32
      %dma_wait3A_291 = arith.constant 0 : i32
      %dma_wait3A_292 = tpu.memref_slice %arg12[%dma_wait3A_290, %dma_wait3A_291] : memref<6x50xi32, #tpu.memory_space<vmem>> -> memref<1x50xi32, #tpu.memory_space<vmem>>
      %dma_wait3A_293 = tpu.memref_squeeze %dma_wait3A_292 : memref<1x50xi32, #tpu.memory_space<vmem>> -> memref<50xi32, #tpu.memory_space<vmem>>
      %dma_wait3A_294 = arith.constant 0 : i32
      %dma_wait3A_295 = arith.constant 0 : i32
      %dma_wait3A_296 = tpu.memref_slice %arg3[%arg0, %dma_wait3A_294, %dma_wait3A_295] : memref<2x10000x16xf32, #tpu.memory_space<hbm>> -> memref<1x10000x16xf32, #tpu.memory_space<hbm>>
      %dma_wait3A_297 = tpu.memref_squeeze %dma_wait3A_296 : memref<1x10000x16xf32, #tpu.memory_space<hbm>> -> memref<10000x16xf32, #tpu.memory_space<hbm>>
      %dma_wait3A_298 = arith.constant 0 : i32
      %dma_wait3A_299 = arith.constant 0 : i32
      %dma_wait3A_300 = tpu.memref_slice %dma_wait3A_297[%dma_wait3A_298, %dma_wait3A_299] : memref<10000x16xf32, #tpu.memory_space<hbm>> -> memref<10000x16xf32, #tpu.memory_space<hbm>>
      tpu.wait_indirect_dma semaphore(%arg27 : memref<!tpu.dma_semaphore, #tpu.memory_space<semaphore_mem>>) src(%dma_wait3A_300 : memref<10000x16xf32, #tpu.memory_space<hbm>>) dst(%arg14 : memref<50x16xf32, #tpu.memory_space<vmem>>)
      %dma_wait3A_301 = arith.constant 0 : i32
      %dma_wait3A_302 = arith.constant 0 : i32
      %dma_wait3A_303 = tpu.memref_slice %arg13[%dma_wait3A_301, %dma_wait3A_302] : memref<6x50xi32, #tpu.memory_space<vmem>> -> memref<1x50xi32, #tpu.memory_space<vmem>>
      %dma_wait3A_304 = tpu.memref_squeeze %dma_wait3A_303 : memref<1x50xi32, #tpu.memory_space<vmem>> -> memref<50xi32, #tpu.memory_space<vmem>>
      %dma_wait3A_305 = arith.constant 0 : i32
      %dma_wait3A_306 = arith.constant 0 : i32
      %dma_wait3A_307 = tpu.memref_slice %arg4[%arg0, %dma_wait3A_305, %dma_wait3A_306] : memref<2x10000x16xf32, #tpu.memory_space<hbm>> -> memref<1x10000x16xf32, #tpu.memory_space<hbm>>
      %dma_wait3A_308 = tpu.memref_squeeze %dma_wait3A_307 : memref<1x10000x16xf32, #tpu.memory_space<hbm>> -> memref<10000x16xf32, #tpu.memory_space<hbm>>
      %dma_wait3A_309 = arith.constant 0 : i32
      %dma_wait3A_310 = arith.constant 0 : i32
      %dma_wait3A_311 = tpu.memref_slice %dma_wait3A_308[%dma_wait3A_309, %dma_wait3A_310] : memref<10000x16xf32, #tpu.memory_space<hbm>> -> memref<10000x16xf32, #tpu.memory_space<hbm>>
      tpu.wait_indirect_dma semaphore(%arg27 : memref<!tpu.dma_semaphore, #tpu.memory_space<semaphore_mem>>) src(%dma_wait3A_311 : memref<10000x16xf32, #tpu.memory_space<hbm>>) dst(%arg16 : memref<50x16xf32, #tpu.memory_space<vmem>>)
      %dma_wait3A_312 = arith.constant 0 : i32
      %dma_wait3A_313 = arith.constant 0 : i32
      %dma_wait3A_314 = tpu.memref_slice %arg12[%dma_wait3A_312, %dma_wait3A_313] : memref<6x50xi32, #tpu.memory_space<vmem>> -> memref<1x50xi32, #tpu.memory_space<vmem>>
      %dma_wait3A_315 = tpu.memref_squeeze %dma_wait3A_314 : memref<1x50xi32, #tpu.memory_space<vmem>> -> memref<50xi32, #tpu.memory_space<vmem>>
      %dma_wait3A_316 = arith.constant 0 : i32
      %dma_wait3A_317 = arith.constant 0 : i32
      %dma_wait3A_318 = tpu.memref_slice %arg2[%arg0, %dma_wait3A_316, %dma_wait3A_317] : memref<2x10000x128xf32, #tpu.memory_space<hbm>> -> memref<1x10000x128xf32, #tpu.memory_space<hbm>>
      %dma_wait3A_319 = tpu.memref_squeeze %dma_wait3A_318 : memref<1x10000x128xf32, #tpu.memory_space<hbm>> -> memref<10000x128xf32, #tpu.memory_space<hbm>>
      %dma_wait3A_320 = arith.constant 0 : i32
      %dma_wait3A_321 = arith.constant 0 : i32
      %dma_wait3A_322 = tpu.memref_slice %dma_wait3A_319[%dma_wait3A_320, %dma_wait3A_321] : memref<10000x128xf32, #tpu.memory_space<hbm>> -> memref<10000x128xf32, #tpu.memory_space<hbm>>
      tpu.wait_indirect_dma semaphore(%arg27 : memref<!tpu.dma_semaphore, #tpu.memory_space<semaphore_mem>>) src(%dma_wait3A_322 : memref<10000x128xf32, #tpu.memory_space<hbm>>) dst(%arg18 : memref<50x128xf32, #tpu.memory_space<vmem>>)
      %ge3A = arith.constant 1 : i32
      %ge3A_323 = arith.cmpi sge, %scan3A_286, %ge3A : i32
      %convert_element_type3A_324 = arith.extui %ge3A_323 : i1 to i32
      %cond3A_325 = arith.constant 0 : i32
      %cond3A_326 = arith.cmpi ne, %convert_element_type3A_324, %cond3A_325 : i32
      scf.if %cond3A_326 {
        %dma_wait3A_473 = arith.constant 0 : i32
        %dma_wait3A_474 = arith.constant 0 : i32
        %dma_wait3A_475 = tpu.memref_slice %arg13[%dma_wait3A_473, %dma_wait3A_474] : memref<6x50xi32, #tpu.memory_space<vmem>> -> memref<1x50xi32, #tpu.memory_space<vmem>>
        %dma_wait3A_476 = tpu.memref_squeeze %dma_wait3A_475 : memref<1x50xi32, #tpu.memory_space<vmem>> -> memref<50xi32, #tpu.memory_space<vmem>>
        %dma_wait3A_477 = arith.constant 0 : i32
        %dma_wait3A_478 = arith.constant 0 : i32
        %dma_wait3A_479 = tpu.memref_slice %arg26[%dma_wait3A_477, %dma_wait3A_478] : memref<10008x16xf32, #tpu.memory_space<vmem_shared>> -> memref<10008x16xf32, #tpu.memory_space<vmem_shared>>
        tpu.wait_indirect_dma semaphore(%arg29 : memref<!tpu.dma_semaphore, #tpu.memory_space<semaphore_mem>>) src(%arg22 : memref<50x16xf32, #tpu.memory_space<vmem>>) dst(%dma_wait3A_479 : memref<10008x16xf32, #tpu.memory_space<vmem_shared>>)
        %dma_wait3A_480 = arith.constant 0 : i32
        %dma_wait3A_481 = arith.constant 0 : i32
        %dma_wait3A_482 = tpu.memref_slice %arg13[%dma_wait3A_480, %dma_wait3A_481] : memref<6x50xi32, #tpu.memory_space<vmem>> -> memref<1x50xi32, #tpu.memory_space<vmem>>
        %dma_wait3A_483 = tpu.memref_squeeze %dma_wait3A_482 : memref<1x50xi32, #tpu.memory_space<vmem>> -> memref<50xi32, #tpu.memory_space<vmem>>
        %dma_wait3A_484 = arith.constant 0 : i32
        %dma_wait3A_485 = arith.constant 0 : i32
        %dma_wait3A_486 = tpu.memref_slice %arg25[%dma_wait3A_484, %dma_wait3A_485] : memref<10008x128xf32, #tpu.memory_space<vmem_shared>> -> memref<10008x128xf32, #tpu.memory_space<vmem_shared>>
        tpu.wait_indirect_dma semaphore(%arg29 : memref<!tpu.dma_semaphore, #tpu.memory_space<semaphore_mem>>) src(%arg20 : memref<50x128xf32, #tpu.memory_space<vmem>>) dst(%dma_wait3A_486 : memref<10008x128xf32, #tpu.memory_space<vmem_shared>>)
      } else {
      }
      %lt3A_327 = arith.constant 198 : i32
      %lt3A_328 = arith.cmpi slt, %scan3A_286, %lt3A_327 : i32
      %convert_element_type3A_329 = arith.extui %lt3A_328 : i1 to i32
      %cond3A_330 = arith.constant 0 : i32
      %cond3A_331 = arith.cmpi ne, %convert_element_type3A_329, %cond3A_330 : i32
      scf.if %cond3A_331 {
        %add3A_473 = arith.constant 4 : i32
        %add3A_474 = arith.addi %mul3A_288, %add3A_473 : i32
        %jit3A_475 = arith.constant 6 : i32
        %eq3A_476 = arith.constant 0 : i32
        %eq3A_477 = arith.cmpi eq, %jit3A_475, %eq3A_476 : i32
        %jit3A_478 = arith.constant 1 : i32
        %select_n3A_479 = arith.select %eq3A_477, %jit3A_478, %jit3A_475 : i32
        %rem3A_480 = arith.remsi %add3A_474, %select_n3A_479 : i32
        %ne3A_481 = arith.constant 0 : i32
        %ne3A_482 = arith.cmpi ne, %rem3A_480, %ne3A_481 : i32
        %lt3A_483 = arith.constant 0 : i32
        %lt3A_484 = arith.cmpi slt, %rem3A_480, %lt3A_483 : i32
        %lt3A_485 = arith.constant 0 : i32
        %lt3A_486 = arith.cmpi slt, %select_n3A_479, %lt3A_485 : i32
        %ne3A_487 = arith.xori %lt3A_484, %lt3A_486 : i1
        %and3A_488 = arith.andi %ne3A_487, %ne3A_482 : i1
        %add3A_489 = arith.addi %rem3A_480, %select_n3A_479 : i32
        %select_n3A_490 = arith.select %and3A_488, %add3A_489, %rem3A_480 : i32
        %dma_start3A_491 = arith.constant 0 : i32
        %dma_start3A_492 = tpu.memref_slice %arg12[%select_n3A_490, %dma_start3A_491] : memref<6x50xi32, #tpu.memory_space<vmem>> -> memref<1x50xi32, #tpu.memory_space<vmem>>
        %dma_start3A_493 = tpu.memref_squeeze %dma_start3A_492 : memref<1x50xi32, #tpu.memory_space<vmem>> -> memref<50xi32, #tpu.memory_space<vmem>>
        %dma_start3A_494 = arith.constant 0 : i32
        %dma_start3A_495 = tpu.memref_slice %arg5[%arg0, %arg1, %add3A_474, %dma_start3A_494] : memref<2x16x400x50xi32, #tpu.memory_space<hbm>> -> memref<1x1x1x50xi32, #tpu.memory_space<hbm>>
        %dma_start3A_496 = tpu.memref_squeeze %dma_start3A_495 : memref<1x1x1x50xi32, #tpu.memory_space<hbm>> -> memref<50xi32, #tpu.memory_space<hbm>>
        %dma_start3A_497 = arith.constant 0 : i32
        %dma_start3A_498 = tpu.memref_slice %arg12[%select_n3A_490, %dma_start3A_497] : memref<6x50xi32, #tpu.memory_space<vmem>> -> memref<1x50xi32, #tpu.memory_space<vmem>>
        %dma_start3A_499 = tpu.memref_squeeze %dma_start3A_498 : memref<1x50xi32, #tpu.memory_space<vmem>> -> memref<50xi32, #tpu.memory_space<vmem>>
        %dma_start3A_500 = arith.constant 0 : i32
        %dma_start3A_501 = tpu.memref_slice %arg5[%arg0, %arg1, %add3A_474, %dma_start3A_500] : memref<2x16x400x50xi32, #tpu.memory_space<hbm>> -> memref<1x1x1x50xi32, #tpu.memory_space<hbm>>
        %dma_start3A_502 = tpu.memref_squeeze %dma_start3A_501 : memref<1x1x1x50xi32, #tpu.memory_space<hbm>> -> memref<50xi32, #tpu.memory_space<hbm>>
        tpu.enqueue_dma source(%dma_start3A_502 : memref<50xi32, #tpu.memory_space<hbm>>) target(%dma_start3A_499 : memref<50xi32, #tpu.memory_space<vmem>>) target_semaphore(%arg31 : memref<!tpu.dma_semaphore, #tpu.memory_space<semaphore_mem>>)
        %jit3A_503 = arith.constant 6 : i32
        %eq3A_504 = arith.constant 0 : i32
        %eq3A_505 = arith.cmpi eq, %jit3A_503, %eq3A_504 : i32
        %jit3A_506 = arith.constant 1 : i32
        %select_n3A_507 = arith.select %eq3A_505, %jit3A_506, %jit3A_503 : i32
        %rem3A_508 = arith.remsi %add3A_474, %select_n3A_507 : i32
        %ne3A_509 = arith.constant 0 : i32
        %ne3A_510 = arith.cmpi ne, %rem3A_508, %ne3A_509 : i32
        %lt3A_511 = arith.constant 0 : i32
        %lt3A_512 = arith.cmpi slt, %rem3A_508, %lt3A_511 : i32
        %lt3A_513 = arith.constant 0 : i32
        %lt3A_514 = arith.cmpi slt, %select_n3A_507, %lt3A_513 : i32
        %ne3A_515 = arith.xori %lt3A_512, %lt3A_514 : i1
        %and3A_516 = arith.andi %ne3A_515, %ne3A_510 : i1
        %add3A_517 = arith.addi %rem3A_508, %select_n3A_507 : i32
        %select_n3A_518 = arith.select %and3A_516, %add3A_517, %rem3A_508 : i32
        %dma_start3A_519 = arith.constant 0 : i32
        %dma_start3A_520 = tpu.memref_slice %arg13[%select_n3A_518, %dma_start3A_519] : memref<6x50xi32, #tpu.memory_space<vmem>> -> memref<1x50xi32, #tpu.memory_space<vmem>>
        %dma_start3A_521 = tpu.memref_squeeze %dma_start3A_520 : memref<1x50xi32, #tpu.memory_space<vmem>> -> memref<50xi32, #tpu.memory_space<vmem>>
        %dma_start3A_522 = arith.constant 0 : i32
        %dma_start3A_523 = tpu.memref_slice %arg6[%arg0, %arg1, %add3A_474, %dma_start3A_522] : memref<2x16x400x50xi32, #tpu.memory_space<hbm>> -> memref<1x1x1x50xi32, #tpu.memory_space<hbm>>
        %dma_start3A_524 = tpu.memref_squeeze %dma_start3A_523 : memref<1x1x1x50xi32, #tpu.memory_space<hbm>> -> memref<50xi32, #tpu.memory_space<hbm>>
        %dma_start3A_525 = arith.constant 0 : i32
        %dma_start3A_526 = tpu.memref_slice %arg13[%select_n3A_518, %dma_start3A_525] : memref<6x50xi32, #tpu.memory_space<vmem>> -> memref<1x50xi32, #tpu.memory_space<vmem>>
        %dma_start3A_527 = tpu.memref_squeeze %dma_start3A_526 : memref<1x50xi32, #tpu.memory_space<vmem>> -> memref<50xi32, #tpu.memory_space<vmem>>
        %dma_start3A_528 = arith.constant 0 : i32
        %dma_start3A_529 = tpu.memref_slice %arg6[%arg0, %arg1, %add3A_474, %dma_start3A_528] : memref<2x16x400x50xi32, #tpu.memory_space<hbm>> -> memref<1x1x1x50xi32, #tpu.memory_space<hbm>>
        %dma_start3A_530 = tpu.memref_squeeze %dma_start3A_529 : memref<1x1x1x50xi32, #tpu.memory_space<hbm>> -> memref<50xi32, #tpu.memory_space<hbm>>
        tpu.enqueue_dma source(%dma_start3A_530 : memref<50xi32, #tpu.memory_space<hbm>>) target(%dma_start3A_527 : memref<50xi32, #tpu.memory_space<vmem>>) target_semaphore(%arg31 : memref<!tpu.dma_semaphore, #tpu.memory_space<semaphore_mem>>)
      } else {
      }
      %parallel_loop3A = arith.constant 0 : i32
      %parallel_loop3A_332 = arith.constant 50 : i32
      %parallel_loop3A_333 = arith.constant 1 : i32
      scf.for %parallel_loop3A_473 = %parallel_loop3A to %parallel_loop3A_332 step %parallel_loop3A_333  : i32 {
        %parallel_loop3A_474 = arith.index_cast %parallel_loop3A_473 : i32 to index
        %parallel_loop3A_475 = arith.constant 0 : index
        %parallel_loop3A_476 = tpu.vector_load %arg14[%parallel_loop3A_474, %parallel_loop3A_475] {strides = array<i32>} : memref<50x16xf32, #tpu.memory_space<vmem>>, vector<1x16xf32>,
        %parallel_loop3A_477 = vector.shape_cast %parallel_loop3A_476 : vector<1x16xf32> to vector<16xf32>
        %parallel_loop3A_478 = arith.index_cast %parallel_loop3A_473 : i32 to index
        %parallel_loop3A_479 = arith.constant 0 : index
        %parallel_loop3A_480 = tpu.vector_load %arg16[%parallel_loop3A_478, %parallel_loop3A_479] {strides = array<i32>} : memref<50x16xf32, #tpu.memory_space<vmem>>, vector<1x16xf32>,
        %parallel_loop3A_481 = vector.shape_cast %parallel_loop3A_480 : vector<1x16xf32> to vector<16xf32>
        %parallel_loop3A_482 = arith.addf %parallel_loop3A_477, %parallel_loop3A_481 : vector<16xf32>
        %parallel_loop3A_483 = arith.constant 2.000000e-01 : f32
        %parallel_loop3A_484 = vector.broadcast %parallel_loop3A_483 : f32 to vector<16xf32>
        %parallel_loop3A_485 = arith.mulf %parallel_loop3A_484, %parallel_loop3A_482 : vector<16xf32>
        %parallel_loop3A_486 = arith.maximumf %parallel_loop3A_482, %parallel_loop3A_485 : vector<16xf32>
        %parallel_loop3A_487 = math.exp %parallel_loop3A_486 : vector<16xf32>
        %parallel_loop3A_488 = arith.mulf %parallel_loop3A_487, %get3A_246 : vector<16xf32>
        %parallel_loop3A_489 = arith.constant 0.000000e+00 : f32
        %parallel_loop3A_490 = vector.broadcast %parallel_loop3A_489 : f32 to vector<16xf32>
        %parallel_loop3A_491 = arith.select %lt3A_244, %parallel_loop3A_488, %parallel_loop3A_490 : vector<16xi1>, vector<16xf32>
        %parallel_loop3A_492 = arith.index_cast %parallel_loop3A_473 : i32 to index
        %parallel_loop3A_493 = arith.constant 0 : index
        %parallel_loop3A_494 = tpu.vector_load %arg22[%parallel_loop3A_492, %parallel_loop3A_493] {strides = array<i32>} : memref<50x16xf32, #tpu.memory_space<vmem>>, vector<1x16xf32>,
        %parallel_loop3A_495 = vector.shape_cast %parallel_loop3A_494 : vector<1x16xf32> to vector<16xf32>
        %parallel_loop3A_496 = vector.shape_cast %parallel_loop3A_491 : vector<16xf32> to vector<1x16xf32>
        tpu.vector_store %arg22[%parallel_loop3A_492, %parallel_loop3A_493], %parallel_loop3A_496 {strides = array<i32>} : memref<50x16xf32, #tpu.memory_space<vmem>>, vector<1x16xf32>,
        %parallel_loop3A_497 = arith.index_cast %parallel_loop3A_473 : i32 to index
        %parallel_loop3A_498 = arith.constant 0 : index
        %parallel_loop3A_499 = tpu.vector_load %arg18[%parallel_loop3A_497, %parallel_loop3A_498] {strides = array<i32>} : memref<50x128xf32, #tpu.memory_space<vmem>>, vector<1x16xf32>,
        %parallel_loop3A_500 = vector.shape_cast %parallel_loop3A_499 : vector<1x16xf32> to vector<16xf32>
        %parallel_loop3A_501 = vector.extract_strided_slice %parallel_loop3A_488 {offsets = [0], sizes = [1], strides = [1]} : vector<16xf32> to vector<1xf32>
        %parallel_loop3A_502 = vector.extract %parallel_loop3A_501[0] : f32 from vector<1xf32>
        %parallel_loop3A_503 = vector.broadcast %parallel_loop3A_502 : f32 to vector<16xf32>
        %parallel_loop3A_504 = arith.mulf %parallel_loop3A_500, %parallel_loop3A_503 : vector<16xf32>
        %parallel_loop3A_505 = arith.index_cast %parallel_loop3A_473 : i32 to index
        %parallel_loop3A_506 = arith.constant 0 : index
        %parallel_loop3A_507 = tpu.vector_load %arg20[%parallel_loop3A_505, %parallel_loop3A_506] {strides = array<i32>} : memref<50x128xf32, #tpu.memory_space<vmem>>, vector<1x16xf32>,
        %parallel_loop3A_508 = vector.shape_cast %parallel_loop3A_507 : vector<1x16xf32> to vector<16xf32>
        %parallel_loop3A_509 = vector.shape_cast %parallel_loop3A_504 : vector<16xf32> to vector<1x16xf32>
        tpu.vector_store %arg20[%parallel_loop3A_505, %parallel_loop3A_506], %parallel_loop3A_509 {strides = array<i32>} : memref<50x128xf32, #tpu.memory_space<vmem>>, vector<1x16xf32>,
        %parallel_loop3A_510 = arith.index_cast %parallel_loop3A_473 : i32 to index
        %parallel_loop3A_511 = arith.constant 16 : index
        %parallel_loop3A_512 = tpu.vector_load %arg18[%parallel_loop3A_510, %parallel_loop3A_511] {strides = array<i32>} : memref<50x128xf32, #tpu.memory_space<vmem>>, vector<1x16xf32>,
        %parallel_loop3A_513 = vector.shape_cast %parallel_loop3A_512 : vector<1x16xf32> to vector<16xf32>
        %parallel_loop3A_514 = vector.extract_strided_slice %parallel_loop3A_488 {offsets = [1], sizes = [1], strides = [1]} : vector<16xf32> to vector<1xf32>
        %parallel_loop3A_515 = vector.extract %parallel_loop3A_514[0] : f32 from vector<1xf32>
        %parallel_loop3A_516 = vector.broadcast %parallel_loop3A_515 : f32 to vector<16xf32>
        %parallel_loop3A_517 = arith.mulf %parallel_loop3A_513, %parallel_loop3A_516 : vector<16xf32>
        %parallel_loop3A_518 = arith.index_cast %parallel_loop3A_473 : i32 to index
        %parallel_loop3A_519 = arith.constant 16 : index
        %parallel_loop3A_520 = tpu.vector_load %arg20[%parallel_loop3A_518, %parallel_loop3A_519] {strides = array<i32>} : memref<50x128xf32, #tpu.memory_space<vmem>>, vector<1x16xf32>,
        %parallel_loop3A_521 = vector.shape_cast %parallel_loop3A_520 : vector<1x16xf32> to vector<16xf32>
        %parallel_loop3A_522 = vector.shape_cast %parallel_loop3A_517 : vector<16xf32> to vector<1x16xf32>
        tpu.vector_store %arg20[%parallel_loop3A_518, %parallel_loop3A_519], %parallel_loop3A_522 {strides = array<i32>} : memref<50x128xf32, #tpu.memory_space<vmem>>, vector<1x16xf32>,
        %parallel_loop3A_523 = arith.index_cast %parallel_loop3A_473 : i32 to index
        %parallel_loop3A_524 = arith.constant 32 : index
        %parallel_loop3A_525 = tpu.vector_load %arg18[%parallel_loop3A_523, %parallel_loop3A_524] {strides = array<i32>} : memref<50x128xf32, #tpu.memory_space<vmem>>, vector<1x16xf32>,
        %parallel_loop3A_526 = vector.shape_cast %parallel_loop3A_525 : vector<1x16xf32> to vector<16xf32>
        %parallel_loop3A_527 = vector.extract_strided_slice %parallel_loop3A_488 {offsets = [2], sizes = [1], strides = [1]} : vector<16xf32> to vector<1xf32>
        %parallel_loop3A_528 = vector.extract %parallel_loop3A_527[0] : f32 from vector<1xf32>
        %parallel_loop3A_529 = vector.broadcast %parallel_loop3A_528 : f32 to vector<16xf32>
        %parallel_loop3A_530 = arith.mulf %parallel_loop3A_526, %parallel_loop3A_529 : vector<16xf32>
        %parallel_loop3A_531 = arith.index_cast %parallel_loop3A_473 : i32 to index
        %parallel_loop3A_532 = arith.constant 32 : index
        %parallel_loop3A_533 = tpu.vector_load %arg20[%parallel_loop3A_531, %parallel_loop3A_532] {strides = array<i32>} : memref<50x128xf32, #tpu.memory_space<vmem>>, vector<1x16xf32>,
        %parallel_loop3A_534 = vector.shape_cast %parallel_loop3A_533 : vector<1x16xf32> to vector<16xf32>
        %parallel_loop3A_535 = vector.shape_cast %parallel_loop3A_530 : vector<16xf32> to vector<1x16xf32>
        tpu.vector_store %arg20[%parallel_loop3A_531, %parallel_loop3A_532], %parallel_loop3A_535 {strides = array<i32>} : memref<50x128xf32, #tpu.memory_space<vmem>>, vector<1x16xf32>,
        %parallel_loop3A_536 = arith.index_cast %parallel_loop3A_473 : i32 to index
        %parallel_loop3A_537 = arith.constant 48 : index
        %parallel_loop3A_538 = tpu.vector_load %arg18[%parallel_loop3A_536, %parallel_loop3A_537] {strides = array<i32>} : memref<50x128xf32, #tpu.memory_space<vmem>>, vector<1x16xf32>,
        %parallel_loop3A_539 = vector.shape_cast %parallel_loop3A_538 : vector<1x16xf32> to vector<16xf32>
        %parallel_loop3A_540 = vector.extract_strided_slice %parallel_loop3A_488 {offsets = [3], sizes = [1], strides = [1]} : vector<16xf32> to vector<1xf32>
        %parallel_loop3A_541 = vector.extract %parallel_loop3A_540[0] : f32 from vector<1xf32>
        %parallel_loop3A_542 = vector.broadcast %parallel_loop3A_541 : f32 to vector<16xf32>
        %parallel_loop3A_543 = arith.mulf %parallel_loop3A_539, %parallel_loop3A_542 : vector<16xf32>
        %parallel_loop3A_544 = arith.index_cast %parallel_loop3A_473 : i32 to index
        %parallel_loop3A_545 = arith.constant 48 : index
        %parallel_loop3A_546 = tpu.vector_load %arg20[%parallel_loop3A_544, %parallel_loop3A_545] {strides = array<i32>} : memref<50x128xf32, #tpu.memory_space<vmem>>, vector<1x16xf32>,
        %parallel_loop3A_547 = vector.shape_cast %parallel_loop3A_546 : vector<1x16xf32> to vector<16xf32>
        %parallel_loop3A_548 = vector.shape_cast %parallel_loop3A_543 : vector<16xf32> to vector<1x16xf32>
        tpu.vector_store %arg20[%parallel_loop3A_544, %parallel_loop3A_545], %parallel_loop3A_548 {strides = array<i32>} : memref<50x128xf32, #tpu.memory_space<vmem>>, vector<1x16xf32>,
        %parallel_loop3A_549 = arith.index_cast %parallel_loop3A_473 : i32 to index
        %parallel_loop3A_550 = arith.constant 64 : index
        %parallel_loop3A_551 = tpu.vector_load %arg18[%parallel_loop3A_549, %parallel_loop3A_550] {strides = array<i32>} : memref<50x128xf32, #tpu.memory_space<vmem>>, vector<1x16xf32>,
        %parallel_loop3A_552 = vector.shape_cast %parallel_loop3A_551 : vector<1x16xf32> to vector<16xf32>
        %parallel_loop3A_553 = vector.extract_strided_slice %parallel_loop3A_488 {offsets = [4], sizes = [1], strides = [1]} : vector<16xf32> to vector<1xf32>
        %parallel_loop3A_554 = vector.extract %parallel_loop3A_553[0] : f32 from vector<1xf32>
        %parallel_loop3A_555 = vector.broadcast %parallel_loop3A_554 : f32 to vector<16xf32>
        %parallel_loop3A_556 = arith.mulf %parallel_loop3A_552, %parallel_loop3A_555 : vector<16xf32>
        %parallel_loop3A_557 = arith.index_cast %parallel_loop3A_473 : i32 to index
        %parallel_loop3A_558 = arith.constant 64 : index
        %parallel_loop3A_559 = tpu.vector_load %arg20[%parallel_loop3A_557, %parallel_loop3A_558] {strides = array<i32>} : memref<50x128xf32, #tpu.memory_space<vmem>>, vector<1x16xf32>,
        %parallel_loop3A_560 = vector.shape_cast %parallel_loop3A_559 : vector<1x16xf32> to vector<16xf32>
        %parallel_loop3A_561 = vector.shape_cast %parallel_loop3A_556 : vector<16xf32> to vector<1x16xf32>
        tpu.vector_store %arg20[%parallel_loop3A_557, %parallel_loop3A_558], %parallel_loop3A_561 {strides = array<i32>} : memref<50x128xf32, #tpu.memory_space<vmem>>, vector<1x16xf32>,
        %parallel_loop3A_562 = arith.index_cast %parallel_loop3A_473 : i32 to index
        %parallel_loop3A_563 = arith.constant 80 : index
        %parallel_loop3A_564 = tpu.vector_load %arg18[%parallel_loop3A_562, %parallel_loop3A_563] {strides = array<i32>} : memref<50x128xf32, #tpu.memory_space<vmem>>, vector<1x16xf32>,
        %parallel_loop3A_565 = vector.shape_cast %parallel_loop3A_564 : vector<1x16xf32> to vector<16xf32>
        %parallel_loop3A_566 = vector.extract_strided_slice %parallel_loop3A_488 {offsets = [5], sizes = [1], strides = [1]} : vector<16xf32> to vector<1xf32>
        %parallel_loop3A_567 = vector.extract %parallel_loop3A_566[0] : f32 from vector<1xf32>
        %parallel_loop3A_568 = vector.broadcast %parallel_loop3A_567 : f32 to vector<16xf32>
        %parallel_loop3A_569 = arith.mulf %parallel_loop3A_565, %parallel_loop3A_568 : vector<16xf32>
        %parallel_loop3A_570 = arith.index_cast %parallel_loop3A_473 : i32 to index
        %parallel_loop3A_571 = arith.constant 80 : index
        %parallel_loop3A_572 = tpu.vector_load %arg20[%parallel_loop3A_570, %parallel_loop3A_571] {strides = array<i32>} : memref<50x128xf32, #tpu.memory_space<vmem>>, vector<1x16xf32>,
        %parallel_loop3A_573 = vector.shape_cast %parallel_loop3A_572 : vector<1x16xf32> to vector<16xf32>
        %parallel_loop3A_574 = vector.shape_cast %parallel_loop3A_569 : vector<16xf32> to vector<1x16xf32>
        tpu.vector_store %arg20[%parallel_loop3A_570, %parallel_loop3A_571], %parallel_loop3A_574 {strides = array<i32>} : memref<50x128xf32, #tpu.memory_space<vmem>>, vector<1x16xf32>,
        %parallel_loop3A_575 = arith.index_cast %parallel_loop3A_473 : i32 to index
        %parallel_loop3A_576 = arith.constant 96 : index
        %parallel_loop3A_577 = tpu.vector_load %arg18[%parallel_loop3A_575, %parallel_loop3A_576] {strides = array<i32>} : memref<50x128xf32, #tpu.memory_space<vmem>>, vector<1x16xf32>,
        %parallel_loop3A_578 = vector.shape_cast %parallel_loop3A_577 : vector<1x16xf32> to vector<16xf32>
        %parallel_loop3A_579 = vector.extract_strided_slice %parallel_loop3A_488 {offsets = [6], sizes = [1], strides = [1]} : vector<16xf32> to vector<1xf32>
        %parallel_loop3A_580 = vector.extract %parallel_loop3A_579[0] : f32 from vector<1xf32>
        %parallel_loop3A_581 = vector.broadcast %parallel_loop3A_580 : f32 to vector<16xf32>
        %parallel_loop3A_582 = arith.mulf %parallel_loop3A_578, %parallel_loop3A_581 : vector<16xf32>
        %parallel_loop3A_583 = arith.index_cast %parallel_loop3A_473 : i32 to index
        %parallel_loop3A_584 = arith.constant 96 : index
        %parallel_loop3A_585 = tpu.vector_load %arg20[%parallel_loop3A_583, %parallel_loop3A_584] {strides = array<i32>} : memref<50x128xf32, #tpu.memory_space<vmem>>, vector<1x16xf32>,
        %parallel_loop3A_586 = vector.shape_cast %parallel_loop3A_585 : vector<1x16xf32> to vector<16xf32>
        %parallel_loop3A_587 = vector.shape_cast %parallel_loop3A_582 : vector<16xf32> to vector<1x16xf32>
        tpu.vector_store %arg20[%parallel_loop3A_583, %parallel_loop3A_584], %parallel_loop3A_587 {strides = array<i32>} : memref<50x128xf32, #tpu.memory_space<vmem>>, vector<1x16xf32>,
        %parallel_loop3A_588 = arith.index_cast %parallel_loop3A_473 : i32 to index
        %parallel_loop3A_589 = arith.constant 112 : index
        %parallel_loop3A_590 = tpu.vector_load %arg18[%parallel_loop3A_588, %parallel_loop3A_589] {strides = array<i32>} : memref<50x128xf32, #tpu.memory_space<vmem>>, vector<1x16xf32>,
        %parallel_loop3A_591 = vector.shape_cast %parallel_loop3A_590 : vector<1x16xf32> to vector<16xf32>
        %parallel_loop3A_592 = vector.extract_strided_slice %parallel_loop3A_488 {offsets = [7], sizes = [1], strides = [1]} : vector<16xf32> to vector<1xf32>
        %parallel_loop3A_593 = vector.extract %parallel_loop3A_592[0] : f32 from vector<1xf32>
        %parallel_loop3A_594 = vector.broadcast %parallel_loop3A_593 : f32 to vector<16xf32>
        %parallel_loop3A_595 = arith.mulf %parallel_loop3A_591, %parallel_loop3A_594 : vector<16xf32>
        %parallel_loop3A_596 = arith.index_cast %parallel_loop3A_473 : i32 to index
        %parallel_loop3A_597 = arith.constant 112 : index
        %parallel_loop3A_598 = tpu.vector_load %arg20[%parallel_loop3A_596, %parallel_loop3A_597] {strides = array<i32>} : memref<50x128xf32, #tpu.memory_space<vmem>>, vector<1x16xf32>,
        %parallel_loop3A_599 = vector.shape_cast %parallel_loop3A_598 : vector<1x16xf32> to vector<16xf32>
        %parallel_loop3A_600 = vector.shape_cast %parallel_loop3A_595 : vector<16xf32> to vector<1x16xf32>
        tpu.vector_store %arg20[%parallel_loop3A_596, %parallel_loop3A_597], %parallel_loop3A_600 {strides = array<i32>} : memref<50x128xf32, #tpu.memory_space<vmem>>, vector<1x16xf32>,
      } {sc.loop_unroll_factor = 4 : i64, sc.parallel_access}
      %lt3A_334 = arith.constant 199 : i32
      %lt3A_335 = arith.cmpi slt, %scan3A_286, %lt3A_334 : i32
      %convert_element_type3A_336 = arith.extui %lt3A_335 : i1 to i32
      %cond3A_337 = arith.constant 0 : i32
      %cond3A_338 = arith.cmpi ne, %convert_element_type3A_336, %cond3A_337 : i32
      scf.if %cond3A_338 {
        %dma_wait3A_473 = arith.constant 0 : i32
        %dma_wait3A_474 = arith.constant 0 : i32
        %dma_wait3A_475 = arith.constant 0 : i32
        %dma_wait3A_476 = arith.constant 0 : i32
        %dma_wait3A_477 = arith.constant 0 : i32
        %dma_wait3A_478 = tpu.memref_slice %arg12[%dma_wait3A_476, %dma_wait3A_477] : memref<6x50xi32, #tpu.memory_space<vmem>> -> memref<1x50xi32, #tpu.memory_space<vmem>>
        %dma_wait3A_479 = tpu.memref_squeeze %dma_wait3A_478 : memref<1x50xi32, #tpu.memory_space<vmem>> -> memref<50xi32, #tpu.memory_space<vmem>>
        %dma_wait3A_480 = arith.constant 0 : i32
        %dma_wait3A_481 = tpu.memref_slice %arg5[%dma_wait3A_473, %dma_wait3A_474, %dma_wait3A_475, %dma_wait3A_480] : memref<2x16x400x50xi32, #tpu.memory_space<hbm>> -> memref<1x1x1x50xi32, #tpu.memory_space<hbm>>
        %dma_wait3A_482 = tpu.memref_squeeze %dma_wait3A_481 : memref<1x1x1x50xi32, #tpu.memory_space<hbm>> -> memref<50xi32, #tpu.memory_space<hbm>>
        %dma_wait3A_483 = arith.constant 0 : i32
        %dma_wait3A_484 = tpu.memref_slice %arg12[%dma_wait3A_476, %dma_wait3A_483] : memref<6x50xi32, #tpu.memory_space<vmem>> -> memref<1x50xi32, #tpu.memory_space<vmem>>
        %dma_wait3A_485 = tpu.memref_squeeze %dma_wait3A_484 : memref<1x50xi32, #tpu.memory_space<vmem>> -> memref<50xi32, #tpu.memory_space<vmem>>
        %dma_wait3A_486 = arith.constant 0 : i32
        %dma_wait3A_487 = tpu.memref_slice %arg5[%dma_wait3A_473, %dma_wait3A_474, %dma_wait3A_475, %dma_wait3A_486] : memref<2x16x400x50xi32, #tpu.memory_space<hbm>> -> memref<1x1x1x50xi32, #tpu.memory_space<hbm>>
        %dma_wait3A_488 = tpu.memref_squeeze %dma_wait3A_487 : memref<1x1x1x50xi32, #tpu.memory_space<hbm>> -> memref<50xi32, #tpu.memory_space<hbm>>
        tpu.wait_dma2 semaphore(%arg31 : memref<!tpu.dma_semaphore, #tpu.memory_space<semaphore_mem>>) src(%dma_wait3A_488 : memref<50xi32, #tpu.memory_space<hbm>>) dst(%dma_wait3A_485 : memref<50xi32, #tpu.memory_space<vmem>>)
        %dma_wait3A_489 = arith.constant 0 : i32
        %dma_wait3A_490 = arith.constant 0 : i32
        %dma_wait3A_491 = arith.constant 0 : i32
        %dma_wait3A_492 = arith.constant 0 : i32
        %dma_wait3A_493 = arith.constant 0 : i32
        %dma_wait3A_494 = tpu.memref_slice %arg13[%dma_wait3A_492, %dma_wait3A_493] : memref<6x50xi32, #tpu.memory_space<vmem>> -> memref<1x50xi32, #tpu.memory_space<vmem>>
        %dma_wait3A_495 = tpu.memref_squeeze %dma_wait3A_494 : memref<1x50xi32, #tpu.memory_space<vmem>> -> memref<50xi32, #tpu.memory_space<vmem>>
        %dma_wait3A_496 = arith.constant 0 : i32
        %dma_wait3A_497 = tpu.memref_slice %arg6[%dma_wait3A_489, %dma_wait3A_490, %dma_wait3A_491, %dma_wait3A_496] : memref<2x16x400x50xi32, #tpu.memory_space<hbm>> -> memref<1x1x1x50xi32, #tpu.memory_space<hbm>>
        %dma_wait3A_498 = tpu.memref_squeeze %dma_wait3A_497 : memref<1x1x1x50xi32, #tpu.memory_space<hbm>> -> memref<50xi32, #tpu.memory_space<hbm>>
        %dma_wait3A_499 = arith.constant 0 : i32
        %dma_wait3A_500 = tpu.memref_slice %arg13[%dma_wait3A_492, %dma_wait3A_499] : memref<6x50xi32, #tpu.memory_space<vmem>> -> memref<1x50xi32, #tpu.memory_space<vmem>>
        %dma_wait3A_501 = tpu.memref_squeeze %dma_wait3A_500 : memref<1x50xi32, #tpu.memory_space<vmem>> -> memref<50xi32, #tpu.memory_space<vmem>>
        %dma_wait3A_502 = arith.constant 0 : i32
        %dma_wait3A_503 = tpu.memref_slice %arg6[%dma_wait3A_489, %dma_wait3A_490, %dma_wait3A_491, %dma_wait3A_502] : memref<2x16x400x50xi32, #tpu.memory_space<hbm>> -> memref<1x1x1x50xi32, #tpu.memory_space<hbm>>
        %dma_wait3A_504 = tpu.memref_squeeze %dma_wait3A_503 : memref<1x1x1x50xi32, #tpu.memory_space<hbm>> -> memref<50xi32, #tpu.memory_space<hbm>>
        tpu.wait_dma2 semaphore(%arg31 : memref<!tpu.dma_semaphore, #tpu.memory_space<semaphore_mem>>) src(%dma_wait3A_504 : memref<50xi32, #tpu.memory_space<hbm>>) dst(%dma_wait3A_501 : memref<50xi32, #tpu.memory_space<vmem>>)
        %add3A_505 = arith.constant 2 : i32
        %add3A_506 = arith.addi %mul3A_288, %add3A_505 : i32
        %jit3A_507 = arith.constant 6 : i32
        %eq3A_508 = arith.constant 0 : i32
        %eq3A_509 = arith.cmpi eq, %jit3A_507, %eq3A_508 : i32
        %jit3A_510 = arith.constant 1 : i32
        %select_n3A_511 = arith.select %eq3A_509, %jit3A_510, %jit3A_507 : i32
        %rem3A_512 = arith.remsi %add3A_506, %select_n3A_511 : i32
        %ne3A_513 = arith.constant 0 : i32
        %ne3A_514 = arith.cmpi ne, %rem3A_512, %ne3A_513 : i32
        %lt3A_515 = arith.constant 0 : i32
        %lt3A_516 = arith.cmpi slt, %rem3A_512, %lt3A_515 : i32
        %lt3A_517 = arith.constant 0 : i32
        %lt3A_518 = arith.cmpi slt, %select_n3A_511, %lt3A_517 : i32
        %ne3A_519 = arith.xori %lt3A_516, %lt3A_518 : i1
        %and3A_520 = arith.andi %ne3A_519, %ne3A_514 : i1
        %add3A_521 = arith.addi %rem3A_512, %select_n3A_511 : i32
        %select_n3A_522 = arith.select %and3A_520, %add3A_521, %rem3A_512 : i32
        %dma_start3A_523 = arith.constant 0 : i32
        %dma_start3A_524 = tpu.memref_slice %arg12[%select_n3A_522, %dma_start3A_523] : memref<6x50xi32, #tpu.memory_space<vmem>> -> memref<1x50xi32, #tpu.memory_space<vmem>>
        %dma_start3A_525 = tpu.memref_squeeze %dma_start3A_524 : memref<1x50xi32, #tpu.memory_space<vmem>> -> memref<50xi32, #tpu.memory_space<vmem>>
        %dma_start3A_526 = arith.constant 0 : i32
        %dma_start3A_527 = arith.constant 0 : i32
        %dma_start3A_528 = tpu.memref_slice %arg3[%arg0, %dma_start3A_526, %dma_start3A_527] : memref<2x10000x16xf32, #tpu.memory_space<hbm>> -> memref<1x10000x16xf32, #tpu.memory_space<hbm>>
        %dma_start3A_529 = tpu.memref_squeeze %dma_start3A_528 : memref<1x10000x16xf32, #tpu.memory_space<hbm>> -> memref<10000x16xf32, #tpu.memory_space<hbm>>
        %dma_start3A_530 = arith.constant 0 : i32
        %dma_start3A_531 = arith.constant 0 : i32
        %dma_start3A_532 = tpu.memref_slice %dma_start3A_529[%dma_start3A_530, %dma_start3A_531] : memref<10000x16xf32, #tpu.memory_space<hbm>> -> memref<10000x16xf32, #tpu.memory_space<hbm>>
        tpu.enqueue_indirect_dma source(%dma_start3A_532 : memref<10000x16xf32, #tpu.memory_space<hbm>>) target(%arg14 : memref<50x16xf32, #tpu.memory_space<vmem>>) offsets(%dma_start3A_525 : memref<50xi32, #tpu.memory_space<vmem>>) semaphore(%arg27 : memref<!tpu.dma_semaphore, #tpu.memory_space<semaphore_mem>>)
        %jit3A_533 = arith.constant 6 : i32
        %eq3A_534 = arith.constant 0 : i32
        %eq3A_535 = arith.cmpi eq, %jit3A_533, %eq3A_534 : i32
        %jit3A_536 = arith.constant 1 : i32
        %select_n3A_537 = arith.select %eq3A_535, %jit3A_536, %jit3A_533 : i32
        %rem3A_538 = arith.remsi %add3A_506, %select_n3A_537 : i32
        %ne3A_539 = arith.constant 0 : i32
        %ne3A_540 = arith.cmpi ne, %rem3A_538, %ne3A_539 : i32
        %lt3A_541 = arith.constant 0 : i32
        %lt3A_542 = arith.cmpi slt, %rem3A_538, %lt3A_541 : i32
        %lt3A_543 = arith.constant 0 : i32
        %lt3A_544 = arith.cmpi slt, %select_n3A_537, %lt3A_543 : i32
        %ne3A_545 = arith.xori %lt3A_542, %lt3A_544 : i1
        %and3A_546 = arith.andi %ne3A_545, %ne3A_540 : i1
        %add3A_547 = arith.addi %rem3A_538, %select_n3A_537 : i32
        %select_n3A_548 = arith.select %and3A_546, %add3A_547, %rem3A_538 : i32
        %dma_start3A_549 = arith.constant 0 : i32
        %dma_start3A_550 = tpu.memref_slice %arg13[%select_n3A_548, %dma_start3A_549] : memref<6x50xi32, #tpu.memory_space<vmem>> -> memref<1x50xi32, #tpu.memory_space<vmem>>
        %dma_start3A_551 = tpu.memref_squeeze %dma_start3A_550 : memref<1x50xi32, #tpu.memory_space<vmem>> -> memref<50xi32, #tpu.memory_space<vmem>>
        %dma_start3A_552 = arith.constant 0 : i32
        %dma_start3A_553 = arith.constant 0 : i32
        %dma_start3A_554 = tpu.memref_slice %arg4[%arg0, %dma_start3A_552, %dma_start3A_553] : memref<2x10000x16xf32, #tpu.memory_space<hbm>> -> memref<1x10000x16xf32, #tpu.memory_space<hbm>>
        %dma_start3A_555 = tpu.memref_squeeze %dma_start3A_554 : memref<1x10000x16xf32, #tpu.memory_space<hbm>> -> memref<10000x16xf32, #tpu.memory_space<hbm>>
        %dma_start3A_556 = arith.constant 0 : i32
        %dma_start3A_557 = arith.constant 0 : i32
        %dma_start3A_558 = tpu.memref_slice %dma_start3A_555[%dma_start3A_556, %dma_start3A_557] : memref<10000x16xf32, #tpu.memory_space<hbm>> -> memref<10000x16xf32, #tpu.memory_space<hbm>>
        tpu.enqueue_indirect_dma source(%dma_start3A_558 : memref<10000x16xf32, #tpu.memory_space<hbm>>) target(%arg16 : memref<50x16xf32, #tpu.memory_space<vmem>>) offsets(%dma_start3A_551 : memref<50xi32, #tpu.memory_space<vmem>>) semaphore(%arg27 : memref<!tpu.dma_semaphore, #tpu.memory_space<semaphore_mem>>)
        %jit3A_559 = arith.constant 6 : i32
        %eq3A_560 = arith.constant 0 : i32
        %eq3A_561 = arith.cmpi eq, %jit3A_559, %eq3A_560 : i32
        %jit3A_562 = arith.constant 1 : i32
        %select_n3A_563 = arith.select %eq3A_561, %jit3A_562, %jit3A_559 : i32
        %rem3A_564 = arith.remsi %add3A_506, %select_n3A_563 : i32
        %ne3A_565 = arith.constant 0 : i32
        %ne3A_566 = arith.cmpi ne, %rem3A_564, %ne3A_565 : i32
        %lt3A_567 = arith.constant 0 : i32
        %lt3A_568 = arith.cmpi slt, %rem3A_564, %lt3A_567 : i32
        %lt3A_569 = arith.constant 0 : i32
        %lt3A_570 = arith.cmpi slt, %select_n3A_563, %lt3A_569 : i32
        %ne3A_571 = arith.xori %lt3A_568, %lt3A_570 : i1
        %and3A_572 = arith.andi %ne3A_571, %ne3A_566 : i1
        %add3A_573 = arith.addi %rem3A_564, %select_n3A_563 : i32
        %select_n3A_574 = arith.select %and3A_572, %add3A_573, %rem3A_564 : i32
        %dma_start3A_575 = arith.constant 0 : i32
        %dma_start3A_576 = tpu.memref_slice %arg12[%select_n3A_574, %dma_start3A_575] : memref<6x50xi32, #tpu.memory_space<vmem>> -> memref<1x50xi32, #tpu.memory_space<vmem>>
        %dma_start3A_577 = tpu.memref_squeeze %dma_start3A_576 : memref<1x50xi32, #tpu.memory_space<vmem>> -> memref<50xi32, #tpu.memory_space<vmem>>
        %dma_start3A_578 = arith.constant 0 : i32
        %dma_start3A_579 = arith.constant 0 : i32
        %dma_start3A_580 = tpu.memref_slice %arg2[%arg0, %dma_start3A_578, %dma_start3A_579] : memref<2x10000x128xf32, #tpu.memory_space<hbm>> -> memref<1x10000x128xf32, #tpu.memory_space<hbm>>
        %dma_start3A_581 = tpu.memref_squeeze %dma_start3A_580 : memref<1x10000x128xf32, #tpu.memory_space<hbm>> -> memref<10000x128xf32, #tpu.memory_space<hbm>>
        %dma_start3A_582 = arith.constant 0 : i32
        %dma_start3A_583 = arith.constant 0 : i32
        %dma_start3A_584 = tpu.memref_slice %dma_start3A_581[%dma_start3A_582, %dma_start3A_583] : memref<10000x128xf32, #tpu.memory_space<hbm>> -> memref<10000x128xf32, #tpu.memory_space<hbm>>
        tpu.enqueue_indirect_dma source(%dma_start3A_584 : memref<10000x128xf32, #tpu.memory_space<hbm>>) target(%arg18 : memref<50x128xf32, #tpu.memory_space<vmem>>) offsets(%dma_start3A_577 : memref<50xi32, #tpu.memory_space<vmem>>) semaphore(%arg27 : memref<!tpu.dma_semaphore, #tpu.memory_space<semaphore_mem>>)
      } else {
      }
      %jit3A = arith.constant 6 : i32
      %eq3A_339 = arith.constant 0 : i32
      %eq3A_340 = arith.cmpi eq, %jit3A, %eq3A_339 : i32
      %jit3A_341 = arith.constant 1 : i32
      %select_n3A = arith.select %eq3A_340, %jit3A_341, %jit3A : i32
      %rem3A = arith.remsi %mul3A_288, %select_n3A : i32
      %ne3A = arith.constant 0 : i32
      %ne3A_342 = arith.cmpi ne, %rem3A, %ne3A : i32
      %lt3A_343 = arith.constant 0 : i32
      %lt3A_344 = arith.cmpi slt, %rem3A, %lt3A_343 : i32
      %lt3A_345 = arith.constant 0 : i32
      %lt3A_346 = arith.cmpi slt, %select_n3A, %lt3A_345 : i32
      %ne3A_347 = arith.xori %lt3A_344, %lt3A_346 : i1
      %and3A = arith.andi %ne3A_347, %ne3A_342 : i1
      %add3A_348 = arith.addi %rem3A, %select_n3A : i32
      %select_n3A_349 = arith.select %and3A, %add3A_348, %rem3A : i32
      %dma_start3A_350 = arith.constant 0 : i32
      %dma_start3A_351 = tpu.memref_slice %arg13[%select_n3A_349, %dma_start3A_350] : memref<6x50xi32, #tpu.memory_space<vmem>> -> memref<1x50xi32, #tpu.memory_space<vmem>>
      %dma_start3A_352 = tpu.memref_squeeze %dma_start3A_351 : memref<1x50xi32, #tpu.memory_space<vmem>> -> memref<50xi32, #tpu.memory_space<vmem>>
      %dma_start3A_353 = arith.constant 0 : i32
      %dma_start3A_354 = arith.constant 0 : i32
      %dma_start3A_355 = tpu.memref_slice %arg26[%dma_start3A_353, %dma_start3A_354] : memref<10008x16xf32, #tpu.memory_space<vmem_shared>> -> memref<10008x16xf32, #tpu.memory_space<vmem_shared>>
      tpu.enqueue_indirect_dma source(%arg22 : memref<50x16xf32, #tpu.memory_space<vmem>>) target(%dma_start3A_355 : memref<10008x16xf32, #tpu.memory_space<vmem_shared>>) offsets(%dma_start3A_352 : memref<50xi32, #tpu.memory_space<vmem>>) semaphore(%arg29 : memref<!tpu.dma_semaphore, #tpu.memory_space<semaphore_mem>>) {add = true}
      %jit3A_356 = arith.constant 6 : i32
      %eq3A_357 = arith.constant 0 : i32
      %eq3A_358 = arith.cmpi eq, %jit3A_356, %eq3A_357 : i32
      %jit3A_359 = arith.constant 1 : i32
      %select_n3A_360 = arith.select %eq3A_358, %jit3A_359, %jit3A_356 : i32
      %rem3A_361 = arith.remsi %mul3A_288, %select_n3A_360 : i32
      %ne3A_362 = arith.constant 0 : i32
      %ne3A_363 = arith.cmpi ne, %rem3A_361, %ne3A_362 : i32
      %lt3A_364 = arith.constant 0 : i32
      %lt3A_365 = arith.cmpi slt, %rem3A_361, %lt3A_364 : i32
      %lt3A_366 = arith.constant 0 : i32
      %lt3A_367 = arith.cmpi slt, %select_n3A_360, %lt3A_366 : i32
      %ne3A_368 = arith.xori %lt3A_365, %lt3A_367 : i1
      %and3A_369 = arith.andi %ne3A_368, %ne3A_363 : i1
      %add3A_370 = arith.addi %rem3A_361, %select_n3A_360 : i32
      %select_n3A_371 = arith.select %and3A_369, %add3A_370, %rem3A_361 : i32
      %dma_start3A_372 = arith.constant 0 : i32
      %dma_start3A_373 = tpu.memref_slice %arg13[%select_n3A_371, %dma_start3A_372] : memref<6x50xi32, #tpu.memory_space<vmem>> -> memref<1x50xi32, #tpu.memory_space<vmem>>
      %dma_start3A_374 = tpu.memref_squeeze %dma_start3A_373 : memref<1x50xi32, #tpu.memory_space<vmem>> -> memref<50xi32, #tpu.memory_space<vmem>>
      %dma_start3A_375 = arith.constant 0 : i32
      %dma_start3A_376 = arith.constant 0 : i32
      %dma_start3A_377 = tpu.memref_slice %arg25[%dma_start3A_375, %dma_start3A_376] : memref<10008x128xf32, #tpu.memory_space<vmem_shared>> -> memref<10008x128xf32, #tpu.memory_space<vmem_shared>>
      tpu.enqueue_indirect_dma source(%arg20 : memref<50x128xf32, #tpu.memory_space<vmem>>) target(%dma_start3A_377 : memref<10008x128xf32, #tpu.memory_space<vmem_shared>>) offsets(%dma_start3A_374 : memref<50xi32, #tpu.memory_space<vmem>>) semaphore(%arg29 : memref<!tpu.dma_semaphore, #tpu.memory_space<semaphore_mem>>) {add = true}
      %dma_wait3A_378 = arith.constant 0 : i32
      %dma_wait3A_379 = arith.constant 0 : i32
      %dma_wait3A_380 = tpu.memref_slice %arg12[%dma_wait3A_378, %dma_wait3A_379] : memref<6x50xi32, #tpu.memory_space<vmem>> -> memref<1x50xi32, #tpu.memory_space<vmem>>
      %dma_wait3A_381 = tpu.memref_squeeze %dma_wait3A_380 : memref<1x50xi32, #tpu.memory_space<vmem>> -> memref<50xi32, #tpu.memory_space<vmem>>
      %dma_wait3A_382 = arith.constant 0 : i32
      %dma_wait3A_383 = arith.constant 0 : i32
      %dma_wait3A_384 = tpu.memref_slice %arg3[%arg0, %dma_wait3A_382, %dma_wait3A_383] : memref<2x10000x16xf32, #tpu.memory_space<hbm>> -> memref<1x10000x16xf32, #tpu.memory_space<hbm>>
      %dma_wait3A_385 = tpu.memref_squeeze %dma_wait3A_384 : memref<1x10000x16xf32, #tpu.memory_space<hbm>> -> memref<10000x16xf32, #tpu.memory_space<hbm>>
      %dma_wait3A_386 = arith.constant 0 : i32
      %dma_wait3A_387 = arith.constant 0 : i32
      %dma_wait3A_388 = tpu.memref_slice %dma_wait3A_385[%dma_wait3A_386, %dma_wait3A_387] : memref<10000x16xf32, #tpu.memory_space<hbm>> -> memref<10000x16xf32, #tpu.memory_space<hbm>>
      tpu.wait_indirect_dma semaphore(%arg28 : memref<!tpu.dma_semaphore, #tpu.memory_space<semaphore_mem>>) src(%dma_wait3A_388 : memref<10000x16xf32, #tpu.memory_space<hbm>>) dst(%arg15 : memref<50x16xf32, #tpu.memory_space<vmem>>)
      %dma_wait3A_389 = arith.constant 0 : i32
      %dma_wait3A_390 = arith.constant 0 : i32
      %dma_wait3A_391 = tpu.memref_slice %arg13[%dma_wait3A_389, %dma_wait3A_390] : memref<6x50xi32, #tpu.memory_space<vmem>> -> memref<1x50xi32, #tpu.memory_space<vmem>>
      %dma_wait3A_392 = tpu.memref_squeeze %dma_wait3A_391 : memref<1x50xi32, #tpu.memory_space<vmem>> -> memref<50xi32, #tpu.memory_space<vmem>>
      %dma_wait3A_393 = arith.constant 0 : i32
      %dma_wait3A_394 = arith.constant 0 : i32
      %dma_wait3A_395 = tpu.memref_slice %arg4[%arg0, %dma_wait3A_393, %dma_wait3A_394] : memref<2x10000x16xf32, #tpu.memory_space<hbm>> -> memref<1x10000x16xf32, #tpu.memory_space<hbm>>
      %dma_wait3A_396 = tpu.memref_squeeze %dma_wait3A_395 : memref<1x10000x16xf32, #tpu.memory_space<hbm>> -> memref<10000x16xf32, #tpu.memory_space<hbm>>
      %dma_wait3A_397 = arith.constant 0 : i32
      %dma_wait3A_398 = arith.constant 0 : i32
      %dma_wait3A_399 = tpu.memref_slice %dma_wait3A_396[%dma_wait3A_397, %dma_wait3A_398] : memref<10000x16xf32, #tpu.memory_space<hbm>> -> memref<10000x16xf32, #tpu.memory_space<hbm>>
      tpu.wait_indirect_dma semaphore(%arg28 : memref<!tpu.dma_semaphore, #tpu.memory_space<semaphore_mem>>) src(%dma_wait3A_399 : memref<10000x16xf32, #tpu.memory_space<hbm>>) dst(%arg17 : memref<50x16xf32, #tpu.memory_space<vmem>>)
      %dma_wait3A_400 = arith.constant 0 : i32
      %dma_wait3A_401 = arith.constant 0 : i32
      %dma_wait3A_402 = tpu.memref_slice %arg12[%dma_wait3A_400, %dma_wait3A_401] : memref<6x50xi32, #tpu.memory_space<vmem>> -> memref<1x50xi32, #tpu.memory_space<vmem>>
      %dma_wait3A_403 = tpu.memref_squeeze %dma_wait3A_402 : memref<1x50xi32, #tpu.memory_space<vmem>> -> memref<50xi32, #tpu.memory_space<vmem>>
      %dma_wait3A_404 = arith.constant 0 : i32
      %dma_wait3A_405 = arith.constant 0 : i32
      %dma_wait3A_406 = tpu.memref_slice %arg2[%arg0, %dma_wait3A_404, %dma_wait3A_405] : memref<2x10000x128xf32, #tpu.memory_space<hbm>> -> memref<1x10000x128xf32, #tpu.memory_space<hbm>>
      %dma_wait3A_407 = tpu.memref_squeeze %dma_wait3A_406 : memref<1x10000x128xf32, #tpu.memory_space<hbm>> -> memref<10000x128xf32, #tpu.memory_space<hbm>>
      %dma_wait3A_408 = arith.constant 0 : i32
      %dma_wait3A_409 = arith.constant 0 : i32
      %dma_wait3A_410 = tpu.memref_slice %dma_wait3A_407[%dma_wait3A_408, %dma_wait3A_409] : memref<10000x128xf32, #tpu.memory_space<hbm>> -> memref<10000x128xf32, #tpu.memory_space<hbm>>
      tpu.wait_indirect_dma semaphore(%arg28 : memref<!tpu.dma_semaphore, #tpu.memory_space<semaphore_mem>>) src(%dma_wait3A_410 : memref<10000x128xf32, #tpu.memory_space<hbm>>) dst(%arg19 : memref<50x128xf32, #tpu.memory_space<vmem>>)
      %ge3A_411 = arith.constant 1 : i32
      %ge3A_412 = arith.cmpi sge, %scan3A_286, %ge3A_411 : i32
      %convert_element_type3A_413 = arith.extui %ge3A_412 : i1 to i32
      %cond3A_414 = arith.constant 0 : i32
      %cond3A_415 = arith.cmpi ne, %convert_element_type3A_413, %cond3A_414 : i32
      scf.if %cond3A_415 {
        %dma_wait3A_473 = arith.constant 0 : i32
        %dma_wait3A_474 = arith.constant 0 : i32
        %dma_wait3A_475 = tpu.memref_slice %arg13[%dma_wait3A_473, %dma_wait3A_474] : memref<6x50xi32, #tpu.memory_space<vmem>> -> memref<1x50xi32, #tpu.memory_space<vmem>>
        %dma_wait3A_476 = tpu.memref_squeeze %dma_wait3A_475 : memref<1x50xi32, #tpu.memory_space<vmem>> -> memref<50xi32, #tpu.memory_space<vmem>>
        %dma_wait3A_477 = arith.constant 0 : i32
        %dma_wait3A_478 = arith.constant 0 : i32
        %dma_wait3A_479 = tpu.memref_slice %arg26[%dma_wait3A_477, %dma_wait3A_478] : memref<10008x16xf32, #tpu.memory_space<vmem_shared>> -> memref<10008x16xf32, #tpu.memory_space<vmem_shared>>
        tpu.wait_indirect_dma semaphore(%arg30 : memref<!tpu.dma_semaphore, #tpu.memory_space<semaphore_mem>>) src(%arg23 : memref<50x16xf32, #tpu.memory_space<vmem>>) dst(%dma_wait3A_479 : memref<10008x16xf32, #tpu.memory_space<vmem_shared>>)
        %dma_wait3A_480 = arith.constant 0 : i32
        %dma_wait3A_481 = arith.constant 0 : i32
        %dma_wait3A_482 = tpu.memref_slice %arg13[%dma_wait3A_480, %dma_wait3A_481] : memref<6x50xi32, #tpu.memory_space<vmem>> -> memref<1x50xi32, #tpu.memory_space<vmem>>
        %dma_wait3A_483 = tpu.memref_squeeze %dma_wait3A_482 : memref<1x50xi32, #tpu.memory_space<vmem>> -> memref<50xi32, #tpu.memory_space<vmem>>
        %dma_wait3A_484 = arith.constant 0 : i32
        %dma_wait3A_485 = arith.constant 0 : i32
        %dma_wait3A_486 = tpu.memref_slice %arg25[%dma_wait3A_484, %dma_wait3A_485] : memref<10008x128xf32, #tpu.memory_space<vmem_shared>> -> memref<10008x128xf32, #tpu.memory_space<vmem_shared>>
        tpu.wait_indirect_dma semaphore(%arg30 : memref<!tpu.dma_semaphore, #tpu.memory_space<semaphore_mem>>) src(%arg21 : memref<50x128xf32, #tpu.memory_space<vmem>>) dst(%dma_wait3A_486 : memref<10008x128xf32, #tpu.memory_space<vmem_shared>>)
      } else {
      }
      %lt3A_416 = arith.constant 198 : i32
      %lt3A_417 = arith.cmpi slt, %scan3A_286, %lt3A_416 : i32
      %convert_element_type3A_418 = arith.extui %lt3A_417 : i1 to i32
      %cond3A_419 = arith.constant 0 : i32
      %cond3A_420 = arith.cmpi ne, %convert_element_type3A_418, %cond3A_419 : i32
      scf.if %cond3A_420 {
        %add3A_473 = arith.constant 4 : i32
        %add3A_474 = arith.addi %add3A_289, %add3A_473 : i32
        %jit3A_475 = arith.constant 6 : i32
        %eq3A_476 = arith.constant 0 : i32
        %eq3A_477 = arith.cmpi eq, %jit3A_475, %eq3A_476 : i32
        %jit3A_478 = arith.constant 1 : i32
        %select_n3A_479 = arith.select %eq3A_477, %jit3A_478, %jit3A_475 : i32
        %rem3A_480 = arith.remsi %add3A_474, %select_n3A_479 : i32
        %ne3A_481 = arith.constant 0 : i32
        %ne3A_482 = arith.cmpi ne, %rem3A_480, %ne3A_481 : i32
        %lt3A_483 = arith.constant 0 : i32
        %lt3A_484 = arith.cmpi slt, %rem3A_480, %lt3A_483 : i32
        %lt3A_485 = arith.constant 0 : i32
        %lt3A_486 = arith.cmpi slt, %select_n3A_479, %lt3A_485 : i32
        %ne3A_487 = arith.xori %lt3A_484, %lt3A_486 : i1
        %and3A_488 = arith.andi %ne3A_487, %ne3A_482 : i1
        %add3A_489 = arith.addi %rem3A_480, %select_n3A_479 : i32
        %select_n3A_490 = arith.select %and3A_488, %add3A_489, %rem3A_480 : i32
        %dma_start3A_491 = arith.constant 0 : i32
        %dma_start3A_492 = tpu.memref_slice %arg12[%select_n3A_490, %dma_start3A_491] : memref<6x50xi32, #tpu.memory_space<vmem>> -> memref<1x50xi32, #tpu.memory_space<vmem>>
        %dma_start3A_493 = tpu.memref_squeeze %dma_start3A_492 : memref<1x50xi32, #tpu.memory_space<vmem>> -> memref<50xi32, #tpu.memory_space<vmem>>
        %dma_start3A_494 = arith.constant 0 : i32
        %dma_start3A_495 = tpu.memref_slice %arg5[%arg0, %arg1, %add3A_474, %dma_start3A_494] : memref<2x16x400x50xi32, #tpu.memory_space<hbm>> -> memref<1x1x1x50xi32, #tpu.memory_space<hbm>>
        %dma_start3A_496 = tpu.memref_squeeze %dma_start3A_495 : memref<1x1x1x50xi32, #tpu.memory_space<hbm>> -> memref<50xi32, #tpu.memory_space<hbm>>
        %dma_start3A_497 = arith.constant 0 : i32
        %dma_start3A_498 = tpu.memref_slice %arg12[%select_n3A_490, %dma_start3A_497] : memref<6x50xi32, #tpu.memory_space<vmem>> -> memref<1x50xi32, #tpu.memory_space<vmem>>
        %dma_start3A_499 = tpu.memref_squeeze %dma_start3A_498 : memref<1x50xi32, #tpu.memory_space<vmem>> -> memref<50xi32, #tpu.memory_space<vmem>>
        %dma_start3A_500 = arith.constant 0 : i32
        %dma_start3A_501 = tpu.memref_slice %arg5[%arg0, %arg1, %add3A_474, %dma_start3A_500] : memref<2x16x400x50xi32, #tpu.memory_space<hbm>> -> memref<1x1x1x50xi32, #tpu.memory_space<hbm>>
        %dma_start3A_502 = tpu.memref_squeeze %dma_start3A_501 : memref<1x1x1x50xi32, #tpu.memory_space<hbm>> -> memref<50xi32, #tpu.memory_space<hbm>>
        tpu.enqueue_dma source(%dma_start3A_502 : memref<50xi32, #tpu.memory_space<hbm>>) target(%dma_start3A_499 : memref<50xi32, #tpu.memory_space<vmem>>) target_semaphore(%arg32 : memref<!tpu.dma_semaphore, #tpu.memory_space<semaphore_mem>>)
        %jit3A_503 = arith.constant 6 : i32
        %eq3A_504 = arith.constant 0 : i32
        %eq3A_505 = arith.cmpi eq, %jit3A_503, %eq3A_504 : i32
        %jit3A_506 = arith.constant 1 : i32
        %select_n3A_507 = arith.select %eq3A_505, %jit3A_506, %jit3A_503 : i32
        %rem3A_508 = arith.remsi %add3A_474, %select_n3A_507 : i32
        %ne3A_509 = arith.constant 0 : i32
        %ne3A_510 = arith.cmpi ne, %rem3A_508, %ne3A_509 : i32
        %lt3A_511 = arith.constant 0 : i32
        %lt3A_512 = arith.cmpi slt, %rem3A_508, %lt3A_511 : i32
        %lt3A_513 = arith.constant 0 : i32
        %lt3A_514 = arith.cmpi slt, %select_n3A_507, %lt3A_513 : i32
        %ne3A_515 = arith.xori %lt3A_512, %lt3A_514 : i1
        %and3A_516 = arith.andi %ne3A_515, %ne3A_510 : i1
        %add3A_517 = arith.addi %rem3A_508, %select_n3A_507 : i32
        %select_n3A_518 = arith.select %and3A_516, %add3A_517, %rem3A_508 : i32
        %dma_start3A_519 = arith.constant 0 : i32
        %dma_start3A_520 = tpu.memref_slice %arg13[%select_n3A_518, %dma_start3A_519] : memref<6x50xi32, #tpu.memory_space<vmem>> -> memref<1x50xi32, #tpu.memory_space<vmem>>
        %dma_start3A_521 = tpu.memref_squeeze %dma_start3A_520 : memref<1x50xi32, #tpu.memory_space<vmem>> -> memref<50xi32, #tpu.memory_space<vmem>>
        %dma_start3A_522 = arith.constant 0 : i32
        %dma_start3A_523 = tpu.memref_slice %arg6[%arg0, %arg1, %add3A_474, %dma_start3A_522] : memref<2x16x400x50xi32, #tpu.memory_space<hbm>> -> memref<1x1x1x50xi32, #tpu.memory_space<hbm>>
        %dma_start3A_524 = tpu.memref_squeeze %dma_start3A_523 : memref<1x1x1x50xi32, #tpu.memory_space<hbm>> -> memref<50xi32, #tpu.memory_space<hbm>>
        %dma_start3A_525 = arith.constant 0 : i32
        %dma_start3A_526 = tpu.memref_slice %arg13[%select_n3A_518, %dma_start3A_525] : memref<6x50xi32, #tpu.memory_space<vmem>> -> memref<1x50xi32, #tpu.memory_space<vmem>>
        %dma_start3A_527 = tpu.memref_squeeze %dma_start3A_526 : memref<1x50xi32, #tpu.memory_space<vmem>> -> memref<50xi32, #tpu.memory_space<vmem>>
        %dma_start3A_528 = arith.constant 0 : i32
        %dma_start3A_529 = tpu.memref_slice %arg6[%arg0, %arg1, %add3A_474, %dma_start3A_528] : memref<2x16x400x50xi32, #tpu.memory_space<hbm>> -> memref<1x1x1x50xi32, #tpu.memory_space<hbm>>
        %dma_start3A_530 = tpu.memref_squeeze %dma_start3A_529 : memref<1x1x1x50xi32, #tpu.memory_space<hbm>> -> memref<50xi32, #tpu.memory_space<hbm>>
        tpu.enqueue_dma source(%dma_start3A_530 : memref<50xi32, #tpu.memory_space<hbm>>) target(%dma_start3A_527 : memref<50xi32, #tpu.memory_space<vmem>>) target_semaphore(%arg32 : memref<!tpu.dma_semaphore, #tpu.memory_space<semaphore_mem>>)
      } else {
      }
      %parallel_loop3A_421 = arith.constant 0 : i32
      %parallel_loop3A_422 = arith.constant 50 : i32
      %parallel_loop3A_423 = arith.constant 1 : i32
      scf.for %parallel_loop3A_473 = %parallel_loop3A_421 to %parallel_loop3A_422 step %parallel_loop3A_423  : i32 {
        %parallel_loop3A_474 = arith.index_cast %parallel_loop3A_473 : i32 to index
        %parallel_loop3A_475 = arith.constant 0 : index
        %parallel_loop3A_476 = tpu.vector_load %arg15[%parallel_loop3A_474, %parallel_loop3A_475] {strides = array<i32>} : memref<50x16xf32, #tpu.memory_space<vmem>>, vector<1x16xf32>,
        %parallel_loop3A_477 = vector.shape_cast %parallel_loop3A_476 : vector<1x16xf32> to vector<16xf32>
        %parallel_loop3A_478 = arith.index_cast %parallel_loop3A_473 : i32 to index
        %parallel_loop3A_479 = arith.constant 0 : index
        %parallel_loop3A_480 = tpu.vector_load %arg17[%parallel_loop3A_478, %parallel_loop3A_479] {strides = array<i32>} : memref<50x16xf32, #tpu.memory_space<vmem>>, vector<1x16xf32>,
        %parallel_loop3A_481 = vector.shape_cast %parallel_loop3A_480 : vector<1x16xf32> to vector<16xf32>
        %parallel_loop3A_482 = arith.addf %parallel_loop3A_477, %parallel_loop3A_481 : vector<16xf32>
        %parallel_loop3A_483 = arith.constant 2.000000e-01 : f32
        %parallel_loop3A_484 = vector.broadcast %parallel_loop3A_483 : f32 to vector<16xf32>
        %parallel_loop3A_485 = arith.mulf %parallel_loop3A_484, %parallel_loop3A_482 : vector<16xf32>
        %parallel_loop3A_486 = arith.maximumf %parallel_loop3A_482, %parallel_loop3A_485 : vector<16xf32>
        %parallel_loop3A_487 = math.exp %parallel_loop3A_486 : vector<16xf32>
        %parallel_loop3A_488 = arith.mulf %parallel_loop3A_487, %get3A_246 : vector<16xf32>
        %parallel_loop3A_489 = arith.constant 0.000000e+00 : f32
        %parallel_loop3A_490 = vector.broadcast %parallel_loop3A_489 : f32 to vector<16xf32>
        %parallel_loop3A_491 = arith.select %lt3A_244, %parallel_loop3A_488, %parallel_loop3A_490 : vector<16xi1>, vector<16xf32>
        %parallel_loop3A_492 = arith.index_cast %parallel_loop3A_473 : i32 to index
        %parallel_loop3A_493 = arith.constant 0 : index
        %parallel_loop3A_494 = tpu.vector_load %arg23[%parallel_loop3A_492, %parallel_loop3A_493] {strides = array<i32>} : memref<50x16xf32, #tpu.memory_space<vmem>>, vector<1x16xf32>,
        %parallel_loop3A_495 = vector.shape_cast %parallel_loop3A_494 : vector<1x16xf32> to vector<16xf32>
        %parallel_loop3A_496 = vector.shape_cast %parallel_loop3A_491 : vector<16xf32> to vector<1x16xf32>
        tpu.vector_store %arg23[%parallel_loop3A_492, %parallel_loop3A_493], %parallel_loop3A_496 {strides = array<i32>} : memref<50x16xf32, #tpu.memory_space<vmem>>, vector<1x16xf32>,
        %parallel_loop3A_497 = arith.index_cast %parallel_loop3A_473 : i32 to index
        %parallel_loop3A_498 = arith.constant 0 : index
        %parallel_loop3A_499 = tpu.vector_load %arg19[%parallel_loop3A_497, %parallel_loop3A_498] {strides = array<i32>} : memref<50x128xf32, #tpu.memory_space<vmem>>, vector<1x16xf32>,
        %parallel_loop3A_500 = vector.shape_cast %parallel_loop3A_499 : vector<1x16xf32> to vector<16xf32>
        %parallel_loop3A_501 = vector.extract_strided_slice %parallel_loop3A_488 {offsets = [0], sizes = [1], strides = [1]} : vector<16xf32> to vector<1xf32>
        %parallel_loop3A_502 = vector.extract %parallel_loop3A_501[0] : f32 from vector<1xf32>
        %parallel_loop3A_503 = vector.broadcast %parallel_loop3A_502 : f32 to vector<16xf32>
        %parallel_loop3A_504 = arith.mulf %parallel_loop3A_500, %parallel_loop3A_503 : vector<16xf32>
        %parallel_loop3A_505 = arith.index_cast %parallel_loop3A_473 : i32 to index
        %parallel_loop3A_506 = arith.constant 0 : index
        %parallel_loop3A_507 = tpu.vector_load %arg21[%parallel_loop3A_505, %parallel_loop3A_506] {strides = array<i32>} : memref<50x128xf32, #tpu.memory_space<vmem>>, vector<1x16xf32>,
        %parallel_loop3A_508 = vector.shape_cast %parallel_loop3A_507 : vector<1x16xf32> to vector<16xf32>
        %parallel_loop3A_509 = vector.shape_cast %parallel_loop3A_504 : vector<16xf32> to vector<1x16xf32>
        tpu.vector_store %arg21[%parallel_loop3A_505, %parallel_loop3A_506], %parallel_loop3A_509 {strides = array<i32>} : memref<50x128xf32, #tpu.memory_space<vmem>>, vector<1x16xf32>,
        %parallel_loop3A_510 = arith.index_cast %parallel_loop3A_473 : i32 to index
        %parallel_loop3A_511 = arith.constant 16 : index
        %parallel_loop3A_512 = tpu.vector_load %arg19[%parallel_loop3A_510, %parallel_loop3A_511] {strides = array<i32>} : memref<50x128xf32, #tpu.memory_space<vmem>>, vector<1x16xf32>,
        %parallel_loop3A_513 = vector.shape_cast %parallel_loop3A_512 : vector<1x16xf32> to vector<16xf32>
        %parallel_loop3A_514 = vector.extract_strided_slice %parallel_loop3A_488 {offsets = [1], sizes = [1], strides = [1]} : vector<16xf32> to vector<1xf32>
        %parallel_loop3A_515 = vector.extract %parallel_loop3A_514[0] : f32 from vector<1xf32>
        %parallel_loop3A_516 = vector.broadcast %parallel_loop3A_515 : f32 to vector<16xf32>
        %parallel_loop3A_517 = arith.mulf %parallel_loop3A_513, %parallel_loop3A_516 : vector<16xf32>
        %parallel_loop3A_518 = arith.index_cast %parallel_loop3A_473 : i32 to index
        %parallel_loop3A_519 = arith.constant 16 : index
        %parallel_loop3A_520 = tpu.vector_load %arg21[%parallel_loop3A_518, %parallel_loop3A_519] {strides = array<i32>} : memref<50x128xf32, #tpu.memory_space<vmem>>, vector<1x16xf32>,
        %parallel_loop3A_521 = vector.shape_cast %parallel_loop3A_520 : vector<1x16xf32> to vector<16xf32>
        %parallel_loop3A_522 = vector.shape_cast %parallel_loop3A_517 : vector<16xf32> to vector<1x16xf32>
        tpu.vector_store %arg21[%parallel_loop3A_518, %parallel_loop3A_519], %parallel_loop3A_522 {strides = array<i32>} : memref<50x128xf32, #tpu.memory_space<vmem>>, vector<1x16xf32>,
        %parallel_loop3A_523 = arith.index_cast %parallel_loop3A_473 : i32 to index
        %parallel_loop3A_524 = arith.constant 32 : index
        %parallel_loop3A_525 = tpu.vector_load %arg19[%parallel_loop3A_523, %parallel_loop3A_524] {strides = array<i32>} : memref<50x128xf32, #tpu.memory_space<vmem>>, vector<1x16xf32>,
        %parallel_loop3A_526 = vector.shape_cast %parallel_loop3A_525 : vector<1x16xf32> to vector<16xf32>
        %parallel_loop3A_527 = vector.extract_strided_slice %parallel_loop3A_488 {offsets = [2], sizes = [1], strides = [1]} : vector<16xf32> to vector<1xf32>
        %parallel_loop3A_528 = vector.extract %parallel_loop3A_527[0] : f32 from vector<1xf32>
        %parallel_loop3A_529 = vector.broadcast %parallel_loop3A_528 : f32 to vector<16xf32>
        %parallel_loop3A_530 = arith.mulf %parallel_loop3A_526, %parallel_loop3A_529 : vector<16xf32>
        %parallel_loop3A_531 = arith.index_cast %parallel_loop3A_473 : i32 to index
        %parallel_loop3A_532 = arith.constant 32 : index
        %parallel_loop3A_533 = tpu.vector_load %arg21[%parallel_loop3A_531, %parallel_loop3A_532] {strides = array<i32>} : memref<50x128xf32, #tpu.memory_space<vmem>>, vector<1x16xf32>,
        %parallel_loop3A_534 = vector.shape_cast %parallel_loop3A_533 : vector<1x16xf32> to vector<16xf32>
        %parallel_loop3A_535 = vector.shape_cast %parallel_loop3A_530 : vector<16xf32> to vector<1x16xf32>
        tpu.vector_store %arg21[%parallel_loop3A_531, %parallel_loop3A_532], %parallel_loop3A_535 {strides = array<i32>} : memref<50x128xf32, #tpu.memory_space<vmem>>, vector<1x16xf32>,
        %parallel_loop3A_536 = arith.index_cast %parallel_loop3A_473 : i32 to index
        %parallel_loop3A_537 = arith.constant 48 : index
        %parallel_loop3A_538 = tpu.vector_load %arg19[%parallel_loop3A_536, %parallel_loop3A_537] {strides = array<i32>} : memref<50x128xf32, #tpu.memory_space<vmem>>, vector<1x16xf32>,
        %parallel_loop3A_539 = vector.shape_cast %parallel_loop3A_538 : vector<1x16xf32> to vector<16xf32>
        %parallel_loop3A_540 = vector.extract_strided_slice %parallel_loop3A_488 {offsets = [3], sizes = [1], strides = [1]} : vector<16xf32> to vector<1xf32>
        %parallel_loop3A_541 = vector.extract %parallel_loop3A_540[0] : f32 from vector<1xf32>
        %parallel_loop3A_542 = vector.broadcast %parallel_loop3A_541 : f32 to vector<16xf32>
        %parallel_loop3A_543 = arith.mulf %parallel_loop3A_539, %parallel_loop3A_542 : vector<16xf32>
        %parallel_loop3A_544 = arith.index_cast %parallel_loop3A_473 : i32 to index
        %parallel_loop3A_545 = arith.constant 48 : index
        %parallel_loop3A_546 = tpu.vector_load %arg21[%parallel_loop3A_544, %parallel_loop3A_545] {strides = array<i32>} : memref<50x128xf32, #tpu.memory_space<vmem>>, vector<1x16xf32>,
        %parallel_loop3A_547 = vector.shape_cast %parallel_loop3A_546 : vector<1x16xf32> to vector<16xf32>
        %parallel_loop3A_548 = vector.shape_cast %parallel_loop3A_543 : vector<16xf32> to vector<1x16xf32>
        tpu.vector_store %arg21[%parallel_loop3A_544, %parallel_loop3A_545], %parallel_loop3A_548 {strides = array<i32>} : memref<50x128xf32, #tpu.memory_space<vmem>>, vector<1x16xf32>,
        %parallel_loop3A_549 = arith.index_cast %parallel_loop3A_473 : i32 to index
        %parallel_loop3A_550 = arith.constant 64 : index
        %parallel_loop3A_551 = tpu.vector_load %arg19[%parallel_loop3A_549, %parallel_loop3A_550] {strides = array<i32>} : memref<50x128xf32, #tpu.memory_space<vmem>>, vector<1x16xf32>,
        %parallel_loop3A_552 = vector.shape_cast %parallel_loop3A_551 : vector<1x16xf32> to vector<16xf32>
        %parallel_loop3A_553 = vector.extract_strided_slice %parallel_loop3A_488 {offsets = [4], sizes = [1], strides = [1]} : vector<16xf32> to vector<1xf32>
        %parallel_loop3A_554 = vector.extract %parallel_loop3A_553[0] : f32 from vector<1xf32>
        %parallel_loop3A_555 = vector.broadcast %parallel_loop3A_554 : f32 to vector<16xf32>
        %parallel_loop3A_556 = arith.mulf %parallel_loop3A_552, %parallel_loop3A_555 : vector<16xf32>
        %parallel_loop3A_557 = arith.index_cast %parallel_loop3A_473 : i32 to index
        %parallel_loop3A_558 = arith.constant 64 : index
        %parallel_loop3A_559 = tpu.vector_load %arg21[%parallel_loop3A_557, %parallel_loop3A_558] {strides = array<i32>} : memref<50x128xf32, #tpu.memory_space<vmem>>, vector<1x16xf32>,
        %parallel_loop3A_560 = vector.shape_cast %parallel_loop3A_559 : vector<1x16xf32> to vector<16xf32>
        %parallel_loop3A_561 = vector.shape_cast %parallel_loop3A_556 : vector<16xf32> to vector<1x16xf32>
        tpu.vector_store %arg21[%parallel_loop3A_557, %parallel_loop3A_558], %parallel_loop3A_561 {strides = array<i32>} : memref<50x128xf32, #tpu.memory_space<vmem>>, vector<1x16xf32>,
        %parallel_loop3A_562 = arith.index_cast %parallel_loop3A_473 : i32 to index
        %parallel_loop3A_563 = arith.constant 80 : index
        %parallel_loop3A_564 = tpu.vector_load %arg19[%parallel_loop3A_562, %parallel_loop3A_563] {strides = array<i32>} : memref<50x128xf32, #tpu.memory_space<vmem>>, vector<1x16xf32>,
        %parallel_loop3A_565 = vector.shape_cast %parallel_loop3A_564 : vector<1x16xf32> to vector<16xf32>
        %parallel_loop3A_566 = vector.extract_strided_slice %parallel_loop3A_488 {offsets = [5], sizes = [1], strides = [1]} : vector<16xf32> to vector<1xf32>
        %parallel_loop3A_567 = vector.extract %parallel_loop3A_566[0] : f32 from vector<1xf32>
        %parallel_loop3A_568 = vector.broadcast %parallel_loop3A_567 : f32 to vector<16xf32>
        %parallel_loop3A_569 = arith.mulf %parallel_loop3A_565, %parallel_loop3A_568 : vector<16xf32>
        %parallel_loop3A_570 = arith.index_cast %parallel_loop3A_473 : i32 to index
        %parallel_loop3A_571 = arith.constant 80 : index
        %parallel_loop3A_572 = tpu.vector_load %arg21[%parallel_loop3A_570, %parallel_loop3A_571] {strides = array<i32>} : memref<50x128xf32, #tpu.memory_space<vmem>>, vector<1x16xf32>,
        %parallel_loop3A_573 = vector.shape_cast %parallel_loop3A_572 : vector<1x16xf32> to vector<16xf32>
        %parallel_loop3A_574 = vector.shape_cast %parallel_loop3A_569 : vector<16xf32> to vector<1x16xf32>
        tpu.vector_store %arg21[%parallel_loop3A_570, %parallel_loop3A_571], %parallel_loop3A_574 {strides = array<i32>} : memref<50x128xf32, #tpu.memory_space<vmem>>, vector<1x16xf32>,
        %parallel_loop3A_575 = arith.index_cast %parallel_loop3A_473 : i32 to index
        %parallel_loop3A_576 = arith.constant 96 : index
        %parallel_loop3A_577 = tpu.vector_load %arg19[%parallel_loop3A_575, %parallel_loop3A_576] {strides = array<i32>} : memref<50x128xf32, #tpu.memory_space<vmem>>, vector<1x16xf32>,
        %parallel_loop3A_578 = vector.shape_cast %parallel_loop3A_577 : vector<1x16xf32> to vector<16xf32>
        %parallel_loop3A_579 = vector.extract_strided_slice %parallel_loop3A_488 {offsets = [6], sizes = [1], strides = [1]} : vector<16xf32> to vector<1xf32>
        %parallel_loop3A_580 = vector.extract %parallel_loop3A_579[0] : f32 from vector<1xf32>
        %parallel_loop3A_581 = vector.broadcast %parallel_loop3A_580 : f32 to vector<16xf32>
        %parallel_loop3A_582 = arith.mulf %parallel_loop3A_578, %parallel_loop3A_581 : vector<16xf32>
        %parallel_loop3A_583 = arith.index_cast %parallel_loop3A_473 : i32 to index
        %parallel_loop3A_584 = arith.constant 96 : index
        %parallel_loop3A_585 = tpu.vector_load %arg21[%parallel_loop3A_583, %parallel_loop3A_584] {strides = array<i32>} : memref<50x128xf32, #tpu.memory_space<vmem>>, vector<1x16xf32>,
        %parallel_loop3A_586 = vector.shape_cast %parallel_loop3A_585 : vector<1x16xf32> to vector<16xf32>
        %parallel_loop3A_587 = vector.shape_cast %parallel_loop3A_582 : vector<16xf32> to vector<1x16xf32>
        tpu.vector_store %arg21[%parallel_loop3A_583, %parallel_loop3A_584], %parallel_loop3A_587 {strides = array<i32>} : memref<50x128xf32, #tpu.memory_space<vmem>>, vector<1x16xf32>,
        %parallel_loop3A_588 = arith.index_cast %parallel_loop3A_473 : i32 to index
        %parallel_loop3A_589 = arith.constant 112 : index
        %parallel_loop3A_590 = tpu.vector_load %arg19[%parallel_loop3A_588, %parallel_loop3A_589] {strides = array<i32>} : memref<50x128xf32, #tpu.memory_space<vmem>>, vector<1x16xf32>,
        %parallel_loop3A_591 = vector.shape_cast %parallel_loop3A_590 : vector<1x16xf32> to vector<16xf32>
        %parallel_loop3A_592 = vector.extract_strided_slice %parallel_loop3A_488 {offsets = [7], sizes = [1], strides = [1]} : vector<16xf32> to vector<1xf32>
        %parallel_loop3A_593 = vector.extract %parallel_loop3A_592[0] : f32 from vector<1xf32>
        %parallel_loop3A_594 = vector.broadcast %parallel_loop3A_593 : f32 to vector<16xf32>
        %parallel_loop3A_595 = arith.mulf %parallel_loop3A_591, %parallel_loop3A_594 : vector<16xf32>
        %parallel_loop3A_596 = arith.index_cast %parallel_loop3A_473 : i32 to index
        %parallel_loop3A_597 = arith.constant 112 : index
        %parallel_loop3A_598 = tpu.vector_load %arg21[%parallel_loop3A_596, %parallel_loop3A_597] {strides = array<i32>} : memref<50x128xf32, #tpu.memory_space<vmem>>, vector<1x16xf32>,
        %parallel_loop3A_599 = vector.shape_cast %parallel_loop3A_598 : vector<1x16xf32> to vector<16xf32>
        %parallel_loop3A_600 = vector.shape_cast %parallel_loop3A_595 : vector<16xf32> to vector<1x16xf32>
        tpu.vector_store %arg21[%parallel_loop3A_596, %parallel_loop3A_597], %parallel_loop3A_600 {strides = array<i32>} : memref<50x128xf32, #tpu.memory_space<vmem>>, vector<1x16xf32>,
      } {sc.loop_unroll_factor = 4 : i64, sc.parallel_access}
      %lt3A_424 = arith.constant 199 : i32
      %lt3A_425 = arith.cmpi slt, %scan3A_286, %lt3A_424 : i32
      %convert_element_type3A_426 = arith.extui %lt3A_425 : i1 to i32
      %cond3A_427 = arith.constant 0 : i32
      %cond3A_428 = arith.cmpi ne, %convert_element_type3A_426, %cond3A_427 : i32
      scf.if %cond3A_428 {
        %dma_wait3A_473 = arith.constant 0 : i32
        %dma_wait3A_474 = arith.constant 0 : i32
        %dma_wait3A_475 = arith.constant 0 : i32
        %dma_wait3A_476 = arith.constant 0 : i32
        %dma_wait3A_477 = arith.constant 0 : i32
        %dma_wait3A_478 = tpu.memref_slice %arg12[%dma_wait3A_476, %dma_wait3A_477] : memref<6x50xi32, #tpu.memory_space<vmem>> -> memref<1x50xi32, #tpu.memory_space<vmem>>
        %dma_wait3A_479 = tpu.memref_squeeze %dma_wait3A_478 : memref<1x50xi32, #tpu.memory_space<vmem>> -> memref<50xi32, #tpu.memory_space<vmem>>
        %dma_wait3A_480 = arith.constant 0 : i32
        %dma_wait3A_481 = tpu.memref_slice %arg5[%dma_wait3A_473, %dma_wait3A_474, %dma_wait3A_475, %dma_wait3A_480] : memref<2x16x400x50xi32, #tpu.memory_space<hbm>> -> memref<1x1x1x50xi32, #tpu.memory_space<hbm>>
        %dma_wait3A_482 = tpu.memref_squeeze %dma_wait3A_481 : memref<1x1x1x50xi32, #tpu.memory_space<hbm>> -> memref<50xi32, #tpu.memory_space<hbm>>
        %dma_wait3A_483 = arith.constant 0 : i32
        %dma_wait3A_484 = tpu.memref_slice %arg12[%dma_wait3A_476, %dma_wait3A_483] : memref<6x50xi32, #tpu.memory_space<vmem>> -> memref<1x50xi32, #tpu.memory_space<vmem>>
        %dma_wait3A_485 = tpu.memref_squeeze %dma_wait3A_484 : memref<1x50xi32, #tpu.memory_space<vmem>> -> memref<50xi32, #tpu.memory_space<vmem>>
        %dma_wait3A_486 = arith.constant 0 : i32
        %dma_wait3A_487 = tpu.memref_slice %arg5[%dma_wait3A_473, %dma_wait3A_474, %dma_wait3A_475, %dma_wait3A_486] : memref<2x16x400x50xi32, #tpu.memory_space<hbm>> -> memref<1x1x1x50xi32, #tpu.memory_space<hbm>>
        %dma_wait3A_488 = tpu.memref_squeeze %dma_wait3A_487 : memref<1x1x1x50xi32, #tpu.memory_space<hbm>> -> memref<50xi32, #tpu.memory_space<hbm>>
        tpu.wait_dma2 semaphore(%arg32 : memref<!tpu.dma_semaphore, #tpu.memory_space<semaphore_mem>>) src(%dma_wait3A_488 : memref<50xi32, #tpu.memory_space<hbm>>) dst(%dma_wait3A_485 : memref<50xi32, #tpu.memory_space<vmem>>)
        %dma_wait3A_489 = arith.constant 0 : i32
        %dma_wait3A_490 = arith.constant 0 : i32
        %dma_wait3A_491 = arith.constant 0 : i32
        %dma_wait3A_492 = arith.constant 0 : i32
        %dma_wait3A_493 = arith.constant 0 : i32
        %dma_wait3A_494 = tpu.memref_slice %arg13[%dma_wait3A_492, %dma_wait3A_493] : memref<6x50xi32, #tpu.memory_space<vmem>> -> memref<1x50xi32, #tpu.memory_space<vmem>>
        %dma_wait3A_495 = tpu.memref_squeeze %dma_wait3A_494 : memref<1x50xi32, #tpu.memory_space<vmem>> -> memref<50xi32, #tpu.memory_space<vmem>>
        %dma_wait3A_496 = arith.constant 0 : i32
        %dma_wait3A_497 = tpu.memref_slice %arg6[%dma_wait3A_489, %dma_wait3A_490, %dma_wait3A_491, %dma_wait3A_496] : memref<2x16x400x50xi32, #tpu.memory_space<hbm>> -> memref<1x1x1x50xi32, #tpu.memory_space<hbm>>
        %dma_wait3A_498 = tpu.memref_squeeze %dma_wait3A_497 : memref<1x1x1x50xi32, #tpu.memory_space<hbm>> -> memref<50xi32, #tpu.memory_space<hbm>>
        %dma_wait3A_499 = arith.constant 0 : i32
        %dma_wait3A_500 = tpu.memref_slice %arg13[%dma_wait3A_492, %dma_wait3A_499] : memref<6x50xi32, #tpu.memory_space<vmem>> -> memref<1x50xi32, #tpu.memory_space<vmem>>
        %dma_wait3A_501 = tpu.memref_squeeze %dma_wait3A_500 : memref<1x50xi32, #tpu.memory_space<vmem>> -> memref<50xi32, #tpu.memory_space<vmem>>
        %dma_wait3A_502 = arith.constant 0 : i32
        %dma_wait3A_503 = tpu.memref_slice %arg6[%dma_wait3A_489, %dma_wait3A_490, %dma_wait3A_491, %dma_wait3A_502] : memref<2x16x400x50xi32, #tpu.memory_space<hbm>> -> memref<1x1x1x50xi32, #tpu.memory_space<hbm>>
        %dma_wait3A_504 = tpu.memref_squeeze %dma_wait3A_503 : memref<1x1x1x50xi32, #tpu.memory_space<hbm>> -> memref<50xi32, #tpu.memory_space<hbm>>
        tpu.wait_dma2 semaphore(%arg32 : memref<!tpu.dma_semaphore, #tpu.memory_space<semaphore_mem>>) src(%dma_wait3A_504 : memref<50xi32, #tpu.memory_space<hbm>>) dst(%dma_wait3A_501 : memref<50xi32, #tpu.memory_space<vmem>>)
        %add3A_505 = arith.constant 2 : i32
        %add3A_506 = arith.addi %add3A_289, %add3A_505 : i32
        %jit3A_507 = arith.constant 6 : i32
        %eq3A_508 = arith.constant 0 : i32
        %eq3A_509 = arith.cmpi eq, %jit3A_507, %eq3A_508 : i32
        %jit3A_510 = arith.constant 1 : i32
        %select_n3A_511 = arith.select %eq3A_509, %jit3A_510, %jit3A_507 : i32
        %rem3A_512 = arith.remsi %add3A_506, %select_n3A_511 : i32
        %ne3A_513 = arith.constant 0 : i32
        %ne3A_514 = arith.cmpi ne, %rem3A_512, %ne3A_513 : i32
        %lt3A_515 = arith.constant 0 : i32
        %lt3A_516 = arith.cmpi slt, %rem3A_512, %lt3A_515 : i32
        %lt3A_517 = arith.constant 0 : i32
        %lt3A_518 = arith.cmpi slt, %select_n3A_511, %lt3A_517 : i32
        %ne3A_519 = arith.xori %lt3A_516, %lt3A_518 : i1
        %and3A_520 = arith.andi %ne3A_519, %ne3A_514 : i1
        %add3A_521 = arith.addi %rem3A_512, %select_n3A_511 : i32
        %select_n3A_522 = arith.select %and3A_520, %add3A_521, %rem3A_512 : i32
        %dma_start3A_523 = arith.constant 0 : i32
        %dma_start3A_524 = tpu.memref_slice %arg12[%select_n3A_522, %dma_start3A_523] : memref<6x50xi32, #tpu.memory_space<vmem>> -> memref<1x50xi32, #tpu.memory_space<vmem>>
        %dma_start3A_525 = tpu.memref_squeeze %dma_start3A_524 : memref<1x50xi32, #tpu.memory_space<vmem>> -> memref<50xi32, #tpu.memory_space<vmem>>
        %dma_start3A_526 = arith.constant 0 : i32
        %dma_start3A_527 = arith.constant 0 : i32
        %dma_start3A_528 = tpu.memref_slice %arg3[%arg0, %dma_start3A_526, %dma_start3A_527] : memref<2x10000x16xf32, #tpu.memory_space<hbm>> -> memref<1x10000x16xf32, #tpu.memory_space<hbm>>
        %dma_start3A_529 = tpu.memref_squeeze %dma_start3A_528 : memref<1x10000x16xf32, #tpu.memory_space<hbm>> -> memref<10000x16xf32, #tpu.memory_space<hbm>>
        %dma_start3A_530 = arith.constant 0 : i32
        %dma_start3A_531 = arith.constant 0 : i32
        %dma_start3A_532 = tpu.memref_slice %dma_start3A_529[%dma_start3A_530, %dma_start3A_531] : memref<10000x16xf32, #tpu.memory_space<hbm>> -> memref<10000x16xf32, #tpu.memory_space<hbm>>
        tpu.enqueue_indirect_dma source(%dma_start3A_532 : memref<10000x16xf32, #tpu.memory_space<hbm>>) target(%arg15 : memref<50x16xf32, #tpu.memory_space<vmem>>) offsets(%dma_start3A_525 : memref<50xi32, #tpu.memory_space<vmem>>) semaphore(%arg28 : memref<!tpu.dma_semaphore, #tpu.memory_space<semaphore_mem>>)
        %jit3A_533 = arith.constant 6 : i32
        %eq3A_534 = arith.constant 0 : i32
        %eq3A_535 = arith.cmpi eq, %jit3A_533, %eq3A_534 : i32
        %jit3A_536 = arith.constant 1 : i32
        %select_n3A_537 = arith.select %eq3A_535, %jit3A_536, %jit3A_533 : i32
        %rem3A_538 = arith.remsi %add3A_506, %select_n3A_537 : i32
        %ne3A_539 = arith.constant 0 : i32
        %ne3A_540 = arith.cmpi ne, %rem3A_538, %ne3A_539 : i32
        %lt3A_541 = arith.constant 0 : i32
        %lt3A_542 = arith.cmpi slt, %rem3A_538, %lt3A_541 : i32
        %lt3A_543 = arith.constant 0 : i32
        %lt3A_544 = arith.cmpi slt, %select_n3A_537, %lt3A_543 : i32
        %ne3A_545 = arith.xori %lt3A_542, %lt3A_544 : i1
        %and3A_546 = arith.andi %ne3A_545, %ne3A_540 : i1
        %add3A_547 = arith.addi %rem3A_538, %select_n3A_537 : i32
        %select_n3A_548 = arith.select %and3A_546, %add3A_547, %rem3A_538 : i32
        %dma_start3A_549 = arith.constant 0 : i32
        %dma_start3A_550 = tpu.memref_slice %arg13[%select_n3A_548, %dma_start3A_549] : memref<6x50xi32, #tpu.memory_space<vmem>> -> memref<1x50xi32, #tpu.memory_space<vmem>>
        %dma_start3A_551 = tpu.memref_squeeze %dma_start3A_550 : memref<1x50xi32, #tpu.memory_space<vmem>> -> memref<50xi32, #tpu.memory_space<vmem>>
        %dma_start3A_552 = arith.constant 0 : i32
        %dma_start3A_553 = arith.constant 0 : i32
        %dma_start3A_554 = tpu.memref_slice %arg4[%arg0, %dma_start3A_552, %dma_start3A_553] : memref<2x10000x16xf32, #tpu.memory_space<hbm>> -> memref<1x10000x16xf32, #tpu.memory_space<hbm>>
        %dma_start3A_555 = tpu.memref_squeeze %dma_start3A_554 : memref<1x10000x16xf32, #tpu.memory_space<hbm>> -> memref<10000x16xf32, #tpu.memory_space<hbm>>
        %dma_start3A_556 = arith.constant 0 : i32
        %dma_start3A_557 = arith.constant 0 : i32
        %dma_start3A_558 = tpu.memref_slice %dma_start3A_555[%dma_start3A_556, %dma_start3A_557] : memref<10000x16xf32, #tpu.memory_space<hbm>> -> memref<10000x16xf32, #tpu.memory_space<hbm>>
        tpu.enqueue_indirect_dma source(%dma_start3A_558 : memref<10000x16xf32, #tpu.memory_space<hbm>>) target(%arg17 : memref<50x16xf32, #tpu.memory_space<vmem>>) offsets(%dma_start3A_551 : memref<50xi32, #tpu.memory_space<vmem>>) semaphore(%arg28 : memref<!tpu.dma_semaphore, #tpu.memory_space<semaphore_mem>>)
        %jit3A_559 = arith.constant 6 : i32
        %eq3A_560 = arith.constant 0 : i32
        %eq3A_561 = arith.cmpi eq, %jit3A_559, %eq3A_560 : i32
        %jit3A_562 = arith.constant 1 : i32
        %select_n3A_563 = arith.select %eq3A_561, %jit3A_562, %jit3A_559 : i32
        %rem3A_564 = arith.remsi %add3A_506, %select_n3A_563 : i32
        %ne3A_565 = arith.constant 0 : i32
        %ne3A_566 = arith.cmpi ne, %rem3A_564, %ne3A_565 : i32
        %lt3A_567 = arith.constant 0 : i32
        %lt3A_568 = arith.cmpi slt, %rem3A_564, %lt3A_567 : i32
        %lt3A_569 = arith.constant 0 : i32
        %lt3A_570 = arith.cmpi slt, %select_n3A_563, %lt3A_569 : i32
        %ne3A_571 = arith.xori %lt3A_568, %lt3A_570 : i1
        %and3A_572 = arith.andi %ne3A_571, %ne3A_566 : i1
        %add3A_573 = arith.addi %rem3A_564, %select_n3A_563 : i32
        %select_n3A_574 = arith.select %and3A_572, %add3A_573, %rem3A_564 : i32
        %dma_start3A_575 = arith.constant 0 : i32
        %dma_start3A_576 = tpu.memref_slice %arg12[%select_n3A_574, %dma_start3A_575] : memref<6x50xi32, #tpu.memory_space<vmem>> -> memref<1x50xi32, #tpu.memory_space<vmem>>
        %dma_start3A_577 = tpu.memref_squeeze %dma_start3A_576 : memref<1x50xi32, #tpu.memory_space<vmem>> -> memref<50xi32, #tpu.memory_space<vmem>>
        %dma_start3A_578 = arith.constant 0 : i32
        %dma_start3A_579 = arith.constant 0 : i32
        %dma_start3A_580 = tpu.memref_slice %arg2[%arg0, %dma_start3A_578, %dma_start3A_579] : memref<2x10000x128xf32, #tpu.memory_space<hbm>> -> memref<1x10000x128xf32, #tpu.memory_space<hbm>>
        %dma_start3A_581 = tpu.memref_squeeze %dma_start3A_580 : memref<1x10000x128xf32, #tpu.memory_space<hbm>> -> memref<10000x128xf32, #tpu.memory_space<hbm>>
        %dma_start3A_582 = arith.constant 0 : i32
        %dma_start3A_583 = arith.constant 0 : i32
        %dma_start3A_584 = tpu.memref_slice %dma_start3A_581[%dma_start3A_582, %dma_start3A_583] : memref<10000x128xf32, #tpu.memory_space<hbm>> -> memref<10000x128xf32, #tpu.memory_space<hbm>>
        tpu.enqueue_indirect_dma source(%dma_start3A_584 : memref<10000x128xf32, #tpu.memory_space<hbm>>) target(%arg19 : memref<50x128xf32, #tpu.memory_space<vmem>>) offsets(%dma_start3A_577 : memref<50xi32, #tpu.memory_space<vmem>>) semaphore(%arg28 : memref<!tpu.dma_semaphore, #tpu.memory_space<semaphore_mem>>)
      } else {
      }
      %jit3A_429 = arith.constant 6 : i32
      %eq3A_430 = arith.constant 0 : i32
      %eq3A_431 = arith.cmpi eq, %jit3A_429, %eq3A_430 : i32
      %jit3A_432 = arith.constant 1 : i32
      %select_n3A_433 = arith.select %eq3A_431, %jit3A_432, %jit3A_429 : i32
      %rem3A_434 = arith.remsi %add3A_289, %select_n3A_433 : i32
      %ne3A_435 = arith.constant 0 : i32
      %ne3A_436 = arith.cmpi ne, %rem3A_434, %ne3A_435 : i32
      %lt3A_437 = arith.constant 0 : i32
      %lt3A_438 = arith.cmpi slt, %rem3A_434, %lt3A_437 : i32
      %lt3A_439 = arith.constant 0 : i32
      %lt3A_440 = arith.cmpi slt, %select_n3A_433, %lt3A_439 : i32
      %ne3A_441 = arith.xori %lt3A_438, %lt3A_440 : i1
      %and3A_442 = arith.andi %ne3A_441, %ne3A_436 : i1
      %add3A_443 = arith.addi %rem3A_434, %select_n3A_433 : i32
      %select_n3A_444 = arith.select %and3A_442, %add3A_443, %rem3A_434 : i32
      %dma_start3A_445 = arith.constant 0 : i32
      %dma_start3A_446 = tpu.memref_slice %arg13[%select_n3A_444, %dma_start3A_445] : memref<6x50xi32, #tpu.memory_space<vmem>> -> memref<1x50xi32, #tpu.memory_space<vmem>>
      %dma_start3A_447 = tpu.memref_squeeze %dma_start3A_446 : memref<1x50xi32, #tpu.memory_space<vmem>> -> memref<50xi32, #tpu.memory_space<vmem>>
      %dma_start3A_448 = arith.constant 0 : i32
      %dma_start3A_449 = arith.constant 0 : i32
      %dma_start3A_450 = tpu.memref_slice %arg26[%dma_start3A_448, %dma_start3A_449] : memref<10008x16xf32, #tpu.memory_space<vmem_shared>> -> memref<10008x16xf32, #tpu.memory_space<vmem_shared>>
      tpu.enqueue_indirect_dma source(%arg23 : memref<50x16xf32, #tpu.memory_space<vmem>>) target(%dma_start3A_450 : memref<10008x16xf32, #tpu.memory_space<vmem_shared>>) offsets(%dma_start3A_447 : memref<50xi32, #tpu.memory_space<vmem>>) semaphore(%arg30 : memref<!tpu.dma_semaphore, #tpu.memory_space<semaphore_mem>>) {add = true}
      %jit3A_451 = arith.constant 6 : i32
      %eq3A_452 = arith.constant 0 : i32
      %eq3A_453 = arith.cmpi eq, %jit3A_451, %eq3A_452 : i32
      %jit3A_454 = arith.constant 1 : i32
      %select_n3A_455 = arith.select %eq3A_453, %jit3A_454, %jit3A_451 : i32
      %rem3A_456 = arith.remsi %add3A_289, %select_n3A_455 : i32
      %ne3A_457 = arith.constant 0 : i32
      %ne3A_458 = arith.cmpi ne, %rem3A_456, %ne3A_457 : i32
      %lt3A_459 = arith.constant 0 : i32
      %lt3A_460 = arith.cmpi slt, %rem3A_456, %lt3A_459 : i32
      %lt3A_461 = arith.constant 0 : i32
      %lt3A_462 = arith.cmpi slt, %select_n3A_455, %lt3A_461 : i32
      %ne3A_463 = arith.xori %lt3A_460, %lt3A_462 : i1
      %and3A_464 = arith.andi %ne3A_463, %ne3A_458 : i1
      %add3A_465 = arith.addi %rem3A_456, %select_n3A_455 : i32
      %select_n3A_466 = arith.select %and3A_464, %add3A_465, %rem3A_456 : i32
      %dma_start3A_467 = arith.constant 0 : i32
      %dma_start3A_468 = tpu.memref_slice %arg13[%select_n3A_466, %dma_start3A_467] : memref<6x50xi32, #tpu.memory_space<vmem>> -> memref<1x50xi32, #tpu.memory_space<vmem>>
      %dma_start3A_469 = tpu.memref_squeeze %dma_start3A_468 : memref<1x50xi32, #tpu.memory_space<vmem>> -> memref<50xi32, #tpu.memory_space<vmem>>
      %dma_start3A_470 = arith.constant 0 : i32
      %dma_start3A_471 = arith.constant 0 : i32
      %dma_start3A_472 = tpu.memref_slice %arg25[%dma_start3A_470, %dma_start3A_471] : memref<10008x128xf32, #tpu.memory_space<vmem_shared>> -> memref<10008x128xf32, #tpu.memory_space<vmem_shared>>
      tpu.enqueue_indirect_dma source(%arg21 : memref<50x128xf32, #tpu.memory_space<vmem>>) target(%dma_start3A_472 : memref<10008x128xf32, #tpu.memory_space<vmem_shared>>) offsets(%dma_start3A_469 : memref<50xi32, #tpu.memory_space<vmem>>) semaphore(%arg30 : memref<!tpu.dma_semaphore, #tpu.memory_space<semaphore_mem>>) {add = true}
    }
    %scan3A_251 = arith.constant 200 : i32
    %dma_wait3A_252 = arith.constant 0 : i32
    %dma_wait3A_253 = arith.constant 0 : i32
    %dma_wait3A_254 = tpu.memref_slice %arg13[%dma_wait3A_252, %dma_wait3A_253] : memref<6x50xi32, #tpu.memory_space<vmem>> -> memref<1x50xi32, #tpu.memory_space<vmem>>
    %dma_wait3A_255 = tpu.memref_squeeze %dma_wait3A_254 : memref<1x50xi32, #tpu.memory_space<vmem>> -> memref<50xi32, #tpu.memory_space<vmem>>
    %dma_wait3A_256 = arith.constant 0 : i32
    %dma_wait3A_257 = arith.constant 0 : i32
    %dma_wait3A_258 = tpu.memref_slice %arg26[%dma_wait3A_256, %dma_wait3A_257] : memref<10008x16xf32, #tpu.memory_space<vmem_shared>> -> memref<10008x16xf32, #tpu.memory_space<vmem_shared>>
    tpu.wait_indirect_dma semaphore(%arg29 : memref<!tpu.dma_semaphore, #tpu.memory_space<semaphore_mem>>) src(%arg22 : memref<50x16xf32, #tpu.memory_space<vmem>>) dst(%dma_wait3A_258 : memref<10008x16xf32, #tpu.memory_space<vmem_shared>>)
    %dma_wait3A_259 = arith.constant 0 : i32
    %dma_wait3A_260 = arith.constant 0 : i32
    %dma_wait3A_261 = tpu.memref_slice %arg13[%dma_wait3A_259, %dma_wait3A_260] : memref<6x50xi32, #tpu.memory_space<vmem>> -> memref<1x50xi32, #tpu.memory_space<vmem>>
    %dma_wait3A_262 = tpu.memref_squeeze %dma_wait3A_261 : memref<1x50xi32, #tpu.memory_space<vmem>> -> memref<50xi32, #tpu.memory_space<vmem>>
    %dma_wait3A_263 = arith.constant 0 : i32
    %dma_wait3A_264 = arith.constant 0 : i32
    %dma_wait3A_265 = tpu.memref_slice %arg25[%dma_wait3A_263, %dma_wait3A_264] : memref<10008x128xf32, #tpu.memory_space<vmem_shared>> -> memref<10008x128xf32, #tpu.memory_space<vmem_shared>>
    tpu.wait_indirect_dma semaphore(%arg29 : memref<!tpu.dma_semaphore, #tpu.memory_space<semaphore_mem>>) src(%arg20 : memref<50x128xf32, #tpu.memory_space<vmem>>) dst(%dma_wait3A_265 : memref<10008x128xf32, #tpu.memory_space<vmem_shared>>)
    %dma_wait3A_266 = arith.constant 0 : i32
    %dma_wait3A_267 = arith.constant 0 : i32
    %dma_wait3A_268 = tpu.memref_slice %arg13[%dma_wait3A_266, %dma_wait3A_267] : memref<6x50xi32, #tpu.memory_space<vmem>> -> memref<1x50xi32, #tpu.memory_space<vmem>>
    %dma_wait3A_269 = tpu.memref_squeeze %dma_wait3A_268 : memref<1x50xi32, #tpu.memory_space<vmem>> -> memref<50xi32, #tpu.memory_space<vmem>>
    %dma_wait3A_270 = arith.constant 0 : i32
    %dma_wait3A_271 = arith.constant 0 : i32
    %dma_wait3A_272 = tpu.memref_slice %arg26[%dma_wait3A_270, %dma_wait3A_271] : memref<10008x16xf32, #tpu.memory_space<vmem_shared>> -> memref<10008x16xf32, #tpu.memory_space<vmem_shared>>
    tpu.wait_indirect_dma semaphore(%arg30 : memref<!tpu.dma_semaphore, #tpu.memory_space<semaphore_mem>>) src(%arg23 : memref<50x16xf32, #tpu.memory_space<vmem>>) dst(%dma_wait3A_272 : memref<10008x16xf32, #tpu.memory_space<vmem_shared>>)
    %dma_wait3A_273 = arith.constant 0 : i32
    %dma_wait3A_274 = arith.constant 0 : i32
    %dma_wait3A_275 = tpu.memref_slice %arg13[%dma_wait3A_273, %dma_wait3A_274] : memref<6x50xi32, #tpu.memory_space<vmem>> -> memref<1x50xi32, #tpu.memory_space<vmem>>
    %dma_wait3A_276 = tpu.memref_squeeze %dma_wait3A_275 : memref<1x50xi32, #tpu.memory_space<vmem>> -> memref<50xi32, #tpu.memory_space<vmem>>
    %dma_wait3A_277 = arith.constant 0 : i32
    %dma_wait3A_278 = arith.constant 0 : i32
    %dma_wait3A_279 = tpu.memref_slice %arg25[%dma_wait3A_277, %dma_wait3A_278] : memref<10008x128xf32, #tpu.memory_space<vmem_shared>> -> memref<10008x128xf32, #tpu.memory_space<vmem_shared>>
    tpu.wait_indirect_dma semaphore(%arg30 : memref<!tpu.dma_semaphore, #tpu.memory_space<semaphore_mem>>) src(%arg21 : memref<50x128xf32, #tpu.memory_space<vmem>>) dst(%dma_wait3A_279 : memref<10008x128xf32, #tpu.memory_space<vmem_shared>>)
    %barrier3A_280 = arith.constant 0 : index
    tpu.barrier barrier_id(%barrier3A_280)
    "tpu.region"() ({
      %run_scoped3A = tpu.sem_alloc : memref<!tpu.dma_semaphore, #tpu.memory_space<semaphore_mem>>
      %dma_start3A_286 = arith.constant 0 : i32
      %dma_start3A_287 = tpu.memref_slice %arg10[%arg0, %mul3A_0, %dma_start3A_286] : memref<2x10000x128xf32, #tpu.memory_space<hbm>> -> memref<1x624x128xf32, #tpu.memory_space<hbm>>
      %dma_start3A_288 = tpu.memref_squeeze %dma_start3A_287 : memref<1x624x128xf32, #tpu.memory_space<hbm>> -> memref<624x128xf32, #tpu.memory_space<hbm>>
      %dma_start3A_289 = arith.constant 0 : i32
      %dma_start3A_290 = tpu.memref_slice %arg25[%mul3A_0, %dma_start3A_289] : memref<10008x128xf32, #tpu.memory_space<vmem_shared>> -> memref<624x128xf32, #tpu.memory_space<vmem_shared>>
      tpu.enqueue_dma source(%dma_start3A_290 : memref<624x128xf32, #tpu.memory_space<vmem_shared>>) target(%dma_start3A_288 : memref<624x128xf32, #tpu.memory_space<hbm>>) target_semaphore(%run_scoped3A : memref<!tpu.dma_semaphore, #tpu.memory_space<semaphore_mem>>)
      %dma_wait3A_291 = arith.constant 0 : i32
      %dma_wait3A_292 = tpu.memref_slice %arg10[%arg0, %mul3A_0, %dma_wait3A_291] : memref<2x10000x128xf32, #tpu.memory_space<hbm>> -> memref<1x624x128xf32, #tpu.memory_space<hbm>>
      %dma_wait3A_293 = tpu.memref_squeeze %dma_wait3A_292 : memref<1x624x128xf32, #tpu.memory_space<hbm>> -> memref<624x128xf32, #tpu.memory_space<hbm>>
      %dma_wait3A_294 = arith.constant 0 : i32
      %dma_wait3A_295 = tpu.memref_slice %arg25[%mul3A_0, %dma_wait3A_294] : memref<10008x128xf32, #tpu.memory_space<vmem_shared>> -> memref<624x128xf32, #tpu.memory_space<vmem_shared>>
      tpu.wait_dma2 semaphore(%run_scoped3A : memref<!tpu.dma_semaphore, #tpu.memory_space<semaphore_mem>>) src(%dma_wait3A_295 : memref<624x128xf32, #tpu.memory_space<vmem_shared>>) dst(%dma_wait3A_293 : memref<624x128xf32, #tpu.memory_space<hbm>>)
      tpu.yield
    }) : () -> ()
    "tpu.region"() ({
      %run_scoped3A = tpu.sem_alloc : memref<!tpu.dma_semaphore, #tpu.memory_space<semaphore_mem>>
      %dma_start3A_286 = arith.constant 0 : i32
      %dma_start3A_287 = tpu.memref_slice %arg11[%arg0, %mul3A_0, %dma_start3A_286] : memref<2x10000x16xf32, #tpu.memory_space<hbm>> -> memref<1x624x16xf32, #tpu.memory_space<hbm>>
      %dma_start3A_288 = tpu.memref_squeeze %dma_start3A_287 : memref<1x624x16xf32, #tpu.memory_space<hbm>> -> memref<624x16xf32, #tpu.memory_space<hbm>>
      %dma_start3A_289 = arith.constant 0 : i32
      %dma_start3A_290 = tpu.memref_slice %arg26[%mul3A_0, %dma_start3A_289] : memref<10008x16xf32, #tpu.memory_space<vmem_shared>> -> memref<624x16xf32, #tpu.memory_space<vmem_shared>>
      tpu.enqueue_dma source(%dma_start3A_290 : memref<624x16xf32, #tpu.memory_space<vmem_shared>>) target(%dma_start3A_288 : memref<624x16xf32, #tpu.memory_space<hbm>>) target_semaphore(%run_scoped3A : memref<!tpu.dma_semaphore, #tpu.memory_space<semaphore_mem>>)
      %dma_wait3A_291 = arith.constant 0 : i32
      %dma_wait3A_292 = tpu.memref_slice %arg11[%arg0, %mul3A_0, %dma_wait3A_291] : memref<2x10000x16xf32, #tpu.memory_space<hbm>> -> memref<1x624x16xf32, #tpu.memory_space<hbm>>
      %dma_wait3A_293 = tpu.memref_squeeze %dma_wait3A_292 : memref<1x624x16xf32, #tpu.memory_space<hbm>> -> memref<624x16xf32, #tpu.memory_space<hbm>>
      %dma_wait3A_294 = arith.constant 0 : i32
      %dma_wait3A_295 = tpu.memref_slice %arg26[%mul3A_0, %dma_wait3A_294] : memref<10008x16xf32, #tpu.memory_space<vmem_shared>> -> memref<624x16xf32, #tpu.memory_space<vmem_shared>>
      tpu.wait_dma2 semaphore(%run_scoped3A : memref<!tpu.dma_semaphore, #tpu.memory_space<semaphore_mem>>) src(%dma_wait3A_295 : memref<624x16xf32, #tpu.memory_space<vmem_shared>>) dst(%dma_wait3A_293 : memref<624x16xf32, #tpu.memory_space<hbm>>)
      tpu.yield
    }) : () -> ()
    %eq3A_281 = arith.constant 15 : i32
    %eq3A_282 = arith.cmpi eq, %arg1, %eq3A_281 : i32
    %convert_element_type3A_283 = arith.extui %eq3A_282 : i1 to i32
    %cond3A_284 = arith.constant 0 : i32
    %cond3A_285 = arith.cmpi ne, %convert_element_type3A_283, %cond3A_284 : i32
    scf.if %cond3A_285 {
      "tpu.region"() ({
        %run_scoped3A = tpu.sem_alloc : memref<!tpu.dma_semaphore, #tpu.memory_space<semaphore_mem>>
        %dma_start3A_286 = arith.constant 9984 : i32
        %dma_start3A_287 = arith.constant 0 : i32
        %dma_start3A_288 = tpu.memref_slice %arg10[%arg0, %dma_start3A_286, %dma_start3A_287] : memref<2x10000x128xf32, #tpu.memory_space<hbm>> -> memref<1x16x128xf32, #tpu.memory_space<hbm>>
        %dma_start3A_289 = tpu.memref_squeeze %dma_start3A_288 : memref<1x16x128xf32, #tpu.memory_space<hbm>> -> memref<16x128xf32, #tpu.memory_space<hbm>>
        %dma_start3A_290 = arith.constant 9984 : i32
        %dma_start3A_291 = arith.constant 0 : i32
        %dma_start3A_292 = tpu.memref_slice %arg25[%dma_start3A_290, %dma_start3A_291] : memref<10008x128xf32, #tpu.memory_space<vmem_shared>> -> memref<16x128xf32, #tpu.memory_space<vmem_shared>>
        tpu.enqueue_dma source(%dma_start3A_292 : memref<16x128xf32, #tpu.memory_space<vmem_shared>>) target(%dma_start3A_289 : memref<16x128xf32, #tpu.memory_space<hbm>>) target_semaphore(%run_scoped3A : memref<!tpu.dma_semaphore, #tpu.memory_space<semaphore_mem>>)
        %dma_wait3A_293 = arith.constant 9984 : i32
        %dma_wait3A_294 = arith.constant 0 : i32
        %dma_wait3A_295 = tpu.memref_slice %arg10[%arg0, %dma_wait3A_293, %dma_wait3A_294] : memref<2x10000x128xf32, #tpu.memory_space<hbm>> -> memref<1x16x128xf32, #tpu.memory_space<hbm>>
        %dma_wait3A_296 = tpu.memref_squeeze %dma_wait3A_295 : memref<1x16x128xf32, #tpu.memory_space<hbm>> -> memref<16x128xf32, #tpu.memory_space<hbm>>
        %dma_wait3A_297 = arith.constant 9984 : i32
        %dma_wait3A_298 = arith.constant 0 : i32
        %dma_wait3A_299 = tpu.memref_slice %arg25[%dma_wait3A_297, %dma_wait3A_298] : memref<10008x128xf32, #tpu.memory_space<vmem_shared>> -> memref<16x128xf32, #tpu.memory_space<vmem_shared>>
        tpu.wait_dma2 semaphore(%run_scoped3A : memref<!tpu.dma_semaphore, #tpu.memory_space<semaphore_mem>>) src(%dma_wait3A_299 : memref<16x128xf32, #tpu.memory_space<vmem_shared>>) dst(%dma_wait3A_296 : memref<16x128xf32, #tpu.memory_space<hbm>>)
        tpu.yield
      }) : () -> ()
      "tpu.region"() ({
        %run_scoped3A = tpu.sem_alloc : memref<!tpu.dma_semaphore, #tpu.memory_space<semaphore_mem>>
        %dma_start3A_286 = arith.constant 9984 : i32
        %dma_start3A_287 = arith.constant 0 : i32
        %dma_start3A_288 = tpu.memref_slice %arg11[%arg0, %dma_start3A_286, %dma_start3A_287] : memref<2x10000x16xf32, #tpu.memory_space<hbm>> -> memref<1x16x16xf32, #tpu.memory_space<hbm>>
        %dma_start3A_289 = tpu.memref_squeeze %dma_start3A_288 : memref<1x16x16xf32, #tpu.memory_space<hbm>> -> memref<16x16xf32, #tpu.memory_space<hbm>>
        %dma_start3A_290 = arith.constant 9984 : i32
        %dma_start3A_291 = arith.constant 0 : i32
        %dma_start3A_292 = tpu.memref_slice %arg26[%dma_start3A_290, %dma_start3A_291] : memref<10008x16xf32, #tpu.memory_space<vmem_shared>> -> memref<16x16xf32, #tpu.memory_space<vmem_shared>>
        tpu.enqueue_dma source(%dma_start3A_292 : memref<16x16xf32, #tpu.memory_space<vmem_shared>>) target(%dma_start3A_289 : memref<16x16xf32, #tpu.memory_space<hbm>>) target_semaphore(%run_scoped3A : memref<!tpu.dma_semaphore, #tpu.memory_space<semaphore_mem>>)
        %dma_wait3A_293 = arith.constant 9984 : i32
        %dma_wait3A_294 = arith.constant 0 : i32
        %dma_wait3A_295 = tpu.memref_slice %arg11[%arg0, %dma_wait3A_293, %dma_wait3A_294] : memref<2x10000x16xf32, #tpu.memory_space<hbm>> -> memref<1x16x16xf32, #tpu.memory_space<hbm>>
        %dma_wait3A_296 = tpu.memref_squeeze %dma_wait3A_295 : memref<1x16x16xf32, #tpu.memory_space<hbm>> -> memref<16x16xf32, #tpu.memory_space<hbm>>
        %dma_wait3A_297 = arith.constant 9984 : i32
        %dma_wait3A_298 = arith.constant 0 : i32
        %dma_wait3A_299 = tpu.memref_slice %arg26[%dma_wait3A_297, %dma_wait3A_298] : memref<10008x16xf32, #tpu.memory_space<vmem_shared>> -> memref<16x16xf32, #tpu.memory_space<vmem_shared>>
        tpu.wait_dma2 semaphore(%run_scoped3A : memref<!tpu.dma_semaphore, #tpu.memory_space<semaphore_mem>>) src(%dma_wait3A_299 : memref<16x16xf32, #tpu.memory_space<vmem_shared>>) dst(%dma_wait3A_296 : memref<16x16xf32, #tpu.memory_space<hbm>>)
        tpu.yield
      }) : () -> ()
    } else {
    }
    return
  }
}

module attributes {stable_mosaic.version = 14 : i64} {
  func.func @_prologue_body(%arg0: i32, %arg1: memref<1000x128xf32, #tpu.memory_space<vmem>>, %arg2: memref<1000x128xf32, #tpu.memory_space<vmem>>, %arg3: memref<128x128xf32, #tpu.memory_space<vmem>>, %arg4: memref<1x128xf32, #tpu.memory_space<vmem>>, %arg5: memref<128x128xf32, #tpu.memory_space<vmem>>, %arg6: memref<1x128xf32, #tpu.memory_space<vmem>>, %arg7: memref<128x8xf32, #tpu.memory_space<vmem>>, %arg8: memref<128x8xf32, #tpu.memory_space<vmem>>, %arg9: memref<128x8xf32, #tpu.memory_space<vmem>>, %arg10: memref<128x8xf32, #tpu.memory_space<vmem>>, %arg11: memref<2x1000x128xf32, #tpu.memory_space<vmem>>, %arg12: memref<2x1000x16xf32, #tpu.memory_space<vmem>>, %arg13: memref<2x1000x16xf32, #tpu.memory_space<vmem>>, %arg14: memref<8x128xf32, #tpu.memory_space<vmem>>) attributes {dimension_semantics = [#tpu.dimension_semantics<arbitrary>], iteration_bounds = array<i64: 10>, scalar_prefetch = 0 : i64, scratch_operands = 0 : i64, tpu.core_type = #tpu.core_type<tc>, window_params = [{transform_indices = @transform_0, window_bounds = array<i64: 1000, 128>}, {transform_indices = @transform_1, window_bounds = array<i64: 1000, 128>}, {pipeline_mode = #tpu.pipeline_mode<synchronous>, transform_indices = @transform_2, window_bounds = array<i64: 128, 128>}, {pipeline_mode = #tpu.pipeline_mode<synchronous>, transform_indices = @transform_3, window_bounds = array<i64: 1, 128>}, {pipeline_mode = #tpu.pipeline_mode<synchronous>, transform_indices = @transform_4, window_bounds = array<i64: 128, 128>}, {pipeline_mode = #tpu.pipeline_mode<synchronous>, transform_indices = @transform_5, window_bounds = array<i64: 1, 128>}, {pipeline_mode = #tpu.pipeline_mode<synchronous>, transform_indices = @transform_6, window_bounds = array<i64: 128, 8>}, {pipeline_mode = #tpu.pipeline_mode<synchronous>, transform_indices = @transform_7, window_bounds = array<i64: 128, 8>}, {pipeline_mode = #tpu.pipeline_mode<synchronous>, transform_indices = @transform_8, window_bounds = array<i64: 128, 8>}, {pipeline_mode = #tpu.pipeline_mode<synchronous>, transform_indices = @transform_9, window_bounds = array<i64: 128, 8>}, {transform_indices = @transform_10, window_bounds = array<i64: 2, 1000, 128>}, {transform_indices = @transform_11, window_bounds = array<i64: 2, 1000, 16>}, {transform_indices = @transform_12, window_bounds = array<i64: 2, 1000, 16>}, {pipeline_mode = #tpu.pipeline_mode<synchronous>, transform_indices = @transform_13, window_bounds = array<i64: 8, 128>}]} {
    %get3A = arith.constant 0 : index
    %get3A_0 = arith.constant 0 : index
    %get3A_1 = vector.load %arg1[%get3A, %get3A_0] : memref<1000x128xf32, #tpu.memory_space<vmem>>, vector<1000x128xf32>
    %get3A_2 = arith.constant 0 : index
    %get3A_3 = arith.constant 0 : index
    %get3A_4 = vector.load %arg3[%get3A_2, %get3A_3] : memref<128x128xf32, #tpu.memory_space<vmem>>, vector<128x128xf32>
    %dot_general3A = arith.constant dense<0.000000e+00> : vector<1000x128xf32>
    %dot_general3A_5 = tpu.matmul %get3A_1, %get3A_4, %dot_general3A {dimension_numbers = #tpu.dot_dimension_numbers<[1], [0], [0], [1], [0, 0, 1, 1], [], []>, transpose_lhs_hint = false} : vector<1000x128xf32>, vector<128x128xf32>, vector<1000x128xf32> -> vector<1000x128xf32>
    %get3A_6 = arith.constant 0 : index
    %get3A_7 = arith.constant 0 : index
    %get3A_8 = vector.load %arg4[%get3A_6, %get3A_7] : memref<1x128xf32, #tpu.memory_space<vmem>>, vector<1x128xf32>
    %add3A = vector.broadcast %get3A_8 : vector<1x128xf32> to vector<1000x128xf32>
    %add3A_9 = arith.addf %dot_general3A_5, %add3A : vector<1000x128xf32>
    %get3A_10 = arith.constant 0 : index
    %get3A_11 = arith.constant 0 : index
    %get3A_12 = vector.load %arg2[%get3A_10, %get3A_11] : memref<1000x128xf32, #tpu.memory_space<vmem>>, vector<1000x128xf32>
    %get3A_13 = arith.constant 0 : index
    %get3A_14 = arith.constant 0 : index
    %get3A_15 = vector.load %arg5[%get3A_13, %get3A_14] : memref<128x128xf32, #tpu.memory_space<vmem>>, vector<128x128xf32>
    %dot_general3A_16 = arith.constant dense<0.000000e+00> : vector<1000x128xf32>
    %dot_general3A_17 = tpu.matmul %get3A_12, %get3A_15, %dot_general3A_16 {dimension_numbers = #tpu.dot_dimension_numbers<[1], [0], [0], [1], [0, 0, 1, 1], [], []>, transpose_lhs_hint = false} : vector<1000x128xf32>, vector<128x128xf32>, vector<1000x128xf32> -> vector<1000x128xf32>
    %get3A_18 = arith.constant 0 : index
    %get3A_19 = arith.constant 0 : index
    %get3A_20 = vector.load %arg6[%get3A_18, %get3A_19] : memref<1x128xf32, #tpu.memory_space<vmem>>, vector<1x128xf32>
    %add3A_21 = vector.broadcast %get3A_20 : vector<1x128xf32> to vector<1000x128xf32>
    %add3A_22 = arith.addf %dot_general3A_17, %add3A_21 : vector<1000x128xf32>
    %swap3A = arith.constant 0 : index
    %swap3A_23 = arith.constant 0 : index
    %swap3A_24 = arith.constant 0 : index
    %swap3A_25 = vector.load %arg11[%swap3A, %swap3A_23, %swap3A_24] : memref<2x1000x128xf32, #tpu.memory_space<vmem>>, vector<1x1000x128xf32>
    %swap3A_26 = vector.shape_cast %swap3A_25 : vector<1x1000x128xf32> to vector<1000x128xf32>
    %swap3A_27 = vector.shape_cast %add3A_9 : vector<1000x128xf32> to vector<1x1000x128xf32>
    tpu.vector_store %arg11[%swap3A, %swap3A_23, %swap3A_24], %swap3A_27 {strides = array<i32>} : memref<2x1000x128xf32, #tpu.memory_space<vmem>>, vector<1x1000x128xf32>,
    %swap3A_28 = arith.constant 1 : index
    %swap3A_29 = arith.constant 0 : index
    %swap3A_30 = arith.constant 0 : index
    %swap3A_31 = vector.load %arg11[%swap3A_28, %swap3A_29, %swap3A_30] : memref<2x1000x128xf32, #tpu.memory_space<vmem>>, vector<1x1000x128xf32>
    %swap3A_32 = vector.shape_cast %swap3A_31 : vector<1x1000x128xf32> to vector<1000x128xf32>
    %swap3A_33 = vector.shape_cast %add3A_22 : vector<1000x128xf32> to vector<1x1000x128xf32>
    tpu.vector_store %arg11[%swap3A_28, %swap3A_29, %swap3A_30], %swap3A_33 {strides = array<i32>} : memref<2x1000x128xf32, #tpu.memory_space<vmem>>, vector<1x1000x128xf32>,
    %get3A_34 = arith.constant 0 : index
    %get3A_35 = arith.constant 0 : index
    %get3A_36 = vector.load %arg7[%get3A_34, %get3A_35] : memref<128x8xf32, #tpu.memory_space<vmem>>, vector<128x8xf32>
    %dot_general3A_37 = arith.constant dense<0.000000e+00> : vector<1000x8xf32>
    %dot_general3A_38 = tpu.matmul %add3A_9, %get3A_36, %dot_general3A_37 {dimension_numbers = #tpu.dot_dimension_numbers<[1], [0], [0], [1], [0, 0, 1, 1], [], []>, transpose_lhs_hint = false} : vector<1000x128xf32>, vector<128x8xf32>, vector<1000x8xf32> -> vector<1000x8xf32>
    %concatenate3A = tpu.concatenate %dot_general3A_38, %dot_general3A_38 in 1 : vector<1000x8xf32>, vector<1000x8xf32> -> vector<1000x16xf32>
    %swap3A_39 = arith.constant 0 : index
    %swap3A_40 = arith.constant 0 : index
    %swap3A_41 = arith.constant 0 : index
    %swap3A_42 = vector.load %arg12[%swap3A_39, %swap3A_40, %swap3A_41] : memref<2x1000x16xf32, #tpu.memory_space<vmem>>, vector<1x1000x16xf32>
    %swap3A_43 = vector.shape_cast %swap3A_42 : vector<1x1000x16xf32> to vector<1000x16xf32>
    %swap3A_44 = vector.shape_cast %concatenate3A : vector<1000x16xf32> to vector<1x1000x16xf32>
    tpu.vector_store %arg12[%swap3A_39, %swap3A_40, %swap3A_41], %swap3A_44 {strides = array<i32>} : memref<2x1000x16xf32, #tpu.memory_space<vmem>>, vector<1x1000x16xf32>,
    %reduce_max3A = arith.constant dense<0xFF800000> : vector<8xf32>
    %reduce_max3A_45 = vector.multi_reduction <maximumf>, %dot_general3A_38, %reduce_max3A [0] : vector<1000x8xf32> to vector<8xf32>
    %broadcast_in_dim3A = vector.shape_cast %reduce_max3A_45 : vector<8xf32> to vector<1x8xf32>
    %get3A_46 = arith.constant 0 : index
    %get3A_47 = arith.constant 0 : index
    %get3A_48 = vector.load %arg8[%get3A_46, %get3A_47] : memref<128x8xf32, #tpu.memory_space<vmem>>, vector<128x8xf32>
    %dot_general3A_49 = arith.constant dense<0.000000e+00> : vector<1000x8xf32>
    %dot_general3A_50 = tpu.matmul %add3A_22, %get3A_48, %dot_general3A_49 {dimension_numbers = #tpu.dot_dimension_numbers<[1], [0], [0], [1], [0, 0, 1, 1], [], []>, transpose_lhs_hint = false} : vector<1000x128xf32>, vector<128x8xf32>, vector<1000x8xf32> -> vector<1000x8xf32>
    %concatenate3A_51 = tpu.concatenate %dot_general3A_50, %dot_general3A_50 in 1 : vector<1000x8xf32>, vector<1000x8xf32> -> vector<1000x16xf32>
    %swap3A_52 = arith.constant 0 : index
    %swap3A_53 = arith.constant 0 : index
    %swap3A_54 = arith.constant 0 : index
    %swap3A_55 = vector.load %arg13[%swap3A_52, %swap3A_53, %swap3A_54] : memref<2x1000x16xf32, #tpu.memory_space<vmem>>, vector<1x1000x16xf32>
    %swap3A_56 = vector.shape_cast %swap3A_55 : vector<1x1000x16xf32> to vector<1000x16xf32>
    %swap3A_57 = vector.shape_cast %concatenate3A_51 : vector<1000x16xf32> to vector<1x1000x16xf32>
    tpu.vector_store %arg13[%swap3A_52, %swap3A_53, %swap3A_54], %swap3A_57 {strides = array<i32>} : memref<2x1000x16xf32, #tpu.memory_space<vmem>>, vector<1x1000x16xf32>,
    %reduce_max3A_58 = arith.constant dense<0xFF800000> : vector<8xf32>
    %reduce_max3A_59 = vector.multi_reduction <maximumf>, %dot_general3A_50, %reduce_max3A_58 [0] : vector<1000x8xf32> to vector<8xf32>
    %broadcast_in_dim3A_60 = vector.shape_cast %reduce_max3A_59 : vector<8xf32> to vector<1x8xf32>
    %get3A_61 = arith.constant 0 : index
    %get3A_62 = arith.constant 0 : index
    %get3A_63 = vector.load %arg9[%get3A_61, %get3A_62] : memref<128x8xf32, #tpu.memory_space<vmem>>, vector<128x8xf32>
    %dot_general3A_64 = arith.constant dense<0.000000e+00> : vector<1000x8xf32>
    %dot_general3A_65 = tpu.matmul %add3A_22, %get3A_63, %dot_general3A_64 {dimension_numbers = #tpu.dot_dimension_numbers<[1], [0], [0], [1], [0, 0, 1, 1], [], []>, transpose_lhs_hint = false} : vector<1000x128xf32>, vector<128x8xf32>, vector<1000x8xf32> -> vector<1000x8xf32>
    %concatenate3A_66 = tpu.concatenate %dot_general3A_65, %dot_general3A_65 in 1 : vector<1000x8xf32>, vector<1000x8xf32> -> vector<1000x16xf32>
    %swap3A_67 = arith.constant 1 : index
    %swap3A_68 = arith.constant 0 : index
    %swap3A_69 = arith.constant 0 : index
    %swap3A_70 = vector.load %arg12[%swap3A_67, %swap3A_68, %swap3A_69] : memref<2x1000x16xf32, #tpu.memory_space<vmem>>, vector<1x1000x16xf32>
    %swap3A_71 = vector.shape_cast %swap3A_70 : vector<1x1000x16xf32> to vector<1000x16xf32>
    %swap3A_72 = vector.shape_cast %concatenate3A_66 : vector<1000x16xf32> to vector<1x1000x16xf32>
    tpu.vector_store %arg12[%swap3A_67, %swap3A_68, %swap3A_69], %swap3A_72 {strides = array<i32>} : memref<2x1000x16xf32, #tpu.memory_space<vmem>>, vector<1x1000x16xf32>,
    %reduce_max3A_73 = arith.constant dense<0xFF800000> : vector<8xf32>
    %reduce_max3A_74 = vector.multi_reduction <maximumf>, %dot_general3A_65, %reduce_max3A_73 [0] : vector<1000x8xf32> to vector<8xf32>
    %broadcast_in_dim3A_75 = vector.shape_cast %reduce_max3A_74 : vector<8xf32> to vector<1x8xf32>
    %get3A_76 = arith.constant 0 : index
    %get3A_77 = arith.constant 0 : index
    %get3A_78 = vector.load %arg10[%get3A_76, %get3A_77] : memref<128x8xf32, #tpu.memory_space<vmem>>, vector<128x8xf32>
    %dot_general3A_79 = arith.constant dense<0.000000e+00> : vector<1000x8xf32>
    %dot_general3A_80 = tpu.matmul %add3A_9, %get3A_78, %dot_general3A_79 {dimension_numbers = #tpu.dot_dimension_numbers<[1], [0], [0], [1], [0, 0, 1, 1], [], []>, transpose_lhs_hint = false} : vector<1000x128xf32>, vector<128x8xf32>, vector<1000x8xf32> -> vector<1000x8xf32>
    %concatenate3A_81 = tpu.concatenate %dot_general3A_80, %dot_general3A_80 in 1 : vector<1000x8xf32>, vector<1000x8xf32> -> vector<1000x16xf32>
    %swap3A_82 = arith.constant 1 : index
    %swap3A_83 = arith.constant 0 : index
    %swap3A_84 = arith.constant 0 : index
    %swap3A_85 = vector.load %arg13[%swap3A_82, %swap3A_83, %swap3A_84] : memref<2x1000x16xf32, #tpu.memory_space<vmem>>, vector<1x1000x16xf32>
    %swap3A_86 = vector.shape_cast %swap3A_85 : vector<1x1000x16xf32> to vector<1000x16xf32>
    %swap3A_87 = vector.shape_cast %concatenate3A_81 : vector<1000x16xf32> to vector<1x1000x16xf32>
    tpu.vector_store %arg13[%swap3A_82, %swap3A_83, %swap3A_84], %swap3A_87 {strides = array<i32>} : memref<2x1000x16xf32, #tpu.memory_space<vmem>>, vector<1x1000x16xf32>,
    %reduce_max3A_88 = arith.constant dense<0xFF800000> : vector<8xf32>
    %reduce_max3A_89 = vector.multi_reduction <maximumf>, %dot_general3A_80, %reduce_max3A_88 [0] : vector<1000x8xf32> to vector<8xf32>
    %broadcast_in_dim3A_90 = vector.shape_cast %reduce_max3A_89 : vector<8xf32> to vector<1x8xf32>
    %concatenate3A_91 = tpu.concatenate %broadcast_in_dim3A, %broadcast_in_dim3A_60, %broadcast_in_dim3A_75, %broadcast_in_dim3A_90 in 0 : vector<1x8xf32>, vector<1x8xf32>, vector<1x8xf32>, vector<1x8xf32> -> vector<4x8xf32>
    %broadcast_in_dim3A_92 = arith.constant -1.000000e+30 : f32
    %broadcast_in_dim3A_93 = vector.broadcast %broadcast_in_dim3A_92 : f32 to vector<4x8xf32>
    %concatenate3A_94 = tpu.concatenate %concatenate3A_91, %broadcast_in_dim3A_93 in 0 : vector<4x8xf32>, vector<4x8xf32> -> vector<8x8xf32>
    %broadcast_in_dim3A_95 = arith.constant -1.000000e+30 : f32
    %broadcast_in_dim3A_96 = vector.broadcast %broadcast_in_dim3A_95 : f32 to vector<8x120xf32>
    %concatenate3A_97 = tpu.concatenate %concatenate3A_94, %broadcast_in_dim3A_96 in 1 : vector<8x8xf32>, vector<8x120xf32> -> vector<8x128xf32>
    %eq3A = arith.constant 0 : i32
    %eq3A_98 = arith.cmpi eq, %arg0, %eq3A : i32
    %convert_element_type3A = arith.extui %eq3A_98 : i1 to i32
    %cond3A = arith.constant 0 : i32
    %cond3A_99 = arith.cmpi ne, %convert_element_type3A, %cond3A : i32
    scf.if %cond3A_99 {
      %broadcast_in_dim3A_106 = arith.constant -1.000000e+30 : f32
      %broadcast_in_dim3A_107 = vector.broadcast %broadcast_in_dim3A_106 : f32 to vector<8x128xf32>
      %swap3A_108 = arith.constant 0 : index
      %swap3A_109 = arith.constant 0 : index
      %swap3A_110 = vector.load %arg14[%swap3A_108, %swap3A_109] : memref<8x128xf32, #tpu.memory_space<vmem>>, vector<8x128xf32>
      tpu.vector_store %arg14[%swap3A_108, %swap3A_109], %broadcast_in_dim3A_107 {strides = array<i32>} : memref<8x128xf32, #tpu.memory_space<vmem>>, vector<8x128xf32>,
    } else {
    }
    %get3A_100 = arith.constant 0 : index
    %get3A_101 = arith.constant 0 : index
    %get3A_102 = vector.load %arg14[%get3A_100, %get3A_101] : memref<8x128xf32, #tpu.memory_space<vmem>>, vector<8x128xf32>
    %max3A = arith.maximumf %get3A_102, %concatenate3A_97 : vector<8x128xf32>
    %swap3A_103 = arith.constant 0 : index
    %swap3A_104 = arith.constant 0 : index
    %swap3A_105 = vector.load %arg14[%swap3A_103, %swap3A_104] : memref<8x128xf32, #tpu.memory_space<vmem>>, vector<8x128xf32>
    tpu.vector_store %arg14[%swap3A_103, %swap3A_104], %max3A {strides = array<i32>} : memref<8x128xf32, #tpu.memory_space<vmem>>, vector<8x128xf32>,
    return
  }
  func.func @transform_0(%arg0: i32) -> (i32, i32) {
    %c0_i32 = arith.constant 0 : i32
    %c0_i32_0 = arith.constant 0 : i32
    return %arg0, %c0_i32 : i32, i32
  }
  func.func @transform_1(%arg0: i32) -> (i32, i32) {
    %c0_i32 = arith.constant 0 : i32
    %c0_i32_0 = arith.constant 0 : i32
    return %arg0, %c0_i32 : i32, i32
  }
  func.func @transform_2(%arg0: i32) -> (i32, i32) {
    %c0_i32 = arith.constant 0 : i32
    %c0_i32_0 = arith.constant 0 : i32
    %c0_i32_1 = arith.constant 0 : i32
    return %c0_i32, %c0_i32_0 : i32, i32
  }
  func.func @transform_3(%arg0: i32) -> (i32, i32) {
    %c0_i32 = arith.constant 0 : i32
    %c0_i32_0 = arith.constant 0 : i32
    %c0_i32_1 = arith.constant 0 : i32
    return %c0_i32, %c0_i32_0 : i32, i32
  }
  func.func @transform_4(%arg0: i32) -> (i32, i32) {
    %c0_i32 = arith.constant 0 : i32
    %c0_i32_0 = arith.constant 0 : i32
    %c0_i32_1 = arith.constant 0 : i32
    return %c0_i32, %c0_i32_0 : i32, i32
  }
  func.func @transform_5(%arg0: i32) -> (i32, i32) {
    %c0_i32 = arith.constant 0 : i32
    %c0_i32_0 = arith.constant 0 : i32
    %c0_i32_1 = arith.constant 0 : i32
    return %c0_i32, %c0_i32_0 : i32, i32
  }
  func.func @transform_6(%arg0: i32) -> (i32, i32) {
    %c0_i32 = arith.constant 0 : i32
    %c0_i32_0 = arith.constant 0 : i32
    %c0_i32_1 = arith.constant 0 : i32
    return %c0_i32, %c0_i32_0 : i32, i32
  }
  func.func @transform_7(%arg0: i32) -> (i32, i32) {
    %c0_i32 = arith.constant 0 : i32
    %c0_i32_0 = arith.constant 0 : i32
    %c0_i32_1 = arith.constant 0 : i32
    return %c0_i32, %c0_i32_0 : i32, i32
  }
  func.func @transform_8(%arg0: i32) -> (i32, i32) {
    %c0_i32 = arith.constant 0 : i32
    %c0_i32_0 = arith.constant 0 : i32
    %c0_i32_1 = arith.constant 0 : i32
    return %c0_i32, %c0_i32_0 : i32, i32
  }
  func.func @transform_9(%arg0: i32) -> (i32, i32) {
    %c0_i32 = arith.constant 0 : i32
    %c0_i32_0 = arith.constant 0 : i32
    %c0_i32_1 = arith.constant 0 : i32
    return %c0_i32, %c0_i32_0 : i32, i32
  }
  func.func @transform_10(%arg0: i32) -> (i32, i32, i32) {
    %c0_i32 = arith.constant 0 : i32
    %c0_i32_0 = arith.constant 0 : i32
    %c0_i32_1 = arith.constant 0 : i32
    return %c0_i32, %arg0, %c0_i32_0 : i32, i32, i32
  }
  func.func @transform_11(%arg0: i32) -> (i32, i32, i32) {
    %c0_i32 = arith.constant 0 : i32
    %c0_i32_0 = arith.constant 0 : i32
    %c0_i32_1 = arith.constant 0 : i32
    return %c0_i32, %arg0, %c0_i32_0 : i32, i32, i32
  }
  func.func @transform_12(%arg0: i32) -> (i32, i32, i32) {
    %c0_i32 = arith.constant 0 : i32
    %c0_i32_0 = arith.constant 0 : i32
    %c0_i32_1 = arith.constant 0 : i32
    return %c0_i32, %arg0, %c0_i32_0 : i32, i32, i32
  }
  func.func @transform_13(%arg0: i32) -> (i32, i32) {
    %c0_i32 = arith.constant 0 : i32
    %c0_i32_0 = arith.constant 0 : i32
    %c0_i32_1 = arith.constant 0 : i32
    return %c0_i32, %c0_i32_0 : i32, i32
  }
}

module attributes {stable_mosaic.version = 14 : i64} {
  func.func @_epilogue_body(%arg0: i32, %arg1: memref<2x1000x128xf32, #tpu.memory_space<vmem>>, %arg2: memref<2x1000x16xf32, #tpu.memory_space<vmem>>, %arg3: memref<8x128xf32, #tpu.memory_space<vmem>>, %arg4: memref<128x128xf32, #tpu.memory_space<vmem>>, %arg5: memref<1x128xf32, #tpu.memory_space<vmem>>, %arg6: memref<1000x128xf32, #tpu.memory_space<vmem>>, %arg7: memref<1000x128xf32, #tpu.memory_space<vmem>>) attributes {dimension_semantics = [#tpu.dimension_semantics<arbitrary>], iteration_bounds = array<i64: 10>, scalar_prefetch = 0 : i64, scratch_operands = 0 : i64, tpu.core_type = #tpu.core_type<tc>, window_params = [{transform_indices = @transform_0, window_bounds = array<i64: 2, 1000, 128>}, {transform_indices = @transform_1, window_bounds = array<i64: 2, 1000, 16>}, {pipeline_mode = #tpu.pipeline_mode<synchronous>, transform_indices = @transform_2, window_bounds = array<i64: 8, 128>}, {pipeline_mode = #tpu.pipeline_mode<synchronous>, transform_indices = @transform_3, window_bounds = array<i64: 128, 128>}, {pipeline_mode = #tpu.pipeline_mode<synchronous>, transform_indices = @transform_4, window_bounds = array<i64: 1, 128>}, {transform_indices = @transform_5, window_bounds = array<i64: 1000, 128>}, {transform_indices = @transform_6, window_bounds = array<i64: 1000, 128>}]} {
    %get3A = arith.constant 0 : index
    %get3A_0 = arith.constant 0 : index
    %get3A_1 = vector.load %arg3[%get3A, %get3A_0] : memref<8x128xf32, #tpu.memory_space<vmem>>, vector<8x128xf32>
    %get3A_2 = arith.constant 0 : index
    %get3A_3 = arith.constant 0 : index
    %get3A_4 = vector.load %arg4[%get3A_2, %get3A_3] : memref<128x128xf32, #tpu.memory_space<vmem>>, vector<128x128xf32>
    %get3A_5 = arith.constant 0 : index
    %get3A_6 = arith.constant 0 : index
    %get3A_7 = vector.load %arg5[%get3A_5, %get3A_6] : memref<1x128xf32, #tpu.memory_space<vmem>>, vector<1x128xf32>
    %get3A_8 = arith.constant 0 : index
    %get3A_9 = arith.constant 0 : index
    %get3A_10 = arith.constant 0 : index
    %get3A_11 = vector.load %arg1[%get3A_8, %get3A_9, %get3A_10] : memref<2x1000x128xf32, #tpu.memory_space<vmem>>, vector<1x1000x128xf32>
    %get3A_12 = vector.shape_cast %get3A_11 : vector<1x1000x128xf32> to vector<1000x128xf32>
    %get3A_13 = arith.constant 0 : index
    %get3A_14 = arith.constant 0 : index
    %get3A_15 = arith.constant 0 : index
    %get3A_16 = vector.load %arg2[%get3A_13, %get3A_14, %get3A_15] : memref<2x1000x16xf32, #tpu.memory_space<vmem>>, vector<1x1000x8xf32>
    %get3A_17 = vector.shape_cast %get3A_16 : vector<1x1000x8xf32> to vector<1000x8xf32>
    %add3A = arith.constant 1.000000e-16 : f32
    %add3A_18 = vector.broadcast %add3A : f32 to vector<1000x8xf32>
    %add3A_19 = arith.addf %get3A_17, %add3A_18 : vector<1000x8xf32>
    %div3A = arith.constant 1.000000e+00 : f32
    %div3A_20 = vector.broadcast %div3A : f32 to vector<1000x8xf32>
    %div3A_21 = arith.divf %div3A_20, %add3A_19 : vector<1000x8xf32>
    %dot_general3A = arith.constant dense<0.000000e+00> : vector<1000x128xf32>
    %dot_general3A_22 = tpu.matmul %div3A_21, %get3A_1, %dot_general3A {dimension_numbers = #tpu.dot_dimension_numbers<[1], [0], [0], [1], [0, 0, 1, 1], [], []>, transpose_lhs_hint = false} : vector<1000x8xf32>, vector<8x128xf32>, vector<1000x128xf32> -> vector<1000x128xf32>
    %mul3A = arith.mulf %get3A_12, %dot_general3A_22 : vector<1000x128xf32>
    %max3A = arith.constant 0.000000e+00 : f32
    %max3A_23 = vector.broadcast %max3A : f32 to vector<1000x128xf32>
    %max3A_24 = arith.maximumf %mul3A, %max3A_23 : vector<1000x128xf32>
    %dot_general3A_25 = arith.constant dense<0.000000e+00> : vector<1000x128xf32>
    %dot_general3A_26 = tpu.matmul %max3A_24, %get3A_4, %dot_general3A_25 {dimension_numbers = #tpu.dot_dimension_numbers<[1], [0], [0], [1], [0, 0, 1, 1], [], []>, transpose_lhs_hint = false} : vector<1000x128xf32>, vector<128x128xf32>, vector<1000x128xf32> -> vector<1000x128xf32>
    %add3A_27 = vector.broadcast %get3A_7 : vector<1x128xf32> to vector<1000x128xf32>
    %add3A_28 = arith.addf %dot_general3A_26, %add3A_27 : vector<1000x128xf32>
    %swap3A = arith.constant 0 : index
    %swap3A_29 = arith.constant 0 : index
    %swap3A_30 = vector.load %arg6[%swap3A, %swap3A_29] : memref<1000x128xf32, #tpu.memory_space<vmem>>, vector<1000x128xf32>
    tpu.vector_store %arg6[%swap3A, %swap3A_29], %add3A_28 {strides = array<i32>} : memref<1000x128xf32, #tpu.memory_space<vmem>>, vector<1000x128xf32>,
    %get3A_31 = arith.constant 1 : index
    %get3A_32 = arith.constant 0 : index
    %get3A_33 = arith.constant 0 : index
    %get3A_34 = vector.load %arg1[%get3A_31, %get3A_32, %get3A_33] : memref<2x1000x128xf32, #tpu.memory_space<vmem>>, vector<1x1000x128xf32>
    %get3A_35 = vector.shape_cast %get3A_34 : vector<1x1000x128xf32> to vector<1000x128xf32>
    %get3A_36 = arith.constant 1 : index
    %get3A_37 = arith.constant 0 : index
    %get3A_38 = arith.constant 0 : index
    %get3A_39 = vector.load %arg2[%get3A_36, %get3A_37, %get3A_38] : memref<2x1000x16xf32, #tpu.memory_space<vmem>>, vector<1x1000x8xf32>
    %get3A_40 = vector.shape_cast %get3A_39 : vector<1x1000x8xf32> to vector<1000x8xf32>
    %add3A_41 = arith.constant 1.000000e-16 : f32
    %add3A_42 = vector.broadcast %add3A_41 : f32 to vector<1000x8xf32>
    %add3A_43 = arith.addf %get3A_40, %add3A_42 : vector<1000x8xf32>
    %div3A_44 = arith.constant 1.000000e+00 : f32
    %div3A_45 = vector.broadcast %div3A_44 : f32 to vector<1000x8xf32>
    %div3A_46 = arith.divf %div3A_45, %add3A_43 : vector<1000x8xf32>
    %dot_general3A_47 = arith.constant dense<0.000000e+00> : vector<1000x128xf32>
    %dot_general3A_48 = tpu.matmul %div3A_46, %get3A_1, %dot_general3A_47 {dimension_numbers = #tpu.dot_dimension_numbers<[1], [0], [0], [1], [0, 0, 1, 1], [], []>, transpose_lhs_hint = false} : vector<1000x8xf32>, vector<8x128xf32>, vector<1000x128xf32> -> vector<1000x128xf32>
    %mul3A_49 = arith.mulf %get3A_35, %dot_general3A_48 : vector<1000x128xf32>
    %max3A_50 = arith.constant 0.000000e+00 : f32
    %max3A_51 = vector.broadcast %max3A_50 : f32 to vector<1000x128xf32>
    %max3A_52 = arith.maximumf %mul3A_49, %max3A_51 : vector<1000x128xf32>
    %dot_general3A_53 = arith.constant dense<0.000000e+00> : vector<1000x128xf32>
    %dot_general3A_54 = tpu.matmul %max3A_52, %get3A_4, %dot_general3A_53 {dimension_numbers = #tpu.dot_dimension_numbers<[1], [0], [0], [1], [0, 0, 1, 1], [], []>, transpose_lhs_hint = false} : vector<1000x128xf32>, vector<128x128xf32>, vector<1000x128xf32> -> vector<1000x128xf32>
    %add3A_55 = vector.broadcast %get3A_7 : vector<1x128xf32> to vector<1000x128xf32>
    %add3A_56 = arith.addf %dot_general3A_54, %add3A_55 : vector<1000x128xf32>
    %swap3A_57 = arith.constant 0 : index
    %swap3A_58 = arith.constant 0 : index
    %swap3A_59 = vector.load %arg7[%swap3A_57, %swap3A_58] : memref<1000x128xf32, #tpu.memory_space<vmem>>, vector<1000x128xf32>
    tpu.vector_store %arg7[%swap3A_57, %swap3A_58], %add3A_56 {strides = array<i32>} : memref<1000x128xf32, #tpu.memory_space<vmem>>, vector<1000x128xf32>,
    return
  }
  func.func @transform_0(%arg0: i32) -> (i32, i32, i32) {
    %c0_i32 = arith.constant 0 : i32
    %c0_i32_0 = arith.constant 0 : i32
    %c0_i32_1 = arith.constant 0 : i32
    return %c0_i32, %arg0, %c0_i32_0 : i32, i32, i32
  }
  func.func @transform_1(%arg0: i32) -> (i32, i32, i32) {
    %c0_i32 = arith.constant 0 : i32
    %c0_i32_0 = arith.constant 0 : i32
    %c0_i32_1 = arith.constant 0 : i32
    return %c0_i32, %arg0, %c0_i32_0 : i32, i32, i32
  }
  func.func @transform_2(%arg0: i32) -> (i32, i32) {
    %c0_i32 = arith.constant 0 : i32
    %c0_i32_0 = arith.constant 0 : i32
    %c0_i32_1 = arith.constant 0 : i32
    return %c0_i32, %c0_i32_0 : i32, i32
  }
  func.func @transform_3(%arg0: i32) -> (i32, i32) {
    %c0_i32 = arith.constant 0 : i32
    %c0_i32_0 = arith.constant 0 : i32
    %c0_i32_1 = arith.constant 0 : i32
    return %c0_i32, %c0_i32_0 : i32, i32
  }
  func.func @transform_4(%arg0: i32) -> (i32, i32) {
    %c0_i32 = arith.constant 0 : i32
    %c0_i32_0 = arith.constant 0 : i32
    %c0_i32_1 = arith.constant 0 : i32
    return %c0_i32, %c0_i32_0 : i32, i32
  }
  func.func @transform_5(%arg0: i32) -> (i32, i32) {
    %c0_i32 = arith.constant 0 : i32
    %c0_i32_0 = arith.constant 0 : i32
    return %arg0, %c0_i32 : i32, i32
  }
  func.func @transform_6(%arg0: i32) -> (i32, i32) {
    %c0_i32 = arith.constant 0 : i32
    %c0_i32_0 = arith.constant 0 : i32
    return %arg0, %c0_i32 : i32, i32
  }
}

</mosaic_0001>

<sc_bundles>
// kernel: kernel.5.cloned.1.call-start
scs
__scs_entry_jumppad:
0x0: {  	(pc) =	sbr.rel $0x88, $3  }
0x1: {  	(tag) =	ssettag $0x0;
	lr =	simm.s32 $0x1  }
0x2: {  	[smem:$0x3F93] =	sst lr;
	_ =	strace $0xD0000000  }
0x3: {  	_ = 	snop  }
0x4: {  	_ = 	snop  }
0x5: {  	_ = 	snop  }
0x6: {  	_ = 	snop  }
0x7: {  	_ = 	snop  }
__scs_overlays_trampoline_lowered:
0x8: {  	[smem:$0x3FA2] =	sst s0  }
0x9: {  	[smem:$0x3FA3] =	sst s1  }
0xa: {  	[smem:$0x3FA4] =	sst s2  }
0xb: {  	[smem:$0x3FA5] =	sst s3  }
0xc: {  	[smem:$0x3FA6] =	sst s4  }
0xd: {  	[smem:$0x3FA7] =	sst s5  }
0xe: {  	[smem:$0x3FA8] =	sst s6  }
0xf: {  	[smem:$0x3FA9] =	sst s7  }
0x10: {  	[smem:$0x3FAA] =	sst s8  }
0x11: {  	[smem:$0x3FAB] =	sst s9;
	s0 =	simm.s32 @!p0 $0x0  }
0x12: {  	s1 =	sld [smem:$0x3F91];
	s0 =	simm.s32 @p0 $0x1  }
0x13: {  	[smem:$0x3FAC] =	sst s0;
	s0 =	simm.s32 @!p1 $0x0  }
0x14: {  	s2 =	sld [smem:$0x3F90];
	s0 =	simm.s32 @p1 $0x1  }
0x15: {  	[smem:$0x3FAD] =	sst s0;
	s0 =	simm.s32 @!p2 $0x0  }
0x16: {  	s3 =	sld [smem:$0x3FDB];
	s0 =	simm.s32 @p2 $0x1  }
0x17: {  	s4 =	simm.s32 $0x1BF5;
	[smem:$0x3FAF] =	sst s0  }
0x18: {  	s0 =	sld [smem:$0x3F92];
	_ =	swait.ge [sflag:s4], $0x0  }
0x19: {  	s7 =	sld [smem:$0x3F93]  }
0x1a: {  	s8 =	sadd.s32 $0xFFFFE003, lr  }
0x1b: {  	s9 =	sadd.s32 $0xFFFFFEF7, lr;
	s5 =	simm.s32 $0xFFFFFFFF;
	p2 =	slt.u32 s8, $0xFFFFF086  }
0x1c: {  	p1 =	slt.u32 s9, $0xF7A;
	s5 =	simm.s32 @!p2 $0x0  }
0x1d: {  	s5 =	simm.s32 @p1 $0x1;
	p0 =	seq.s32 s7, s2  }
0x1e: {  	s7 =	smul.u32 @!p0 $0xF7A, s2;
	p2 =	seq.s32 @!p0 s5, $0x0  }
0x1f: {  	s9 =	smul.u32 $0xF7A, s1;
	s8 =	simm.s32 @!p0 $0x1BF5;
	p2 =	por !p2, p0  }
0x20: {  	[sflag:s8] =	ssyncset.s32 @!p0 $0xFFFFF086;
	s6 =	sadd.s32 @!p0 s3, s7;
	s7 =	simm.s32 @!p0 $0x108  }
0x21: {  	s3 =	sadd.s32 s3, s9;
	s6 =	sadd.s32 @!p0 $0x88, s6;
	s7 =	simm.s32 @p2 $0x1082  }
0x22: {  	[simem:s7], [sflag:s8] =	dma.local @!p0 [hbm:s6], $0xF7A  }
0x23: {  	s9 =	sor.u32 $0xD0000000, s2;
	s6 =	simm.s32 $0x108;
	_ =	swait.ge @!p0 [sflag:s8], $0x0  }
0x24: {  	s3 =	sadd.s32 $0x88, s3;
	s6 =	simm.s32 @!p1 $0x1082;
	[sflag:s4] =	ssyncset.s32 $0xFFFFF086  }
0x25: {  	[simem:s6], [sflag:s4] =	dma.local [hbm:s3], $0xF7A  }
0x26: {  	[smem:$0x3F93] =	sst s1;
	(tag) =	ssettag s2;
	_ =	strace s9  }
0x27: {  	s1 =	sld [smem:$0x3FA3]  }
0x28: {  	s2 =	sld [smem:$0x3FA4]  }
0x29: {  	s4 =	sld [smem:$0x3FA6]  }
0x2a: {  	p0 =	seq.s32 s5, $0x0;
	s5 =	sld [smem:$0x3FA7]  }
0x2b: {  	s6 =	sld [smem:$0x3FA8]  }
0x2c: {  	s7 =	sld [smem:$0x3FA9]  }
0x2d: {  	s3 =	simm.s32 $0x108;
	s8 =	sld [smem:$0x3FAA]  }
0x2e: {  	s3 =	simm.s32 @!p0 $0x1082;
	s9 =	sld [smem:$0x3FAB]  }
0x2f: {  	lr =	sadd.s32 s0, s3;
	s0 =	sld [smem:$0x3FA2]  }
0x30: {  	s3 =	sld [smem:$0x3FA5]  }
0x31: {  	[smem:$0x3FAE] =	sst s10  }
0x32: {  	s10 =	sld [smem:$0x3FAC];
	_ =	sdelay $0x3  }
0x33: {  	p0 =	seq.s32 s10, $0x1;
	s10 =	sld [smem:$0x3FAE];
	_ =	sdelay $0x3  }
0x34: {  	[smem:$0x3FAE] =	sst s10  }
0x35: {  	s10 =	sld [smem:$0x3FAD];
	_ =	sdelay $0x3  }
0x36: {  	p1 =	seq.s32 s10, $0x1;
	s10 =	sld [smem:$0x3FAE];
	_ =	sdelay $0x3  }
0x37: {  	[smem:$0x3FAE] =	sst s10  }
0x38: {  	s10 =	sld [smem:$0x3FAF]  }
0x39: {  	_ = 	snop;
	(pc) =	sbr.ind lr, $3  }
0x3a: {  	_ = 	snop  }
0x3b: {  	_ = 	snop  }
0x3c: {  	p2 =	seq.s32 s10, $0x1;
	s10 =	sld [smem:$0x3FAE]  }
0x3d: {  	_ =	shalt  }
0x3e: {  	_ =	shalt  }
0x3f: {  	_ =	shalt  }
0x40: {  	_ =	shalt  }
0x41: {  	_ =	shalt  }
0x42: {  	_ =	shalt  }
0x43: {  	_ =	shalt  }
0x44: {  	_ =	shalt  }
0x45: {  	_ =	shalt  }
0x46: {  	_ =	shalt  }
0x47: {  	_ =	shalt  }
0x48: {  	_ =	shalt  }
0x49: {  	_ =	shalt  }
0x4a: {  	_ =	shalt  }
0x4b: {  	_ =	shalt  }
0x4c: {  	_ =	shalt  }
0x4d: {  	_ =	shalt  }
0x4e: {  	_ =	shalt  }
0x4f: {  	_ =	shalt  }
0x50: {  	_ =	shalt  }
0x51: {  	_ =	shalt  }
0x52: {  	_ =	shalt  }
0x53: {  	_ =	shalt  }
0x54: {  	_ =	shalt  }
0x55: {  	_ =	shalt  }
0x56: {  	_ =	shalt  }
0x57: {  	_ =	shalt  }
0x58: {  	_ =	shalt  }
0x59: {  	_ =	shalt  }
0x5a: {  	_ =	shalt  }
0x5b: {  	_ =	shalt  }
0x5c: {  	_ =	shalt  }
0x5d: {  	_ =	shalt  }
0x5e: {  	_ =	shalt  }
0x5f: {  	_ =	shalt  }
0x60: {  	_ =	shalt  }
0x61: {  	_ =	shalt  }
0x62: {  	_ =	shalt  }
0x63: {  	_ =	shalt  }
0x64: {  	_ =	shalt  }
0x65: {  	_ =	shalt  }
0x66: {  	_ =	shalt  }
0x67: {  	_ =	shalt  }
0x68: {  	_ =	shalt  }
0x69: {  	_ =	shalt  }
0x6a: {  	_ =	shalt  }
0x6b: {  	_ =	shalt  }
0x6c: {  	_ =	shalt  }
0x6d: {  	_ =	shalt  }
0x6e: {  	_ =	shalt  }
0x6f: {  	_ =	shalt  }
0x70: {  	_ =	shalt  }
0x71: {  	_ =	shalt  }
0x72: {  	_ =	shalt  }
0x73: {  	_ =	shalt  }
0x74: {  	_ =	shalt  }
0x75: {  	_ =	shalt  }
0x76: {  	_ =	shalt  }
0x77: {  	_ =	shalt  }
0x78: {  	_ =	shalt  }
0x79: {  	_ =	shalt  }
0x7a: {  	_ =	shalt  }
0x7b: {  	_ =	shalt  }
0x7c: {  	_ =	shalt  }
0x7d: {  	_ =	shalt  }
0x7e: {  	_ =	shalt  }
0x7f: {  	_ =	shalt  }
0x80: {  	_ =	shalt  }
0x81: {  	_ =	shalt  }
0x82: {  	_ =	shalt  }
0x83: {  	_ =	shalt  }
0x84: {  	_ =	shalt  }
0x85: {  	_ =	shalt  }
0x86: {  	_ =	shalt  }
0x87: {  	_ =	shalt  }
.Lfunc_end0:
.L_simem_size_0:
called_computation_lowered:
.L_overlay_start_0:
0x88: {  	s2 =	sld [smem:$0x3FD9]  }
0x89: {  	s3 =	sld [smem:$0x3FFE];
	_ =	sdelay $0x1  }
0x8a: {  	s1 =	srdreg.scid  }
0x8b: {  	s0 =	sand.u32 $0x1, s1  }
0x8c: {  	s14 =	sshll.u32 s0, $0xA;
	s2 =	sadd.s32 s3, s2  }
0x8d: {  	s2 =	sadd.s32 s2, s14  }
0x8e: {  	[smem:$0x3FBA] =	sst s2  }
0x8f: {  	_ = 	snop  }
0x90: {  	s2 =	sld [smem:$0x3FD0];
	_ =	sdelay $0x2  }
0x91: {  	s15 =	simm.s32 $0xA;
	s4 =	simm.s32 $0x10  }
0x92: {  	[smem:s4], [sflag:s15] =	dma.local [hbm:s2], $0x1  }
0x93: {  	_ =	swait.eq [sflag:s15], $0x1  }
0x94: {  	[sflag:s15] =	ssyncset.done $0x0  }
0x95: {  	s16 =	sld [smem:$0x10];
	[sflag:s15] =	ssyncadd.s32 $0xFFFFFFFF  }
0x96: {  	s17 =	sld [smem:$0x11];
	(tm) =	ssettm $0x1  }
0x97: {  	s18 =	sld [smem:$0x3FFB];
	_ =	sdelay $0x3  }
0x98: {  	_ =	strace s18  }
0x99: {  	s4 =	sld [smem:$0x3FFC];
	_ =	sdelay $0x3  }
0x9a: {  	_ =	strace s4  }
0x9b: {  	s4 =	sld [smem:$0x3FFD];
	_ =	sdelay $0x3  }
0x9c: {  	_ =	strace s4  }
0x9d: {  	_ =	strace $0x8FFFFFFF  }
0x9e: {  	s19 =	sld [smem:$0x3FDB];
	_ =	sdelay $0x1  }
0x9f: {  	s5 =	simm.s32 $_scs_section_size  }
0xa0: {  	s6 =	simm.s32 $_size__tile_overlayer_lowered;
	s7 =	simm.s32 $_tile_overlayer_lowered  }
0xa1: {  	s22 =	simm.s32 $0x1BFF;
	s21 =	sshll.u32 s7, $0x1;
	s4 =	sadd.s32 s5, s19  }
0xa2: {  	s8 =	simm.s32 $0x0;
	s20 =	sshll.u32 s6, $0x1;
	s6 =	sadd.s32 s21, s4  }
0xa3: {  	[timem:s8], [sflag:s22] =	dma.local [hbm:s6], s20  }
0xa4: {  	_ =	swait.ge [sflag:s22], s20  }
0xa5: {  	s5 =	ssub.s32 $0x0, s20;
	[sflag:s22] =	ssyncset.done $0x0  }
0xa6: {  	[sflag:s22] =	ssyncadd.s32 s5;
	_ =	sdelay $0x1  }
0xa7: {  	s23 =	simm.s32 $0x1B8B  }
0xa8: {  	_ =	swait.ge [sflag:s23], $0x1  }
0xa9: {  	[sflag:s23] =	ssyncset.done $0x0  }
0xaa: {  	s25 =	simm.s32 $0x1B8E;
	s24 =	sld [smem:$0x3FFE];
	[sflag:s23] =	ssyncadd.s32 $0xFFFFFFFF  }
0xab: {  	s26 =	simm.s32 $execute0_lowered;
	[smem:$0x3FD2] =	sst s25  }
0xac: {  	s6 =	sshll.u32 s26, $0x1;
	_ =	strace $0x80000046;
	[dreg:$0x1] =	wrdreg $0xFFFFFFFF  }
0xad: {  	s28 =	simm.s32 $_size_execute0_lowered;
	s4 =	sadd.s32 s4, s6;
	[dreg:$0x0] =	wrdreg $0x0  }
0xae: {  	s6 =	sshll.u32 s28, $0x1;
	[dreg:$0x2] =	wrdreg s4  }
0xaf: {  	[dreg:$0x3] =	wrdreg s6  }
0xb0: {  	[dreg:$0x4] =	wrdreg $0xC0  }
0xb1: {  	_ =	task [dreg:s8], $0x5FFFF  }
0xb2: {  	[dreg:$0x1] =	wrdreg $0xFFFFFFFF  }
0xb3: {  	[dreg:$0x0] =	wrdreg $0x60  }
0xb4: {  	[dreg:$0x2] =	wrdreg s24  }
0xb5: {  	[dreg:$0x3] =	wrdreg s16  }
0xb6: {  	[dreg:$0x4] =	wrdreg s17  }
0xb7: {  	[dreg:$0x5] =	wrdreg $0x79700  }
0xb8: {  	[dreg:$0x6] =	wrdreg $0x1B2300  }
0xb9: {  	[dreg:$0x7] =	wrdreg $0x9  }
0xba: {  	_ =	task.clear_ibuf [dreg:s8], $0x8FFFF;
	_ =	strace $0x90000046  }
0xbb: {  	s29 =	simm.s32 $0x9;
	_ =	strace $0x80000048  }
0xbc: {  	_ =	swait.ge [sflag:s29], $0x1  }
0xbd: {  	[sflag:s29] =	ssyncadd.s32 $0xFFFFFFFF  }
0xbe: {  	_ =	strace $0x90000048  }
0xbf: {  	_ =	sfence  }
0xc0: {  	s30 =	sld [smem:$0x0];
	_ =	sdelay $0x2  }
0xc1: {  	s31 =	sshll.u32 s1, $0xD;
	s1 =	sshrl.u32 s1, $0x2  }
0xc2: {  	s3 =	sand.u32 $0x4000, s31;
	s1 =	sadd.s32 s1, s30  }
0xc3: {  	s0 =	sor.u32 s3, s0;
	s1 =	sshll.u32 s1, $0x11  }
0xc4: {  	s0 =	sor.u32 s1, s0  }
0xc5: {  	s0 =	sadd.s32 $0x8F2B, s0  }
0xc6: {  	[sflag:s0] =	ssyncadd.remote.s32 $0x1  }
0xc7: {  	_ =	sfence.sel $0xFFFF  }
0xc8: {  	[dreg:$0x0] =	wrdreg $0xFFFFFFFF;
	(pc) =	sbr.abs _section_cstart, $3  }
0xc9: {  	[dreg:$0x1] =	wrdreg $0xFFFFFFFF  }
0xca: {  	_ =	task.clear_ibuf [dreg:s8], $0x2FFFF;
	_ =	strace $0x9FFFFFFF  }
0xcb: {  	(tm) =	ssettm $0x7FFFFFFF  }
tec
execute0_lowered:
.L_overlay_start_1:
0x0: {  	(tag) =	ssettag $0x1  }
0x1: {  	s0 =	rddreg [dreg:$0x0]  }
0x2: {  	s1 =	rddreg [dreg:$0x1]  }
0x3: {  	s2 =	rddreg [dreg:$0x2]  }
0x4: {  	s3 =	rddreg [dreg:$0x3];
	s22 =	stileid.u32  }
0x5: {  	s5 =	srdreg.scid;
	s12 =	smul.u32 $0x13800, s22  }
0x6: {  	s4 =	rddreg [dreg:$0x4];
	s6 =	sand.u32 $0x1, s5;
	s16 =	smul.u32 $0x2700, s22  }
0x7: {  	s5 =	simm.s32 $0x0;
	s19 =	smul.u32 $0x5780, s22;
	s25 =	sadd.s32 $0x40800, s0  }
0x8: {  	s26 =	sadd.s32 $0x36A00, s0;
	p0 =	sne.s32 s22, $0xF;
	s8 =	smul.u32 $0x138800, s6  }
0x9: {  	[smem:$0x7FF] =	sst s5;
	s10 =	smul.u32 $0x27100, s6;
	s7 =	sshll.u32 s6, $0x1  }
0xa: {  	s24 =	smul.u32 $0x57800, s6;
	s6 =	ssub.s32 $0x2, s6;
	_ =	strace $0x80000047  }
0xb: {  	s14 =	sadd.s32 s7, s0;
	s17 =	sshrl.u32 s12, $0x3;
	s18 =	sshrl.u32 s16, $0x3  }
0xc: {  	s21 =	sshrl.u32 s6, $0x1;
	s9 =	sshrl.u32 s8, $0x3;
	s13 =	sshrl.u32 s10, $0x3  }
0xd: {  	s20 =	sadd.s32 s17, s0;
	s18 =	sadd.s32 s18, s0;
	s7 =	sadd.s32 s19, s24  }
0xe: {  	s6 =	ssub.s32 s6, s21;
	s14 =	sadd.s32 $0xEB000, s14;
	s8 =	sadd.s32 s12, s8  }
0xf: {  	s19 =	sadd.s32 s12, s3;
	s11 =	sadd.s32 s9, s0;
	[dreg:$0x6] =	wrdreg s14  }
0x10: {  	s28 =	sshrl.u32 s7, $0x3;
	[dreg:$0x11] =	wrdreg s19;
	s21 =	sadd.s32 $0xA800, s20  }
0x11: {  	s8 =	sshrl.u32 s8, $0x3;
	s29 =	sadd.s32 s1, s28;
	[dreg:$0x12] =	wrdreg s21  }
0x12: {  	s9 =	sadd.s32 s25, s9;
	s8 =	sadd.s32 s25, s8;
	[dreg:$0x7] =	wrdreg s29  }
0x13: {  	s30 =	sor.u32 $0x7, s28;
	s25 =	sadd.s32 s2, s28;
	[dreg:$0x8] =	wrdreg s8  }
0x14: {  	s10 =	sadd.s32 s16, s10;
	s23 =	sadd.s32 s1, s30;
	[dreg:$0xc] =	wrdreg s25  }
0x15: {  	s31 =	sshrl.u32 s10, $0x3;
	s24 =	sadd.s32 s2, s30;
	[dreg:$0x9] =	wrdreg s23  }
0x16: {  	s15 =	sadd.s32 s13, s0;
	s8 =	sadd.s32 s26, s31;
	[dreg:$0xa] =	wrdreg s24  }
0x17: {  	s19 =	simm.s32 $0x2;
	s25 =	sadd.s32 $0x31800, s0;
	[dreg:$0xb] =	wrdreg s8  }
0x18: {  	s20 =	simm.s32 $0x7640;
	s0 =	sadd.s32 $0x36800, s0;
	[dreg:$0x15] =	wrdreg s25  }
0x19: {  	s8 =	sadd.s32 s26, s13;
	s23 =	sadd.s32 s16, s4;
	[dreg:$0x16] =	wrdreg s0  }
0x1a: {  	s26 =	sor.u32 $0xE, s28;
	s24 =	sadd.s32 $0x31A00, s18;
	[dreg:$0x13] =	wrdreg s23  }
0x1b: {  	s14 =	sadd.s32 $0xA00, s15;
	s30 =	sadd.s32 s1, s26;
	[dreg:$0x14] =	wrdreg s24  }
0x1c: {  	s15 =	sadd.s32 $0xEB200, s15;
	s10 =	sadd.s32 s2, s26;
	[dreg:$0xd] =	wrdreg s30  }
0x1d: {  	s28 =	sadd.s32 $0xA8, s7;
	s26 =	sadd.s32 $0x27000, s9;
	[dreg:$0xe] =	wrdreg s10  }
0x1e: {  	s29 =	sshrl.u32 s28, $0x3;
	s28 =	sadd.s32 $0x4E00, s8;
	[dreg:$0x17] =	wrdreg s26  }
0x1f: {  	s17 =	sadd.s32 $0x9CE00, s11;
	s31 =	sadd.s32 s1, s29;
	[dreg:$0x18] =	wrdreg s28  }
0x20: {  	s11 =	simm.s32 $0x32;
	s13 =	sadd.s32 s2, s29;
	[dreg:$0xf] =	wrdreg s31  }
0x21: {  	s21 =	simm.s32 $0x5A20;
	s29 =	smax.u32 s6, $0x1;
	[dreg:$0x10] =	wrdreg s13  }
0x22: {  	s18 =	simm.s32 $0x4120;
	s30 =	sadd.s32 $0x138000, s3;
	[dreg:$0x19] =	wrdreg s29  }
0x23: {  	s8 =	simm.s32 $0x7;
	[dreg:$0x1a] =	wrdreg s30;
	s31 =	sadd.s32 $0x27000, s4  }
0x24: {  	vm0 =	vmmov $0xff;
	s9 =	simm.s32 $0x0;
	s13 =	simm.s32 $0x1;
	[dreg:$0x1b] =	wrdreg s31  }
.LBB2_1:
0x25: {  	[dreg:$0x1c] =	wrdreg s9  }
0x26: {  	s0 =	rddreg [dreg:$0x6];
	s6 =	simm.s32 $0x7960  }
0x27: {  	[tilespmem:s6], [sflag:$0x7] =	stream.linear.gather [hbm4b:s0+s5], $0x10, $0x38;
	[tilespmem:$0x1D948] =	vst v63  }
0x28: {  	_ =	swait.ge [sflag:s8], $0x10  }
0x29: {  	[sflag:s8] =	ssyncset.done $0x0  }
0x2a: {  	s24 =	rddreg [dreg:$0x7];
	[sflag:s8] =	ssyncadd.s32 $0xFFFFFFF0  }
0x2b: {  	[tilespmem:s5], [sflag:$0x5] =	stream.linear.gather [hbm4b:s24+s5], $0x38, $0x38;
	[tilespmem:$0x1D948] =	vst v63  }
0x2c: {  	s26 =	simm.s32 $0x150;
	s25 =	rddreg [dreg:$0xc]  }
0x2d: {  	[tilespmem:s26], [sflag:$0x5] =	stream.linear.gather [hbm4b:s25+s5], $0x38, $0x38;
	[tilespmem:$0x1D948] =	vst v63  }
0x2e: {  	s29 =	simm.s32 $0x38;
	s28 =	rddreg [dreg:$0x9]  }
0x2f: {  	[tilespmem:s29], [sflag:$0x6] =	stream.linear.gather [hbm4b:s28+s5], $0x38, $0x38;
	[tilespmem:$0x1D948] =	vst v63  }
0x30: {  	s10 =	simm.s32 $0x188;
	s12 =	simm.s32 $0x5;
	s30 =	rddreg [dreg:$0xa]  }
0x31: {  	[tilespmem:s10], [sflag:$0x6] =	stream.linear.gather [hbm4b:s30+s5], $0x38, $0x38;
	[tilespmem:$0x1D948] =	vst v63  }
0x32: {  	_ =	swait.ge [sflag:s12], $0x38  }
0x33: {  	[sflag:s12] =	ssyncset.done $0x0  }
0x34: {  	[sflag:s12] =	ssyncadd.s32 $0xFFFFFFC8  }
0x35: {  	_ =	swait.ge [sflag:s12], $0x38  }
0x36: {  	[sflag:s12] =	ssyncset.done $0x0  }
0x37: {  	s16 =	simm.s32 $0x2A0;
	[sflag:s12] =	ssyncadd.s32 $0xFFFFFFC8  }
0x38: {  	[tilespmem:s16], [sflag:$0x1] =	stream.indirect.gather [hbm4b:s14+s11], $0x10, s5, s11, $0xb8;
	[tilespmem:$0x1D948] =	vst v63  }
0x39: {  	s22 =	simm.s32 $0x8E0  }
0x3a: {  	[tilespmem:s22], [sflag:$0x1] =	stream.indirect.gather [hbm4b:s15+s11], $0x10, s26, s11, $0xb8;
	[tilespmem:$0x1D948] =	vst v63  }
0x3b: {  	s23 =	simm.s32 $0xF20;
	s24 =	simm.s32 $0x6  }
0x3c: {  	[tilespmem:s23], [sflag:$0x1] =	stream.indirect.gather [hbm4b:s17+s11], $0x80, s5, s11, $0xb8;
	[tilespmem:$0x1D948] =	vst v63  }
0x3d: {  	_ =	swait.ge [sflag:s24], $0x38  }
0x3e: {  	[sflag:s24] =	ssyncset.done $0x0  }
0x3f: {  	[sflag:s24] =	ssyncadd.s32 $0xFFFFFFC8  }
0x40: {  	_ =	swait.ge [sflag:s24], $0x38  }
0x41: {  	[sflag:s24] =	ssyncset.done $0x0  }
0x42: {  	s25 =	simm.s32 $0x5C0;
	s6 =	rddreg [dreg:$0xe];
	[sflag:s24] =	ssyncadd.s32 $0xFFFFFFC8  }
0x43: {  	[tilespmem:s25], [sflag:$0x2] =	stream.indirect.gather [hbm4b:s14+s11], $0x10, s29, s11, $0xb8;
	[tilespmem:$0x1D948] =	vst v63  }
0x44: {  	s26 =	simm.s32 $0xC00;
	s16 =	rddreg [dreg:$0x10]  }
0x45: {  	[tilespmem:s26], [sflag:$0x2] =	stream.indirect.gather [hbm4b:s15+s11], $0x10, s10, s11, $0xb8;
	[tilespmem:$0x1D948] =	vst v63  }
0x46: {  	s28 =	simm.s32 $0x2820;
	s24 =	rddreg [dreg:$0x11]  }
0x47: {  	[tilespmem:s28], [sflag:$0x2] =	stream.indirect.gather [hbm4b:s17+s11], $0x80, s29, s11, $0xb8;
	[tilespmem:$0x1D948] =	vst v63  }
0x48: {  	s30 =	simm.s32 $0x70;
	s25 =	sshrl.u32 s24, $0x3;
	s29 =	rddreg [dreg:$0xd]  }
0x49: {  	[tilespmem:s30], [sflag:$0x5] =	stream.linear.gather [hbm4b:s29+s5], $0x38, $0x38;
	[tilespmem:$0x1D948] =	vst v63  }
0x4a: {  	s9 =	simm.s32 $0x1C0;
	s23 =	stileid.u32;
	[dreg:$0x1e] =	wrdreg s25  }
0x4b: {  	[tilespmem:s9], [sflag:$0x5] =	stream.linear.gather [hbm4b:s6+s5], $0x38, $0x38;
	[tilespmem:$0x1D948] =	vst v63  }
0x4c: {  	s12 =	simm.s32 $0xA8;
	s0 =	sshll.u32 s23, $0x6;
	s10 =	rddreg [dreg:$0xf]  }
0x4d: {  	[tilespmem:s12], [sflag:$0x6] =	stream.linear.gather [hbm4b:s10+s5], $0x38, $0x38;
	[tilespmem:$0x1D948] =	vst v63  }
0x4e: {  	s22 =	simm.s32 $0x1F8;
	s26 =	rddreg [dreg:$0x12];
	s9 =	sor.u32 $0x1C07, s0  }
0x4f: {  	[tilespmem:s22], [sflag:$0x6] =	stream.linear.gather [hbm4b:s16+s5], $0x38, $0x38;
	[tilespmem:$0x1D948] =	vst v63  }
0x50: {  	[spmem:s25], [sflag:s9] =	dma.local [hbm:s26], $0x2700  }
0x51: {  	_ =	swait.ge [sflag:s8], $0x2700  }
0x52: {  	s28 =	rddreg [dreg:$0x13]  }
0x53: {  	[sflag:s8] =	ssyncset.done $0x0;
	s30 =	rddreg [dreg:$0x14];
	s29 =	sshrl.u32 s28, $0x3  }
0x54: {  	[sflag:s8] =	ssyncadd.s32 $0xFFFFD900;
	[dreg:$0x1f] =	wrdreg s29  }
0x55: {  	[spmem:s29], [sflag:s9] =	dma.local [hbm:s30], $0x4E0  }
0x56: {  	_ =	swait.ge [sflag:s8], $0x4E0  }
0x57: {  	s0 =	rddreg [dreg:$0x1a]  }
0x58: {  	[sflag:s8] =	ssyncset.done $0x0;
	s6 =	sshrl.u32 @!p0 s0, $0x3;
	s0 =	rddreg [dreg:$0x15]  }
0x59: {  	[sflag:s8] =	ssyncadd.s32 $0xFFFFFB20;
	[smem:$0x7FC] =	sst s6  }
0x5a: {  	[spmem:s6], [sflag:s9] =	dma.local @!p0 [hbm:s0], $0x180  }
0x5b: {  	s0 =	simm.s32 @!p0 $0x7  }
0x5c: {  	_ =	swait.ge @!p0 [sflag:s0], $0x180;
	[dreg:$0x1d] =	wrdreg s9  }
0x5d: {  	s6 =	rddreg [dreg:$0x1b]  }
0x5e: {  	[sflag:s0] =	ssyncset.done @!p0 $0x0;
	s8 =	sshrl.u32 @!p0 s6, $0x3;
	s6 =	rddreg [dreg:$0x16]  }
0x5f: {  	[sflag:s0] =	ssyncadd.s32 @!p0 $0xFFFFFE80;
	[smem:$0x7FD] =	sst s8  }
0x60: {  	[spmem:s8], [sflag:s9] =	dma.local @!p0 [hbm:s6], $0x30  }
0x61: {  	_ =	swait.ge @!p0 [sflag:s0], $0x30  }
0x62: {  	[sflag:s0] =	ssyncset.done @!p0 $0x0  }
0x63: {  	[sflag:s0] =	ssyncadd.s32 @!p0 $0xFFFFFFD0  }
0x64: {  	[bflag:$0x0] =	sbarrier.arrive $0xFFFF  }
0x65: {  	s31 =	simm.s32 $0x0;
	v0 =	vld [tilespmem:$0x7960]  }
.LBB2_2:
0x66: {  	_ =	swait.ge [sflag:s13], $0x320  }
0x67: {  	[sflag:s13] =	ssyncset.done $0x0  }
0x68: {  	[sflag:s13] =	ssyncadd.s32 $0xFFFFFCE0  }
0x69: {  	_ =	swait.ge [sflag:s13], $0x320  }
0x6a: {  	[sflag:s13] =	ssyncset.done $0x0  }
0x6b: {  	[sflag:s13] =	ssyncadd.s32 $0xFFFFFCE0  }
0x6c: {  	_ =	swait.ge [sflag:s13], $0x1900  }
0x6d: {  	p1 =	seq.s32 s31, $0x0;
	[sflag:s13] =	ssyncset.done $0x0  }
0x6e: {  	s6 =	simm.s32 @!p1 $0x3;
	[sflag:s13] =	ssyncadd.s32 $0xFFFFE700  }
0x6f: {  	_ =	swait.ge @!p1 [sflag:s6], $0x320  }
0x70: {  	[sflag:s6] =	ssyncset.done @!p1 $0x0  }
0x71: {  	[sflag:s6] =	ssyncadd.s32 @!p1 $0xFFFFFCE0  }
0x72: {  	p2 =	sgt.u32 @!p1 s31, $0xC5;
	_ =	swait.ge @!p1 [sflag:s6], $0x1900  }
0x73: {  	s0 =	sshll.u32 s31, $0x1;
	p2 =	por p1, !p2;
	[sflag:s6] =	ssyncset.done @!p1 $0x0  }
0x74: {  	[sflag:s6] =	ssyncadd.s32 @!p1 $0xFFFFE700;
	s6 =	sadd.s32 @p2 $0x4, s0  }
0x75: {  	s8 =	smul.u32 @p2 $0xAAAB, s6;
	_ =	sdelay $0x1  }
0x76: {  	s8 =	sshrl.u32 @p2 s8, $0x12  }
0x77: {  	s8 =	smul.u32 @p2 $0x6, s8  }
0x78: {  	s9 =	smul.u32 @p2 $0x38, s6  }
0x79: {  	s6 =	ssub.s32 @p2 s6, s8  }
0x7a: {  	s8 =	sadd.s32 @p2 s7, s9;
	s6 =	smul.u32 @p2 $0x38, s6  }
0x7b: {  	s8 =	sshrl.u32 @p2 s8, $0x3  }
0x7c: {  	s9 =	sadd.s32 @p2 s1, s8;
	s6 =	sand.u32 @p2 $0xFFF8, s6  }
0x7d: {  	[tilespmem:s6], [sflag:$0x5] =	stream.linear.gather @p2 [hbm4b:s9+s5], $0x38, $0x38;
	[tilespmem:$0x1D948] =	vst v63  }
0x7e: {  	s16 =	simm.s32 $0x2C0;
	s8 =	sadd.s32 @p2 s2, s8;
	s6 =	sadd.s32 @p2 $0x150, s6  }
0x7f: {  	[tilespmem:s6], [sflag:$0x5] =	stream.linear.gather @p2 [hbm4b:s8+s5], $0x38, $0x38;
	[tilespmem:$0x1D948] =	vst v63  }
0x80: {  	s22 =	simm.s32 $0x900;
	v1 =	vld [tilespmem:s16+$0x10]  }
0x81: {  	v2 =	vld [tilespmem:s22+$0x10];
	_ =	sdelay $0x4  }
0x82: {  	v1 =	vadd.f32 v2, v1;
	_ =	sdelay $0x1  }
0x83: {  	v2 =	vmul.f32 $2.000000030e-01, v1;
	_ =	sdelay $0x1  }
0x84: {  	v1 =	vmax.f32 v1, v2  }
0x85: {  	v1 =	vmul.f32 $1.442695020e+00, v1  }
0x86: {  	v3 =	vld [tilespmem:s16+$0xFFFFFFF0]  }
0x87: {  	v4 =	vld [tilespmem:s16+$0x0];
	(erf) = vpow2.f32 v1  }
0x88: {  	v5 =	vld [tilespmem:s22+$0x0]  }
0x89: {  	v1 =	vld [tilespmem:s22+$0xFFFFFFF0]  }
0x8a: {  	v6 =	vld [tilespmem:s16+$0xFFFFFFE0]  }
0x8b: {  	v2 =	vld [tilespmem:s22+$0xFFFFFFE0];
	_ =	sdelay $0x2  }
0x8c: {  	v4 =	vadd.f32 v5, v4;
	v3 =	vadd.f32 v1, v3;
	_ =	sdelay $0x1  }
0x8d: {  	v2 =	vadd.f32 v2, v6;
	v6 =	vmul.f32 $2.000000030e-01, v4;
	v5 =	vmul.f32 $2.000000030e-01, v3;
	v1 =	vpop (erf)  }
0x8e: {  	v1 =	vmul.f32 v1, v0  }
0x8f: {  	v4 =	vmax.f32 v4, v6;
	v3 =	vmax.f32 v3, v5  }
0x90: {  	s23 =	simm.s32 $0x7340;
	v5 =	vmul.f32 $2.000000030e-01, v2;
	v3 =	vmul.f32 $1.442695020e+00, v3;
	v6 =	vnsel vm0, $0x0, v1  }
0x91: {  	s6 =	simm.s32 $0x1020;
	v4 =	vmul.f32 $1.442695020e+00, v4;
	[tilespmem:s23+$0x10] =	vst v6  }
0x92: {  	v2 =	vmax.f32 v2, v5;
	(erf) = vpow2.f32 v3;
	v3 =	vld [tilespmem:s6+$0x80]  }
0x93: {  	v2 =	vmul.f32 $1.442695020e+00, v2;
	(erf) = vpow2.f32 v4;
	_ =	sdelay $0x1  }
0x94: {  	(erf) = vpow2.f32 v2;
	v2 =	vbroadcast v1, $0x0;
	_ =	sdelay $0x1  }
0x95: {  	v2 =	vmul.f32 v2, v3  }
0x96: {  	s25 =	simm.s32 $0x340;
	s9 =	simm.s32 $0x4220  }
0x97: {  	v44 =	vld [tilespmem:s25+$0xFFFFFFF0];
	[tilespmem:s9+$0x80] =	vst v2  }
0x98: {  	s26 =	simm.s32 $0x980;
	v2 =	vld [tilespmem:s6+$0x90]  }
0x99: {  	s12 =	simm.s32 $0x940;
	v45 =	vld [tilespmem:s26+$0xFFFFFFF0];
	v3 =	vpop (erf)  }
0x9a: {  	s10 =	simm.s32 $0x300;
	v5 =	vld [tilespmem:s12+$0x10];
	v9 =	vmul.f32 v3, v0;
	v3 =	vpop (erf)  }
0x9b: {  	v4 =	vld [tilespmem:s10+$0x10];
	v10 =	vmul.f32 v3, v0;
	v3 =	vbroadcast v1, $0x1;
	_ =	sdelay $0x1  }
0x9c: {  	v6 =	vpop (erf);
	v2 =	vmul.f32 v3, v2  }
0x9d: {  	v12 =	vld [tilespmem:s10+$0xFFFFFFF0];
	v11 =	vmul.f32 v6, v0  }
0x9e: {  	v14 =	vld [tilespmem:s12+$0xFFFFFFF0];
	v6 =	vnsel vm0, $0x0, v10;
	[tilespmem:s9+$0x90] =	vst v2  }
0x9f: {  	v44 =	vadd.f32 v45, v44;
	[tilespmem:s23+$0x0] =	vst v6;
	v6 =	vnsel vm0, $0x0, v11;
	v2 =	vadd.f32 v5, v4;
	v4 =	vld [tilespmem:s6+$0xA0]  }
0xa0: {  	v16 =	vld [tilespmem:s10+$0x0];
	[tilespmem:s23+$0xFFFFFFE0] =	vst v6  }
0xa1: {  	v63 =	vmul.f32 $2.000000030e-01, v44;
	v7 =	vnsel vm0, $0x0, v9;
	v5 =	vld [tilespmem:s6+$0xFFFFFF00];
	v6 =	vmul.f32 $2.000000030e-01, v2  }
0xa2: {  	v18 =	vld [tilespmem:s12+$0x0];
	v15 =	vbroadcast v1, $0x2;
	v24 =	vbroadcast v1, $0x5;
	[tilespmem:s23+$0xFFFFFFF0] =	vst v7  }
0xa3: {  	v8 =	vbroadcast v9, $0x0;
	v13 =	vbroadcast v11, $0x0;
	v3 =	vld [tilespmem:s6+$0xFFFFFF80];
	v2 =	vmax.f32 v2, v6  }
0xa4: {  	v7 =	vld [tilespmem:s6+$0x0];
	v2 =	vmul.f32 $1.442695020e+00, v2;
	v4 =	vmul.f32 v15, v4  }
0xa5: {  	v19 =	vbroadcast v9, $0x1;
	v17 =	vbroadcast v10, $0x0;
	v15 =	vld [tilespmem:s12+$0xFFFFFFE0]  }
0xa6: {  	(erf) = vpow2.f32 v2;
	v2 =	vmul.f32 v13, v5;
	v5 =	vld [tilespmem:s10+$0xFFFFFFE0];
	[tilespmem:s9+$0xA0] =	vst v4  }
0xa7: {  	v20 =	vbroadcast v10, $0x1;
	v25 =	vbroadcast v10, $0x2;
	v21 =	vld [tilespmem:s6+$0xB0]  }
0xa8: {  	v28 =	vbroadcast v11, $0x3;
	v3 =	vmul.f32 v8, v3;
	[tilespmem:s9+$0xFFFFFF00] =	vst v2;
	v2 =	vadd.f32 v14, v12  }
0xa9: {  	v7 =	vmul.f32 v17, v7;
	v17 =	vbroadcast v9, $0x3;
	v12 =	vadd.f32 v18, v16  }
0xaa: {  	v16 =	vbroadcast v1, $0x3;
	v8 =	vld [tilespmem:s6+$0xFFFFFF10];
	v14 =	vmul.f32 $2.000000030e-01, v2  }
0xab: {  	v6 =	vbroadcast v11, $0x1;
	[tilespmem:s9+$0xFFFFFF80] =	vst v3;
	v3 =	vadd.f32 v15, v5;
	v5 =	vmul.f32 $2.000000030e-01, v12  }
0xac: {  	v13 =	vbroadcast v9, $0x2;
	v2 =	vmax.f32 v2, v14;
	v14 =	vmul.f32 v21, v16  }
0xad: {  	v22 =	vld [tilespmem:s6+$0xFFFFFF90];
	v4 =	vbroadcast v11, $0x2;
	v2 =	vmul.f32 $1.442695020e+00, v2;
	v5 =	vmax.f32 v12, v5  }
0xae: {  	v15 =	vmul.f32 $2.000000030e-01, v3;
	v5 =	vmul.f32 $1.442695020e+00, v5;
	[tilespmem:s9+$0xB0] =	vst v14  }
0xaf: {  	[tilespmem:s9+$0x0] =	vst v7;
	v6 =	vmul.f32 v6, v8;
	v8 =	vpop (erf);
	(erf) = vpow2.f32 v2;
	v14 =	vld [tilespmem:s6+$0xC0]  }
0xb0: {  	v12 =	vmax.f32 v3, v15;
	v3 =	vmul.f32 v8, v0;
	(erf) = vpow2.f32 v5;
	v5 =	vld [tilespmem:s6+$0x10]  }
0xb1: {  	v18 =	vbroadcast v10, $0x3;
	v2 =	vmul.f32 $1.442695020e+00, v12;
	[tilespmem:s9+$0xFFFFFF10] =	vst v6  }
0xb2: {  	s24 =	simm.s32 $0x7380;
	v21 =	vbroadcast v9, $0x4;
	v6 =	vmul.f32 v19, v22;
	v12 =	vld [tilespmem:s6+$0xFFFFFF20];
	v7 =	vnsel vm0, $0x0, v3  }
0xb3: {  	s28 =	simm.s32 $0x1220;
	v8 =	vbroadcast v1, $0x4;
	(erf) = vpow2.f32 v2;
	[tilespmem:s24+$0x10] =	vst v7  }
0xb4: {  	v15 =	vbroadcast v11, $0x4;
	[tilespmem:s9+$0xFFFFFF90] =	vst v6;
	v2 =	vbroadcast v10, $0x4;
	v16 =	vld [tilespmem:s28+$0x80]  }
0xb5: {  	v19 =	vld [tilespmem:s6+$0xFFFFFFA0];
	v14 =	vmul.f32 v14, v8;
	v20 =	vmul.f32 v20, v5  }
0xb6: {  	v6 =	vbroadcast v10, $0x5;
	v46 =	vbroadcast v3, $0x3  }
0xb7: {  	v12 =	vmul.f32 v4, v12;
	[tilespmem:s9+$0xC0] =	vst v14;
	v14 =	vbroadcast v3, $0x0  }
0xb8: {  	v7 =	vbroadcast v11, $0x5;
	v8 =	vbroadcast v9, $0x5;
	v23 =	vld [tilespmem:s6+$0xD0]  }
0xb9: {  	v35 =	vld [tilespmem:s25+$0x10];
	v5 =	vbroadcast v11, $0x6;
	[tilespmem:s9+$0x10] =	vst v20;
	v20 =	vpop (erf);
	v14 =	vmul.f32 v14, v16  }
0xba: {  	v38 =	vld [tilespmem:s26+$0x10];
	s10 =	simm.s32 $0x4420;
	[tilespmem:s9+$0xFFFFFF20] =	vst v12;
	v19 =	vmul.f32 v13, v19;
	v30 =	vmul.f32 v20, v0  }
0xbb: {  	v4 =	vbroadcast v9, $0x6;
	v13 =	vbroadcast v10, $0x6;
	v16 =	vld [tilespmem:s6+$0x20];
	v12 =	vpop (erf);
	[tilespmem:s10+$0x80] =	vst v14  }
0xbc: {  	[tilespmem:s9+$0xFFFFFFA0] =	vst v19;
	v22 =	vmul.f32 v12, v0;
	v12 =	vbroadcast v11, $0x7;
	v11 =	vpop (erf);
	v14 =	vnsel vm0, $0x0, v30;
	v19 =	vld [tilespmem:s28+$0x90]  }
0xbd: {  	v20 =	vld [tilespmem:s6+$0xFFFFFF30];
	v31 =	vmul.f32 v11, v0;
	[tilespmem:s24+$0xFFFFFFF0] =	vst v14;
	v14 =	vmul.f32 v23, v24  }
0xbe: {  	v58 =	vld [tilespmem:s25+$0x0];
	v26 =	vbroadcast v30, $0x0;
	v34 =	vbroadcast v30, $0x1  }
0xbf: {  	v29 =	vld [tilespmem:s6+$0xFFFFFFB0];
	v39 =	vbroadcast v30, $0x2;
	v11 =	vnsel vm0, $0x0, v22;
	[tilespmem:s9+$0xD0] =	vst v14;
	v14 =	vbroadcast v3, $0x1  }
0xc0: {  	v24 =	vbroadcast v9, $0x7;
	v23 =	vbroadcast v10, $0x7;
	v9 =	vld [tilespmem:s28+$0xFFFFFF80];
	[tilespmem:s24+$0x0] =	vst v11  }
0xc1: {  	v10 =	vmul.f32 v25, v16;
	v11 =	vnsel vm0, $0x0, v31;
	v16 =	vld [tilespmem:s28+$0x0];
	v14 =	vmul.f32 v14, v19  }
0xc2: {  	v36 =	vbroadcast v22, $0x1;
	[tilespmem:s24+$0xFFFFFFE0] =	vst v11;
	v20 =	vmul.f32 v20, v28;
	v28 =	vld [tilespmem:s26+$0x0]  }
0xc3: {  	v40 =	vbroadcast v22, $0x2;
	v32 =	vbroadcast v31, $0x0;
	v27 =	vld [tilespmem:s6+$0xE0];
	[tilespmem:s10+$0x90] =	vst v14  }
0xc4: {  	v33 =	vbroadcast v31, $0x1;
	v37 =	vbroadcast v31, $0x2;
	[tilespmem:s9+$0x20] =	vst v10;
	v10 =	vld [tilespmem:s28+$0xA0]  }
0xc5: {  	v25 =	vbroadcast v31, $0x3;
	v11 =	vld [tilespmem:s28+$0xFFFFFF00];
	v19 =	vbroadcast v22, $0x0  }
0xc6: {  	v14 =	vld [tilespmem:s6+$0x30];
	v41 =	vmul.f32 v26, v9;
	v9 =	vbroadcast v1, $0x6  }
0xc7: {  	v42 =	vmul.f32 v19, v16;
	v16 =	vbroadcast v3, $0x2;
	v19 =	vadd.f32 v38, v35  }
0xc8: {  	v29 =	vmul.f32 v29, v17;
	v9 =	vmul.f32 v27, v9  }
0xc9: {  	v43 =	vld [tilespmem:s26+$0xFFFFFFE0];
	[tilespmem:s10+$0xFFFFFF80] =	vst v41;
	v10 =	vmul.f32 v16, v10;
	v16 =	vmul.f32 $2.000000030e-01, v19  }
0xca: {  	v17 =	vbroadcast v31, $0x5;
	[tilespmem:s9+$0xFFFFFF30] =	vst v20;
	v28 =	vadd.f32 v28, v58;
	v11 =	vmul.f32 v32, v11;
	v62 =	vld [tilespmem:s28+$0xFFFFFF90]  }
0xcb: {  	v26 =	vbroadcast v30, $0x3;
	[tilespmem:s9+$0xE0] =	vst v9;
	v18 =	vmul.f32 v14, v18;
	v14 =	vld [tilespmem:s25+$0xFFFFFFE0];
	v16 =	vmax.f32 v19, v16  }
0xcc: {  	v20 =	vmul.f32 $2.000000030e-01, v28;
	[tilespmem:s10+$0xFFFFFF00] =	vst v11;
	v60 =	vld [tilespmem:s6+$0xF0];
	v11 =	vmul.f32 $1.442695020e+00, v16  }
0xcd: {  	v1 =	vbroadcast v1, $0x7;
	v27 =	vbroadcast v22, $0x3  }
0xce: {  	v48 =	vld [tilespmem:s6+$0xFFFFFF40];
	v9 =	vbroadcast v30, $0x4;
	v20 =	vmax.f32 v28, v20;
	[tilespmem:s10+$0xA0] =	vst v10;
	(erf) = vpow2.f32 v11  }
0xcf: {  	v20 =	vmul.f32 $1.442695020e+00, v20;
	v10 =	vbroadcast v31, $0x4;
	v59 =	vld [tilespmem:s28+$0xB0]  }
0xd0: {  	[tilespmem:s10+$0x0] =	vst v42;
	v61 =	vld [tilespmem:s28+$0xFFFFFF10];
	v19 =	vbroadcast v22, $0x4;
	v28 =	vmul.f32 v34, v62  }
0xd1: {  	v47 =	vld [tilespmem:s28+$0x10];
	v43 =	vadd.f32 v43, v14;
	v14 =	vmul.f32 v60, v1;
	v1 =	vmax.f32 v44, v63  }
0xd2: {  	[tilespmem:s9+$0x30] =	vst v18;
	v16 =	vbroadcast v30, $0x5;
	v1 =	vmul.f32 $1.442695020e+00, v1  }
0xd3: {  	v51 =	vld [tilespmem:s6+$0x40];
	[tilespmem:s10+$0xFFFFFF90] =	vst v28;
	v28 =	vmul.f32 v48, v15;
	v49 =	vmul.f32 $2.000000030e-01, v43  }
0xd4: {  	[tilespmem:s9+$0xFFFFFFB0] =	vst v29;
	v52 =	vld [tilespmem:s28+$0xFFFFFFA0];
	(erf) = vpow2.f32 v1;
	v35 =	vmul.f32 v59, v46  }
0xd5: {  	v33 =	vmul.f32 v33, v61;
	[tilespmem:s9+$0xFFFFFF40] =	vst v28;
	v1 =	vld [tilespmem:s6+$0xFFFFFFC0];
	(erf) = vpow2.f32 v20  }
0xd6: {  	v18 =	vmul.f32 v36, v47;
	v11 =	vbroadcast v22, $0x5;
	v54 =	vld [tilespmem:s6+$0xFFFFFF50];
	v29 =	vmax.f32 v43, v49;
	[tilespmem:s10+$0xB0] =	vst v35  }
0xd7: {  	[tilespmem:s10+$0xFFFFFF10] =	vst v33;
	v28 =	vbroadcast v31, $0x7;
	v29 =	vmul.f32 $1.442695020e+00, v29;
	v50 =	vld [tilespmem:s28+$0xC0];
	v15 =	vpop (erf)  }
0xd8: {  	[tilespmem:s10+$0x10] =	vst v18;
	v33 =	vld [tilespmem:s28+$0xFFFFFF20];
	v20 =	vbroadcast v3, $0x4;
	v15 =	vmul.f32 v15, v0  }
0xd9: {  	s23 =	simm.s32 $0x380;
	v53 =	vld [tilespmem:s28+$0x20];
	(erf) = vpow2.f32 v29;
	v29 =	vbroadcast v31, $0x6  }
0xda: {  	s16 =	simm.s32 $0x73C0;
	[tilespmem:s9+$0xF0] =	vst v14;
	v31 =	vmul.f32 v51, v2;
	v51 =	vld [tilespmem:s23+$0x10];
	v21 =	vmul.f32 v1, v21;
	v57 =	vnsel vm0, $0x0, v15  }
0xdb: {  	s12 =	simm.s32 $0x1420;
	v18 =	vbroadcast v30, $0x6;
	v7 =	vmul.f32 v54, v7;
	v54 =	vld [tilespmem:s23+$0xFFFFFFF0];
	[tilespmem:s16+$0x10] =	vst v57  }
0xdc: {  	v2 =	vbroadcast v22, $0x7;
	[tilespmem:s9+$0xFFFFFFC0] =	vst v21;
	v34 =	vmul.f32 v50, v20;
	v21 =	vld [tilespmem:s12+$0x80]  }
0xdd: {  	v58 =	vmul.f32 v37, v33;
	[tilespmem:s9+$0x40] =	vst v31;
	v59 =	vld [tilespmem:s6+$0xFFFFFFD0];
	v20 =	vbroadcast v22, $0x6;
	v22 =	vpop (erf)  }
0xde: {  	v1 =	vbroadcast v30, $0x7;
	v42 =	vld [tilespmem:s6+$0x50];
	v38 =	vmul.f32 v22, v0;
	v61 =	vpop (erf);
	[tilespmem:s10+$0xC0] =	vst v34  }
0xdf: {  	[tilespmem:s10+$0xFFFFFF20] =	vst v58;
	v62 =	vbroadcast v15, $0x0;
	v37 =	vmul.f32 v61, v0;
	v30 =	vld [tilespmem:s28+$0xD0]  }
0xe0: {  	v47 =	vbroadcast v3, $0x6;
	v60 =	vmul.f32 v39, v52;
	[tilespmem:s9+$0xFFFFFF50] =	vst v7;
	v63 =	vld [tilespmem:s28+$0xFFFFFF30];
	v56 =	vnsel vm0, $0x0, v38  }
0xe1: {  	v31 =	vmul.f32 v40, v53;
	v50 =	vld [tilespmem:s6+$0xFFFFFF60];
	[tilespmem:s16+$0xFFFFFFF0] =	vst v56;
	v57 =	vnsel vm0, $0x0, v37;
	v21 =	vmul.f32 v62, v21  }
0xe2: {  	s22 =	simm.s32 $0x4620;
	v22 =	vbroadcast v3, $0x5;
	v40 =	vmul.f32 v59, v8;
	v8 =	vld [tilespmem:s12+$0xFFFFFF80];
	[tilespmem:s16+$0x0] =	vst v57  }
0xe3: {  	v49 =	vbroadcast v15, $0x1;
	v3 =	vbroadcast v3, $0x7;
	v57 =	vld [tilespmem:s23+$0x0];
	[tilespmem:s22+$0x80] =	vst v21  }
0xe4: {  	[tilespmem:s10+$0xFFFFFFA0] =	vst v60;
	v14 =	vbroadcast v15, $0x7;
	v55 =	vpop (erf);
	v22 =	vmul.f32 v30, v22;
	v61 =	vld [tilespmem:s12+$0x90]  }
0xe5: {  	[tilespmem:s10+$0x20] =	vst v31;
	v43 =	vbroadcast v38, $0x1;
	v39 =	vmul.f32 v55, v0;
	v31 =	vld [tilespmem:s12+$0x0]  }
0xe6: {  	v48 =	vbroadcast v38, $0x2;
	v35 =	vbroadcast v38, $0x3;
	v30 =	vld [tilespmem:s28+$0xFFFFFFB0];
	[tilespmem:s10+$0xD0] =	vst v22  }
0xe7: {  	v32 =	vbroadcast v38, $0x4;
	v42 =	vmul.f32 v42, v6;
	v21 =	vnsel vm0, $0x0, v39;
	v59 =	vld [tilespmem:s28+$0xE0]  }
0xe8: {  	v6 =	vbroadcast v38, $0x6;
	v62 =	vld [tilespmem:s28+$0x30];
	v22 =	vbroadcast v38, $0x0;
	[tilespmem:s16+$0xFFFFFFE0] =	vst v21  }
0xe9: {  	v60 =	vbroadcast v37, $0x0;
	s16 =	simm.s32 $0x9C0;
	v7 =	vld [tilespmem:s12+$0xFFFFFF00];
	v49 =	vmul.f32 v49, v61  }
0xea: {  	v25 =	vmul.f32 v63, v25;
	v52 =	vmul.f32 v22, v8;
	v8 =	vld [tilespmem:s16+$0x10]  }
0xeb: {  	v44 =	vbroadcast v37, $0x1;
	v45 =	vld [tilespmem:s16+$0xFFFFFFE0];
	v26 =	vmul.f32 v30, v26;
	[tilespmem:s22+$0x90] =	vst v49  }
0xec: {  	v56 =	vbroadcast v15, $0x2;
	[tilespmem:s10+$0xFFFFFF30] =	vst v25;
	v34 =	vmul.f32 v59, v47;
	v63 =	vld [tilespmem:s12+$0xA0]  }
0xed: {  	v33 =	vbroadcast v37, $0x4;
	v5 =	vmul.f32 v50, v5;
	v55 =	vld [tilespmem:s16+$0xFFFFFFF0];
	[tilespmem:s10+$0xFFFFFFB0] =	vst v26  }
0xee: {  	v58 =	vbroadcast v39, $0x0;
	v41 =	vbroadcast v39, $0x1;
	v26 =	vld [tilespmem:s28+$0xFFFFFF40];
	[tilespmem:s10+$0xE0] =	vst v34  }
0xef: {  	v46 =	vbroadcast v39, $0x2;
	v21 =	vbroadcast v39, $0x3;
	v49 =	vld [tilespmem:s28+$0xF0]  }
0xf0: {  	v53 =	vmul.f32 v60, v31;
	v31 =	vbroadcast v39, $0x5;
	v59 =	vld [tilespmem:s23+$0xFFFFFFE0];
	v51 =	vadd.f32 v8, v51  }
0xf1: {  	[tilespmem:s22+$0xFFFFFF80] =	vst v52;
	v7 =	vmul.f32 v58, v7;
	v58 =	vld [tilespmem:s16+$0x0];
	v56 =	vmul.f32 v56, v63  }
0xf2: {  	[tilespmem:s9+$0x50] =	vst v42;
	v22 =	vbroadcast v37, $0x3;
	v52 =	vadd.f32 v55, v54;
	v54 =	vld [tilespmem:s12+$0xFFFFFF90];
	v60 =	vmul.f32 $2.000000030e-01, v51  }
0xf3: {  	v27 =	vmul.f32 v62, v27;
	v30 =	vbroadcast v38, $0x5;
	[tilespmem:s22+$0xA0] =	vst v56  }
0xf4: {  	[tilespmem:s9+$0xFFFFFFD0] =	vst v40;
	v61 =	vmul.f32 $2.000000030e-01, v52;
	v36 =	vmul.f32 v49, v3;
	v3 =	vmax.f32 v51, v60;
	v51 =	vld [tilespmem:s12+$0xB0]  }
0xf5: {  	[tilespmem:s10+$0x30] =	vst v27;
	v47 =	vbroadcast v37, $0x2;
	v10 =	vmul.f32 v26, v10;
	v25 =	vadd.f32 v45, v59;
	v59 =	vld [tilespmem:s28+$0xFFFFFFC0]  }
0xf6: {  	[tilespmem:s22+$0xFFFFFF00] =	vst v7;
	v27 =	vmax.f32 v52, v61;
	v61 =	vld [tilespmem:s28+$0x40];
	v62 =	vadd.f32 v58, v57;
	v60 =	vmul.f32 $1.442695020e+00, v3  }
0xf7: {  	[tilespmem:s9+$0xFFFFFF60] =	vst v5;
	v43 =	vmul.f32 v43, v54;
	v49 =	vld [tilespmem:s12+$0xFFFFFF10];
	v63 =	vbroadcast v15, $0x3  }
0xf8: {  	[tilespmem:s22+$0x0] =	vst v53;
	v57 =	vld [tilespmem:s6+$0xFFFFFFE0];
	v58 =	vmul.f32 $2.000000030e-01, v62;
	(erf) = vpow2.f32 v60  }
0xf9: {  	v8 =	vbroadcast v37, $0x5;
	[tilespmem:s10+$0xFFFFFF40] =	vst v10;
	v56 =	vld [tilespmem:s12+$0x10];
	v45 =	vmul.f32 v51, v63  }
0xfa: {  	v27 =	vmul.f32 $1.442695020e+00, v27;
	[tilespmem:s22+$0xFFFFFF90] =	vst v43;
	v62 =	vmax.f32 v62, v58;
	v5 =	vmul.f32 v59, v9  }
0xfb: {  	v54 =	vld [tilespmem:s28+$0xFFFFFF50];
	v60 =	vmul.f32 $2.000000030e-01, v25;
	v53 =	vmul.f32 $1.442695020e+00, v62;
	[tilespmem:s22+$0xB0] =	vst v45  }
0xfc: {  	(erf) = vpow2.f32 v27;
	[tilespmem:s10+$0xFFFFFFC0] =	vst v5;
	v41 =	vmul.f32 v41, v49;
	v27 =	vld [tilespmem:s12+$0xC0]  }
0xfd: {  	[tilespmem:s10+$0xF0] =	vst v36;
	v26 =	vmul.f32 v57, v4;
	v4 =	vmul.f32 v61, v19;
	v55 =	vld [tilespmem:s28+$0xFFFFFFD0]  }
0xfe: {  	v43 =	vld [tilespmem:s12+$0xFFFFFFA0];
	v25 =	vmax.f32 v25, v60;
	(erf) = vpow2.f32 v53;
	v44 =	vmul.f32 v44, v56;
	[tilespmem:s22+$0xFFFFFF10] =	vst v41  }
0xff: {  	v9 =	vbroadcast v15, $0x4;
	[tilespmem:s10+$0x40] =	vst v4;
	v25 =	vmul.f32 $1.442695020e+00, v25;
	v41 =	vld [tilespmem:s12+$0xFFFFFF20]  }
0x100: {  	v34 =	vbroadcast v39, $0x4;
	v19 =	vld [tilespmem:s6+$0xFFFFFF70];
	v17 =	vmul.f32 v54, v17;
	[tilespmem:s22+$0x10] =	vst v44  }
0x101: {  	[tilespmem:s9+$0xFFFFFFE0] =	vst v26;
	(erf) = vpow2.f32 v25;
	v25 =	vld [tilespmem:s12+$0x20];
	v10 =	vpop (erf);
	v27 =	vmul.f32 v27, v9  }
0x102: {  	[tilespmem:s10+$0xFFFFFF50] =	vst v17;
	v16 =	vmul.f32 v55, v16;
	v10 =	vmul.f32 v10, v0  }
0x103: {  	v7 =	vbroadcast v39, $0x6;
	v63 =	vld [tilespmem:s6+$0x60];
	[tilespmem:s22+$0xC0] =	vst v27;
	v27 =	vmul.f32 v48, v43  }
0x104: {  	s24 =	simm.s32 $0x7400;
	v3 =	vbroadcast v37, $0x6;
	[tilespmem:s10+$0xFFFFFFD0] =	vst v16;
	v56 =	vmul.f32 v46, v41;
	v41 =	vld [tilespmem:s28+$0x50];
	v57 =	vnsel vm0, $0x0, v10  }
0x105: {  	s23 =	simm.s32 $0x1620;
	v5 =	vbroadcast v38, $0x7;
	v4 =	vbroadcast v37, $0x7;
	v54 =	vld [tilespmem:s28+$0xFFFFFFE0];
	[tilespmem:s24+$0x10] =	vst v57  }
0x106: {  	v12 =	vmul.f32 v19, v12;
	v59 =	vpop (erf);
	[tilespmem:s22+$0xFFFFFF20] =	vst v56;
	v25 =	vmul.f32 v47, v25;
	v19 =	vld [tilespmem:s23+$0x80]  }
0x107: {  	v26 =	vbroadcast v15, $0x6;
	v46 =	vld [tilespmem:s28+$0xFFFFFF60];
	v38 =	vmul.f32 v59, v0;
	[tilespmem:s22+$0xFFFFFFA0] =	vst v27;
	v27 =	vpop (erf)  }
0x108: {  	v13 =	vmul.f32 v63, v13;
	[tilespmem:s22+$0x20] =	vst v25;
	v43 =	vld [tilespmem:s12+$0xFFFFFF30];
	v37 =	vmul.f32 v27, v0  }
0x109: {  	s25 =	simm.s32 $0x3C0;
	[tilespmem:s9+$0xFFFFFF70] =	vst v12;
	v60 =	vbroadcast v10, $0x0;
	v9 =	vbroadcast v39, $0x7;
	v17 =	vnsel vm0, $0x0, v38;
	v39 =	vld [tilespmem:s12+$0x30]  }
0x10a: {  	v36 =	vld [tilespmem:s25+$0xFFFFFFF0];
	v49 =	vbroadcast v38, $0x1;
	[tilespmem:s24+$0xFFFFFFF0] =	vst v17;
	v18 =	vmul.f32 v54, v18;
	v17 =	vnsel vm0, $0x0, v37  }
0x10b: {  	v53 =	vbroadcast v38, $0x2;
	v58 =	vld [tilespmem:s12+$0xD0];
	[tilespmem:s24+$0x0] =	vst v17;
	v17 =	vmul.f32 v60, v19  }
0x10c: {  	s30 =	simm.s32 $0xA00;
	s26 =	simm.s32 $0x4820;
	v25 =	vbroadcast v15, $0x5;
	v61 =	vld [tilespmem:s23+$0xFFFFFF80];
	v41 =	vmul.f32 v41, v11;
	[tilespmem:s10+$0xFFFFFFE0] =	vst v18  }
0x10d: {  	v12 =	vld [tilespmem:s30+$0xFFFFFFF0];
	v29 =	vmul.f32 v46, v29;
	v18 =	vbroadcast v38, $0x7;
	[tilespmem:s26+$0x80] =	vst v17  }
0x10e: {  	v27 =	vpop (erf);
	v43 =	vmul.f32 v43, v21;
	v39 =	vmul.f32 v39, v22;
	v60 =	vld [tilespmem:s23+$0x90]  }
0x10f: {  	v56 =	vld [tilespmem:s30+$0x10];
	v45 =	vmul.f32 v27, v0;
	v27 =	vbroadcast v38, $0x0  }
0x110: {  	v57 =	vld [tilespmem:s25+$0x10];
	v22 =	vbroadcast v38, $0x4;
	v25 =	vmul.f32 v58, v25  }
0x111: {  	[tilespmem:s9+$0x60] =	vst v13;
	v40 =	vld [tilespmem:s12+$0xFFFFFFB0];
	v13 =	vmul.f32 v27, v61;
	v61 =	vbroadcast v10, $0x1  }
0x112: {  	v63 =	vbroadcast v37, $0x0;
	v50 =	vbroadcast v37, $0x1;
	[tilespmem:s22+$0xD0] =	vst v25;
	v25 =	vnsel vm0, $0x0, v45;
	v62 =	vld [tilespmem:s23+$0x0]  }
0x113: {  	v59 =	vld [tilespmem:s30+$0xFFFFFFE0];
	v55 =	vbroadcast v37, $0x2;
	[tilespmem:s24+$0xFFFFFFE0] =	vst v25;
	v52 =	vmul.f32 v61, v60  }
0x114: {  	v15 =	vbroadcast v37, $0x5;
	v19 =	vbroadcast v45, $0x0;
	v16 =	vld [tilespmem:s23+$0xFFFFFF00]  }
0x115: {  	v44 =	vbroadcast v45, $0x1;
	v51 =	vbroadcast v45, $0x2;
	v17 =	vld [tilespmem:s12+$0xE0];
	[tilespmem:s26+$0x90] =	vst v52  }
0x116: {  	v27 =	vbroadcast v38, $0x3;
	v35 =	vmul.f32 v40, v35;
	v52 =	vld [tilespmem:s23+$0xA0]  }
0x117: {  	[tilespmem:s10+$0xFFFFFF60] =	vst v29;
	v56 =	vadd.f32 v56, v57;
	v57 =	vld [tilespmem:s25+$0x0];
	v21 =	vbroadcast v45, $0x4;
	v47 =	vmul.f32 v63, v62  }
0x118: {  	v25 =	vbroadcast v45, $0x3;
	[tilespmem:s26+$0xFFFFFF80] =	vst v13;
	v13 =	vbroadcast v37, $0x6;
	v62 =	vld [tilespmem:s30+$0x0]  }
0x119: {  	v36 =	vadd.f32 v12, v36;
	v54 =	vld [tilespmem:s23+$0xFFFFFF90];
	v58 =	vmul.f32 v19, v16;
	v60 =	vbroadcast v10, $0x2;
	[tilespmem:s26+$0x0] =	vst v47  }
0x11a: {  	[tilespmem:s22+$0xFFFFFFB0] =	vst v35;
	v63 =	vmul.f32 $2.000000030e-01, v56;
	v17 =	vmul.f32 v17, v26;
	v47 =	vld [tilespmem:s23+$0x10]  }
0x11b: {  	v61 =	vmul.f32 $2.000000030e-01, v36;
	[tilespmem:s26+$0xFFFFFF00] =	vst v58;
	v58 =	vld [tilespmem:s12+$0xFFFFFFC0];
	v11 =	vmul.f32 v60, v52  }
0x11c: {  	[tilespmem:s22+$0xFFFFFF30] =	vst v43;
	v26 =	vbroadcast v37, $0x3;
	v16 =	vbroadcast v45, $0x5;
	v12 =	vmax.f32 v56, v63;
	v52 =	vld [tilespmem:s25+$0xFFFFFFE0]  }
0x11d: {  	v42 =	vld [tilespmem:s6+$0xFFFFFFF0];
	v56 =	vbroadcast v10, $0x3;
	v29 =	vmax.f32 v36, v61;
	v62 =	vadd.f32 v62, v57;
	[tilespmem:s26+$0xA0] =	vst v11  }
0x11e: {  	[tilespmem:s22+$0xE0] =	vst v17;
	v61 =	vmul.f32 v49, v54;
	v29 =	vmul.f32 $1.442695020e+00, v29;
	v43 =	vld [tilespmem:s23+$0xB0]  }
0x11f: {  	v40 =	vld [tilespmem:s12+$0xF0];
	v57 =	vmul.f32 $2.000000030e-01, v62;
	v60 =	vmul.f32 $1.442695020e+00, v12  }
0x120: {  	[tilespmem:s10+$0x50] =	vst v41;
	v46 =	vld [tilespmem:s23+$0xFFFFFF10];
	v49 =	vmul.f32 v50, v47;
	v32 =	vmul.f32 v58, v32  }
0x121: {  	[tilespmem:s22+$0x30] =	vst v39;
	v41 =	vmax.f32 v62, v57;
	(erf) = vpow2.f32 v60;
	v63 =	vadd.f32 v59, v52;
	v52 =	vld [tilespmem:s12+$0xFFFFFF40]  }
0x122: {  	v62 =	vmul.f32 $1.442695020e+00, v41;
	v60 =	vld [tilespmem:s12+$0x40];
	(erf) = vpow2.f32 v29  }
0x123: {  	v48 =	vld [tilespmem:s6+$0x70];
	[tilespmem:s22+$0xFFFFFFC0] =	vst v32;
	v59 =	vmul.f32 $2.000000030e-01, v63;
	v35 =	vmul.f32 v43, v56  }
0x124: {  	v19 =	vbroadcast v37, $0x4;
	[tilespmem:s26+$0x10] =	vst v49;
	(erf) = vpow2.f32 v62;
	v62 =	vld [tilespmem:s12+$0xFFFFFFD0]  }
0x125: {  	v40 =	vmul.f32 v40, v14;
	v44 =	vmul.f32 v44, v46;
	v57 =	vld [tilespmem:s23+$0x20];
	v36 =	vmax.f32 v63, v59;
	[tilespmem:s26+$0xB0] =	vst v35  }
0x126: {  	[tilespmem:s26+$0xFFFFFF90] =	vst v61;
	v50 =	vmul.f32 $1.442695020e+00, v36;
	v29 =	vmul.f32 v52, v34;
	v54 =	vld [tilespmem:s23+$0xC0]  }
0x127: {  	v17 =	vbroadcast v38, $0x5;
	[tilespmem:s26+$0xFFFFFF10] =	vst v44;
	v33 =	vmul.f32 v60, v33;
	v56 =	vld [tilespmem:s23+$0xFFFFFFA0]  }
0x128: {  	v58 =	vbroadcast v10, $0x4;
	[tilespmem:s22+$0xF0] =	vst v40;
	v63 =	vld [tilespmem:s23+$0xFFFFFF20];
	(erf) = vpow2.f32 v50  }
0x129: {  	v14 =	vbroadcast v45, $0x6;
	v44 =	vld [tilespmem:s28+$0x60];
	[tilespmem:s22+$0x40] =	vst v33;
	v30 =	vmul.f32 v62, v30  }
0x12a: {  	v12 =	vbroadcast v45, $0x7;
	v59 =	vld [tilespmem:s28+$0xFFFFFF70];
	v34 =	vmul.f32 v55, v57;
	[tilespmem:s22+$0xFFFFFF40] =	vst v29;
	v29 =	vpop (erf)  }
0x12b: {  	[tilespmem:s22+$0xFFFFFFD0] =	vst v30;
	v61 =	vld [tilespmem:s12+$0xFFFFFF50];
	v29 =	vmul.f32 v29, v0;
	v35 =	vmul.f32 v54, v58  }
0x12c: {  	v11 =	vbroadcast v38, $0x6;
	v57 =	vbroadcast v10, $0x5;
	[tilespmem:s26+$0x20] =	vst v34  }
0x12d: {  	s8 =	simm.s32 $0x7440;
	v32 =	vld [tilespmem:s12+$0x50];
	v46 =	vmul.f32 v53, v56;
	v60 =	vmul.f32 v51, v63;
	v54 =	vnsel vm0, $0x0, v29;
	[tilespmem:s26+$0xC0] =	vst v35  }
0x12e: {  	s24 =	simm.s32 $0x1820;
	v63 =	vmul.f32 v44, v20;
	v51 =	vmul.f32 v42, v24;
	[tilespmem:s8+$0x10] =	vst v54;
	v55 =	vld [tilespmem:s23+$0xD0]  }
0x12f: {  	v50 =	vmul.f32 v59, v28;
	[tilespmem:s26+$0xFFFFFFA0] =	vst v46;
	v35 =	vmul.f32 v48, v23;
	v23 =	vpop (erf);
	v56 =	vld [tilespmem:s24+$0x80]  }
0x130: {  	v38 =	vld [tilespmem:s12+$0xFFFFFFE0];
	[tilespmem:s26+$0xFFFFFF20] =	vst v60;
	v28 =	vmul.f32 v61, v31;
	v24 =	vmul.f32 v23, v0;
	v23 =	vpop (erf)  }
0x131: {  	v20 =	vbroadcast v37, $0x7;
	v44 =	vld [tilespmem:s23+$0x30];
	[tilespmem:s10+$0x60] =	vst v63;
	v23 =	vmul.f32 v23, v0;
	v31 =	vpop (erf)  }
0x132: {  	v43 =	vld [tilespmem:s23+$0xFFFFFFB0];
	v58 =	vbroadcast v29, $0x0;
	[tilespmem:s22+$0xFFFFFF50] =	vst v28;
	v28 =	vmul.f32 v31, v0;
	v31 =	vnsel vm0, $0x0, v24  }
0x133: {  	v63 =	vbroadcast v10, $0x6;
	v42 =	vld [tilespmem:s23+$0xFFFFFF30];
	[tilespmem:s8+$0xFFFFFFF0] =	vst v31;
	v31 =	vnsel vm0, $0x0, v23;
	v33 =	vmul.f32 v55, v57  }
0x134: {  	v52 =	vbroadcast v29, $0x1;
	v59 =	vld [tilespmem:s24+$0xFFFFFF80];
	[tilespmem:s8+$0x0] =	vst v31;
	v31 =	vmul.f32 v58, v56  }
0x135: {  	s29 =	simm.s32 $0x4A20;
	v30 =	vbroadcast v24, $0x0;
	v40 =	vbroadcast v24, $0x1;
	v53 =	vld [tilespmem:s24+$0x0];
	[tilespmem:s26+$0xD0] =	vst v33  }
0x136: {  	v34 =	vbroadcast v24, $0x2;
	v47 =	vbroadcast v24, $0x3;
	v60 =	vnsel vm0, $0x0, v28;
	[tilespmem:s29+$0x80] =	vst v31;
	v61 =	vld [tilespmem:s23+$0xE0]  }
0x137: {  	v54 =	vbroadcast v23, $0x0;
	v39 =	vbroadcast v23, $0x1;
	[tilespmem:s8+$0xFFFFFFE0] =	vst v60;
	v48 =	vld [tilespmem:s24+$0x90]  }
0x138: {  	v46 =	vbroadcast v28, $0x0;
	v41 =	vbroadcast v28, $0x1;
	v49 =	vld [tilespmem:s24+$0xFFFFFF00]  }
0x139: {  	p3 =	por @!p1 $0x0, $0x0;
	[tilespmem:s10+$0xFFFFFF70] =	vst v50;
	v37 =	vld [tilespmem:s12+$0xFFFFFF60];
	v36 =	vbroadcast v28, $0x2;
	v62 =	vmul.f32 v30, v59  }
0x13a: {  	p3 =	por @p2 $0x1, $0x1;
	s16 =	simm.s32 $0x400;
	[tilespmem:s9+$0xFFFFFFF0] =	vst v51;
	v45 =	vbroadcast v28, $0x3;
	v31 =	vld [tilespmem:s28+$0xFFFFFFF0];
	v50 =	vmul.f32 v54, v53  }
0x13b: {  	s6 =	sshllo.u32 s31, $0x1;
	s25 =	simm.s32 $0x10;
	v33 =	vbroadcast v23, $0x2;
	v30 =	vld [tilespmem:s28+$0x70];
	s28 =	simm.s32 $0x1820;
	[tilespmem:s29+$0xFFFFFF80] =	vst v62;
	v51 =	vmul.f32 v61, v63  }
.LBB2_3:
0x13c: {  	v53 =	vld [tilespmem:s16+$0x10];
	[tilespmem:s29+$0x0] =	vst v50;
	v50 =	vbroadcast v23, $0x3;
	v48 =	vmul.f32 v52, v48;
	s30 =	sadd.s32 $0x40, s30  }
0x13d: {  	v42 =	vmul.f32 v42, v25;
	v25 =	vmov v45;
	v52 =	vld [tilespmem:s30+$0x10];
	v46 =	vmul.f32 v46, v49;
	[tilespmem:s26+$0xE0] =	vst v51  }
0x13e: {  	s25 =	sadd.s32 $0x4, s25;
	v45 =	vmul.f32 v43, v27;
	v27 =	vmovc v47;
	[tilespmem:s29+$0x90] =	vst v48;
	v48 =	vmul.f32 v44, v26;
	v49 =	vld [tilespmem:s23+$0xF0];
	v26 =	vmov v50  }
0x13f: {  	p2 =	slt.u32 s25, $0x2C;
	v47 =	vbroadcast v24, $0x4;
	[tilespmem:s29+$0xFFFFFF00] =	vst v46;
	v46 =	vbroadcast v28, $0x4;
	v50 =	vld [tilespmem:s24+$0xA0]  }
0x140: {  	v43 =	vbroadcast v28, $0x5;
	v54 =	vbroadcast v23, $0x4;
	v51 =	vld [tilespmem:s30+$0xFFFFFFE0];
	[tilespmem:s26+$0xFFFFFF30] =	vst v42  }
0x141: {  	v44 =	vbroadcast v24, $0x5;
	v42 =	vld [tilespmem:s16+$0xFFFFFFF0];
	[tilespmem:s26+$0xFFFFFFB0] =	vst v45;
	v45 =	vbroadcast v10, $0x7;
	v10 =	vmov v29  }
0x142: {  	v55 =	vbroadcast v23, $0x5;
	v29 =	vld [tilespmem:s30+$0xFFFFFFF0];
	v56 =	vbroadcast v10, $0x2;
	[tilespmem:s26+$0x30] =	vst v48  }
0x143: {  	v32 =	vmul.f32 v32, v8;
	v52 =	vadd.f32 v52, v53;
	v48 =	vld [tilespmem:s16+$0x0];
	v45 =	vmul.f32 v49, v45;
	[tilespmem:s9+$0x70] =	vst v35;
	s9 =	smov.u32 s10;
	s10 =	smov.u32 s22;
	s22 =	smov.u32 s26  }
0x144: {  	v8 =	vmovc v15;
	v15 =	vmov v55;
	v49 =	vbroadcast v28, $0x6;
	s26 =	smov.u32 s29;
	v35 =	vld [tilespmem:s30+$0x0];
	v50 =	vmul.f32 v56, v50  }
0x145: {  	v55 =	vmul.f32 $2.000000030e-01, v52;
	v56 =	vbroadcast v24, $0x6;
	v53 =	vld [tilespmem:s16+$0xFFFFFFE0];
	[tilespmem:s22+$0xF0] =	vst v45  }
0x146: {  	v57 =	vbroadcast v23, $0x6;
	v37 =	vmul.f32 v37, v7;
	v7 =	vmovc v14;
	v14 =	vmov v49;
	v45 =	vld [tilespmem:s24+$0xFFFFFF10];
	[tilespmem:s29+$0xA0] =	vst v50  }
0x147: {  	v38 =	vmul.f32 v38, v6;
	v29 =	vadd.f32 v29, v42;
	v42 =	vmax.f32 v52, v55;
	v49 =	vld [tilespmem:s24+$0xB0];
	[tilespmem:s10+$0x50] =	vst v32  }
0x148: {  	v6 =	vmovc v11;
	v28 =	vbroadcast v28, $0x7;
	v11 =	vmov v56;
	v32 =	vmul.f32 $1.442695020e+00, v42;
	v42 =	vld [tilespmem:s24+$0xFFFFFF90];
	[tilespmem:s10+$0xFFFFFF60] =	vst v37  }
0x149: {  	v37 =	vmul.f32 $2.000000030e-01, v29;
	v35 =	vadd.f32 v35, v48;
	v48 =	vbroadcast v24, $0x7;
	v24 =	vld [tilespmem:s24+$0x10];
	[tilespmem:s10+$0xFFFFFFE0] =	vst v38  }
0x14a: {  	v38 =	vadd.f32 v51, v53;
	(erf) = vpow2.f32 v32;
	v32 =	vbroadcast v10, $0x3;
	v50 =	vld [tilespmem:s23+$0xFFFFFF40]  }
0x14b: {  	v29 =	vmax.f32 v29, v37;
	v37 =	vmul.f32 $2.000000030e-01, v35;
	v41 =	vmul.f32 v41, v45;
	v45 =	vld [tilespmem:s23+$0xFFFFFFC0]  }
0x14c: {  	v51 =	vmul.f32 $2.000000030e-01, v38;
	v32 =	vmul.f32 v49, v32;
	v49 =	vld [tilespmem:s23+$0x40]  }
0x14d: {  	v29 =	vmul.f32 $1.442695020e+00, v29;
	v35 =	vmax.f32 v35, v37;
	[tilespmem:s29+$0xFFFFFF10] =	vst v41;
	v37 =	vmul.f32 v40, v42;
	v40 =	vld [tilespmem:s12+$0x60]  }
0x14e: {  	v38 =	vmax.f32 v38, v51;
	v35 =	vmul.f32 $1.442695020e+00, v35;
	v41 =	vld [tilespmem:s24+$0xFFFFFF20];
	v24 =	vmul.f32 v39, v24;
	[tilespmem:s29+$0xB0] =	vst v32  }
0x14f: {  	v32 =	vmul.f32 $1.442695020e+00, v38;
	(erf) = vpow2.f32 v29;
	[tilespmem:s29+$0xFFFFFF90] =	vst v37;
	v37 =	vld [tilespmem:s24+$0xC0]  }
0x150: {  	(erf) = vpow2.f32 v35;
	v35 =	vld [tilespmem:s24+$0xFFFFFFA0];
	[tilespmem:s29+$0x10] =	vst v24;
	v24 =	vmul.f32 v50, v21;
	v21 =	vmov v46  }
0x151: {  	v29 =	vmul.f32 v45, v22;
	v22 =	vmov v47;
	(erf) = vpow2.f32 v32;
	v38 =	vld [tilespmem:s24+$0x20]  }
0x152: {  	v32 =	vbroadcast v10, $0x4;
	[tilespmem:s22+$0xFFFFFF40] =	vst v24;
	v24 =	vmul.f32 v49, v19;
	v39 =	vld [tilespmem:s12+$0xFFFFFF70];
	v19 =	vmov v54  }
0x153: {  	v47 =	vmul.f32 v40, v3;
	v3 =	vmov v13;
	v42 =	vpop (erf);
	v36 =	vmul.f32 v36, v41;
	v41 =	vld [tilespmem:s23+$0xFFFFFF50];
	[tilespmem:s22+$0xFFFFFFC0] =	vst v29  }
0x154: {  	v13 =	vmov v57;
	v29 =	vmul.f32 v42, v0;
	v37 =	vmul.f32 v37, v32;
	v40 =	vld [tilespmem:s23+$0xFFFFFFD0];
	[tilespmem:s22+$0x40] =	vst v24  }
0x155: {  	[tilespmem:s29+$0xFFFFFF20] =	vst v36;
	v24 =	vmul.f32 v34, v35;
	v34 =	vbroadcast v23, $0x7;
	v32 =	vld [tilespmem:s23+$0x50]  }
0x156: {  	s8 =	sadd.s32 $0x40, s8;
	v51 =	vmul.f32 v31, v1;
	v1 =	vmovc v5;
	v23 =	vnsel vm0, $0x0, v29;
	v42 =	vld [tilespmem:s24+$0xFFFFFF30];
	v33 =	vmul.f32 v33, v38;
	[tilespmem:s29+$0xC0] =	vst v37  }
0x157: {  	v35 =	vmul.f32 v30, v2;
	s24 =	sadd.s32 $0x200, s24;
	[tilespmem:s8+$0x10] =	vst v23;
	v31 =	vld [tilespmem:s28+$0xD0];
	v50 =	vmul.f32 v39, v9;
	v9 =	vmovc v12;
	v12 =	vmov v28  }
0x158: {  	v5 =	vmov v18;
	v30 =	vld [tilespmem:s24+$0x80];
	v2 =	vpop (erf);
	[tilespmem:s29+$0xFFFFFFA0] =	vst v24;
	v28 =	vmul.f32 v41, v16;
	v16 =	vmov v43  }
0x159: {  	v24 =	vmul.f32 v2, v0;
	v2 =	vpop (erf);
	v43 =	vld [tilespmem:s28+$0xFFFFFFB0];
	[tilespmem:s29+$0x20] =	vst v33;
	v33 =	vmul.f32 v40, v17;
	v17 =	vmov v44  }
0x15a: {  	v18 =	vmov v48;
	v36 =	vbroadcast v10, $0x5;
	v23 =	vmul.f32 v2, v0;
	v2 =	vpop (erf);
	v44 =	vld [tilespmem:s28+$0x30];
	[tilespmem:s22+$0xFFFFFF50] =	vst v28  }
0x15b: {  	v39 =	vbroadcast v29, $0x0;
	v28 =	vmul.f32 v2, v0;
	v38 =	vnsel vm0, $0x0, v24;
	v37 =	vld [tilespmem:s23+$0xFFFFFF60];
	[tilespmem:s22+$0xFFFFFFD0] =	vst v33;
	v2 =	vmovc v4;
	v4 =	vmovc v20  }
0x15c: {  	v52 =	vbroadcast v24, $0x0;
	v20 =	vmovc v34;
	[tilespmem:s8+$0xFFFFFFF0] =	vst v38;
	v33 =	vnsel vm0, $0x0, v23;
	v31 =	vmul.f32 v31, v36;
	v38 =	vld [tilespmem:s23+$0xFFFFFFE0]  }
0x15d: {  	v34 =	vnsel vm0, $0x0, v28;
	v46 =	vbroadcast v28, $0x0;
	v53 =	vld [tilespmem:s24+$0xFFFFFF80];
	[tilespmem:s8+$0x0] =	vst v33;
	v30 =	vmul.f32 v39, v30  }
0x15e: {  	s29 =	sadd.s32 $0x200, s29;
	v55 =	vbroadcast v23, $0x0;
	v41 =	vbroadcast v28, $0x1;
	v54 =	vld [tilespmem:s24+$0x0];
	[tilespmem:s26+$0xD0] =	vst v31  }
0x15f: {  	v40 =	vbroadcast v24, $0x1;
	v39 =	vbroadcast v23, $0x1;
	[tilespmem:s29+$0x80] =	vst v30;
	v56 =	vld [tilespmem:s28+$0xE0]  }
.Ltmp0:
0x160: {  	v36 =	vbroadcast v28, $0x2;
	[tilespmem:s8+$0xFFFFFFE0] =	vst v34;
	v34 =	vbroadcast v24, $0x2;
	v48 =	vld [tilespmem:s24+$0x90];
	(pc) =	sbr.rel @p2 .LBB2_3-.Ltmp0, $4  }
0x161: {  	v45 =	vbroadcast v28, $0x3;
	v33 =	vbroadcast v23, $0x2;
	v49 =	vld [tilespmem:s24+$0xFFFFFF00];
	[tilespmem:s10+$0x60] =	vst v47  }
0x162: {  	v47 =	vmul.f32 v52, v53;
	v53 =	vbroadcast v10, $0x6;
	[tilespmem:s10+$0xFFFFFF70] =	vst v50;
	v31 =	vld [tilespmem:s12+$0xFFFFFFF0]  }
0x163: {  	v52 =	vbroadcast v29, $0x1;
	v50 =	vmul.f32 v55, v54;
	v30 =	vld [tilespmem:s12+$0x70];
	[tilespmem:s9+$0xFFFFFFF0] =	vst v51;
	s12 =	smov.u32 s23;
	s23 =	smov.u32 s28;
	s28 =	smov.u32 s24  }
0x164: {  	s16 =	sadd.s32 $0x40, s16;
	[tilespmem:s29+$0xFFFFFF80] =	vst v47;
	v47 =	vbroadcast v24, $0x3;
	v51 =	vmul.f32 v56, v53  }
0x165: {  	v48 =	vmul.f32 v52, v48  }
0x166: {  	v46 =	vmul.f32 v46, v49  }
0x167: {  	[tilespmem:s29+$0x90] =	vst v48  }
0x168: {  	[tilespmem:s29+$0xFFFFFF00] =	vst v46;
	v53 =	vld [tilespmem:s24+$0xA0]  }
0x169: {  	v54 =	vld [tilespmem:s24+$0xFFFFFF10];
	_ =	sdelay $0x1  }
0x16a: {  	v55 =	vbroadcast v29, $0x2;
	[tilespmem:s29+$0x0] =	vst v50;
	v56 =	vld [tilespmem:s24+$0xFFFFFF90]  }
0x16b: {  	v57 =	vld [tilespmem:s24+$0x10]  }
0x16c: {  	v46 =	vmul.f32 v55, v53  }
0x16d: {  	[tilespmem:s9+$0x70] =	vst v35;
	v41 =	vmul.f32 v41, v54  }
0x16e: {  	[tilespmem:s29+$0xA0] =	vst v46  }
0x16f: {  	v40 =	vmul.f32 v40, v56;
	v58 =	vld [tilespmem:s24+$0xB0];
	[tilespmem:s29+$0xFFFFFF10] =	vst v41  }
0x170: {  	[tilespmem:s26+$0xE0] =	vst v51;
	v59 =	vmul.f32 v39, v57;
	v41 =	vld [tilespmem:s24+$0xFFFFFF20]  }
0x171: {  	v25 =	vmul.f32 v42, v25;
	[tilespmem:s29+$0xFFFFFF90] =	vst v40  }
0x172: {  	v27 =	vmul.f32 v43, v27;
	v61 =	vbroadcast v29, $0x3;
	v40 =	vld [tilespmem:s24+$0xFFFFFFA0];
	[tilespmem:s29+$0x10] =	vst v59  }
0x173: {  	v26 =	vmul.f32 v44, v26;
	[tilespmem:s26+$0xFFFFFF30] =	vst v25;
	v63 =	vld [tilespmem:s24+$0x20]  }
0x174: {  	[tilespmem:s26+$0xFFFFFFB0] =	vst v27;
	v62 =	vmul.f32 v58, v61  }
0x175: {  	[tilespmem:s26+$0x30] =	vst v26;
	v42 =	vmul.f32 v36, v41  }
0x176: {  	v8 =	vmul.f32 v32, v8;
	[tilespmem:s29+$0xB0] =	vst v62  }
0x177: {  	v43 =	vmul.f32 v34, v40;
	v25 =	vld [tilespmem:s24+$0xC0];
	[tilespmem:s29+$0xFFFFFF20] =	vst v42  }
0x178: {  	[tilespmem:s22+$0x50] =	vst v8;
	v27 =	vmul.f32 v33, v63;
	v44 =	vld [tilespmem:s24+$0xFFFFFF30]  }
0x179: {  	v7 =	vmul.f32 v37, v7;
	v60 =	vld [tilespmem:s23+$0xF0];
	[tilespmem:s29+$0xFFFFFFA0] =	vst v43  }
0x17a: {  	v6 =	vmul.f32 v38, v6;
	v49 =	vbroadcast v29, $0x4;
	v26 =	vld [tilespmem:s28+$0xFFFFFFB0];
	[tilespmem:s29+$0x20] =	vst v27  }
0x17b: {  	[tilespmem:s22+$0xFFFFFF60] =	vst v7;
	v1 =	vmul.f32 v31, v1;
	v51 =	vld [tilespmem:s28+$0x30]  }
0x17c: {  	v10 =	vbroadcast v10, $0x7;
	[tilespmem:s22+$0xFFFFFFE0] =	vst v6;
	v46 =	vld [tilespmem:s23+$0xFFFFFF40];
	v50 =	vmul.f32 v25, v49  }
0x17d: {  	[tilespmem:s10+$0xFFFFFFF0] =	vst v1;
	v52 =	vmul.f32 v44, v45  }
0x17e: {  	v10 =	vmul.f32 v60, v10;
	v53 =	vld [tilespmem:s23+$0x40];
	v54 =	vbroadcast v23, $0x3;
	[tilespmem:s29+$0xC0] =	vst v50  }
0x17f: {  	v57 =	vmul.f32 v26, v47;
	v56 =	vld [tilespmem:s28+$0xD0];
	[tilespmem:s29+$0xFFFFFF30] =	vst v52  }
0x180: {  	[tilespmem:s26+$0xF0] =	vst v10;
	v8 =	vmul.f32 v51, v54;
	v58 =	vld [tilespmem:s28+$0xFFFFFF40]  }
0x181: {  	v48 =	vld [tilespmem:s23+$0xFFFFFFC0];
	v10 =	vmul.f32 v46, v21;
	[tilespmem:s29+$0xFFFFFFB0] =	vst v57  }
0x182: {  	v2 =	vmul.f32 v30, v2;
	v60 =	vbroadcast v29, $0x5;
	[tilespmem:s29+$0x30] =	vst v8;
	v62 =	vld [tilespmem:s28+$0xFFFFFFC0]  }
0x183: {  	v19 =	vmul.f32 v53, v19;
	v61 =	vbroadcast v28, $0x4;
	[tilespmem:s26+$0xFFFFFF40] =	vst v10;
	v32 =	vld [tilespmem:s28+$0x40]  }
0x184: {  	[tilespmem:s10+$0x70] =	vst v2;
	v59 =	vld [tilespmem:s23+$0xFFFFFF50];
	v63 =	vmul.f32 v56, v60  }
0x185: {  	v34 =	vbroadcast v24, $0x4;
	v33 =	vld [tilespmem:s12+$0x60];
	[tilespmem:s26+$0x40] =	vst v19;
	v7 =	vmul.f32 v58, v61  }
0x186: {  	v55 =	vmul.f32 v48, v22;
	v40 =	vld [tilespmem:s23+$0x50];
	v36 =	vbroadcast v23, $0x4;
	[tilespmem:s29+$0xD0] =	vst v63  }
0x187: {  	v38 =	vmul.f32 v62, v34;
	v37 =	vld [tilespmem:s28+$0xE0];
	[tilespmem:s29+$0xFFFFFF40] =	vst v7  }
0x188: {  	[tilespmem:s26+$0xFFFFFFC0] =	vst v55;
	v6 =	vmul.f32 v32, v36;
	v39 =	vld [tilespmem:s28+$0xFFFFFF50]  }
0x189: {  	v21 =	vld [tilespmem:s23+$0xFFFFFFD0];
	v16 =	vmul.f32 v59, v16;
	[tilespmem:s29+$0xFFFFFFC0] =	vst v38  }
0x18a: {  	v41 =	vbroadcast v29, $0x6;
	v3 =	vmul.f32 v33, v3;
	v43 =	vld [tilespmem:s28+$0xFFFFFFD0];
	[tilespmem:s29+$0x40] =	vst v6  }
0x18b: {  	v42 =	vbroadcast v28, $0x5;
	v10 =	vmul.f32 v40, v15;
	[tilespmem:s26+$0xFFFFFF50] =	vst v16;
	v6 =	vld [tilespmem:s28+$0x50]  }
0x18c: {  	[tilespmem:s22+$0x60] =	vst v3;
	v44 =	vld [tilespmem:s23+$0xFFFFFF60];
	v3 =	vmul.f32 v37, v41  }
0x18d: {  	v35 =	vld [tilespmem:s12+$0xFFFFFF70];
	[tilespmem:s26+$0x50] =	vst v10;
	v45 =	vbroadcast v24, $0x5;
	v7 =	vmul.f32 v39, v42  }
0x18e: {  	v17 =	vmul.f32 v21, v17;
	v50 =	vld [tilespmem:s23+$0x60];
	[tilespmem:s29+$0xE0] =	vst v3;
	v3 =	vbroadcast v23, $0x5  }
0x18f: {  	v1 =	vmul.f32 v43, v45;
	v46 =	vld [tilespmem:s28+$0xF0];
	[tilespmem:s29+$0xFFFFFF50] =	vst v7  }
0x190: {  	[tilespmem:s26+$0xFFFFFFD0] =	vst v17;
	v7 =	vld [tilespmem:s28+$0xFFFFFF60];
	v3 =	vmul.f32 v6, v3  }
0x191: {  	v47 =	vld [tilespmem:s23+$0xFFFFFFE0];
	v49 =	vmul.f32 v44, v14;
	[tilespmem:s29+$0xFFFFFFD0] =	vst v1  }
0x192: {  	v9 =	vmul.f32 v35, v9;
	v48 =	vbroadcast v29, $0x7;
	v51 =	vld [tilespmem:s28+$0xFFFFFFE0];
	[tilespmem:s29+$0x50] =	vst v3  }
0x193: {  	v57 =	vmul.f32 v50, v13;
	[tilespmem:s26+$0xFFFFFF60] =	vst v49;
	v1 =	vbroadcast v28, $0x6;
	v52 =	vld [tilespmem:s28+$0x60]  }
0x194: {  	[tilespmem:s22+$0xFFFFFF70] =	vst v9;
	v2 =	vld [tilespmem:s23+$0xFFFFFF70];
	v3 =	vmul.f32 v46, v48  }
0x195: {  	v53 =	vbroadcast v24, $0x6;
	v54 =	vld [tilespmem:s12+$0xFFFFFFF0];
	[tilespmem:s26+$0x60] =	vst v57;
	v1 =	vmul.f32 v7, v1  }
0x196: {  	v55 =	vbroadcast v23, $0x6;
	v56 =	vld [tilespmem:s12+$0x70];
	[tilespmem:s29+$0xF0] =	vst v3;
	v3 =	vmul.f32 v47, v11  }
0x197: {  	v59 =	vld [tilespmem:s23+$0x70];
	[tilespmem:s29+$0xFFFFFF60] =	vst v1;
	v1 =	vmul.f32 v51, v53  }
0x198: {  	[tilespmem:s26+$0xFFFFFFE0] =	vst v3;
	v3 =	vld [tilespmem:s28+$0xFFFFFF70];
	v6 =	vmul.f32 v52, v55  }
0x199: {  	v2 =	vmul.f32 v2, v12;
	v58 =	vld [tilespmem:s23+$0xFFFFFFF0];
	[tilespmem:s29+$0xFFFFFFE0] =	vst v1  }
0x19a: {  	v5 =	vmul.f32 v54, v5;
	[tilespmem:s29+$0x60] =	vst v6;
	v60 =	vld [tilespmem:s28+$0xFFFFFFF0]  }
0x19b: {  	v4 =	vmul.f32 v56, v4;
	[tilespmem:s26+$0xFFFFFF70] =	vst v2;
	v1 =	vbroadcast v28, $0x7;
	v2 =	vld [tilespmem:s28+$0x70]  }
0x19c: {  	[tilespmem:s22+$0xFFFFFFF0] =	vst v5;
	v63 =	vmul.f32 v59, v20  }
0x19d: {  	[tilespmem:s22+$0x70] =	vst v4;
	v1 =	vmul.f32 v3, v1;
	v3 =	vbroadcast v24, $0x7  }
0x19e: {  	v62 =	vbroadcast v23, $0x7;
	[tilespmem:s26+$0x70] =	vst v63;
	v61 =	vmul.f32 v58, v18  }
0x19f: {  	[tilespmem:s29+$0xFFFFFF70] =	vst v1;
	v1 =	vmul.f32 v60, v3  }
0x1a0: {  	[tilespmem:s26+$0xFFFFFFF0] =	vst v61;
	v2 =	vmul.f32 v2, v62  }
0x1a1: {  	[tilespmem:s29+$0xFFFFFFF0] =	vst v1  }
0x1a2: {  	s8 =	simm.s32 $0x0;
	s9 =	simm.s32 $0x5990;
	s10 =	simm.s32 $0x2790;
	[tilespmem:s29+$0x70] =	vst v2  }
.LBB2_5:
0x1a3: {  	s12 =	sshra.s32 s8, $0x2  }
0x1a4: {  	v1 =	vld [tilespmem:s12+$0x5A0]  }
0x1a5: {  	v2 =	vld [tilespmem:s12+$0xBE0];
	_ =	sdelay $0x4  }
0x1a6: {  	v1 =	vadd.f32 v2, v1;
	_ =	sdelay $0x1  }
0x1a7: {  	v2 =	vmul.f32 $2.000000030e-01, v1;
	_ =	sdelay $0x1  }
0x1a8: {  	v1 =	vmax.f32 v1, v2  }
0x1a9: {  	v1 =	vmul.f32 $1.442695020e+00, v1;
	_ =	sdelay $0x1  }
0x1aa: {  	(erf) = vpow2.f32 v1;
	_ =	sdelay $0x8  }
0x1ab: {  	v1 =	vpop (erf)  }
0x1ac: {  	v1 =	vmul.f32 v1, v0;
	_ =	sdelay $0x1  }
0x1ad: {  	v2 =	vnsel vm0, $0x0, v1  }
0x1ae: {  	[tilespmem:s12+$0x7620] =	vst v2  }
0x1af: {  	v2 =	vld [tilespmem:s10+$0xFFFFFF90];
	_ =	sdelay $0x2  }
0x1b0: {  	v3 =	vbroadcast v1, $0x0;
	_ =	sdelay $0x1  }
0x1b1: {  	v2 =	vmul.f32 v3, v2;
	_ =	sdelay $0x1  }
0x1b2: {  	[tilespmem:s9+$0xFFFFFF90] =	vst v2  }
0x1b3: {  	v2 =	vld [tilespmem:s10+$0xFFFFFFA0];
	_ =	sdelay $0x2  }
0x1b4: {  	v3 =	vbroadcast v1, $0x1;
	_ =	sdelay $0x1  }
0x1b5: {  	v2 =	vmul.f32 v3, v2;
	_ =	sdelay $0x1  }
0x1b6: {  	[tilespmem:s9+$0xFFFFFFA0] =	vst v2  }
0x1b7: {  	v2 =	vld [tilespmem:s10+$0xFFFFFFB0];
	_ =	sdelay $0x2  }
0x1b8: {  	v3 =	vbroadcast v1, $0x2;
	_ =	sdelay $0x1  }
0x1b9: {  	v2 =	vmul.f32 v3, v2;
	_ =	sdelay $0x1  }
0x1ba: {  	[tilespmem:s9+$0xFFFFFFB0] =	vst v2  }
0x1bb: {  	v2 =	vld [tilespmem:s10+$0xFFFFFFC0];
	_ =	sdelay $0x2  }
0x1bc: {  	v3 =	vbroadcast v1, $0x3;
	_ =	sdelay $0x1  }
0x1bd: {  	v2 =	vmul.f32 v2, v3;
	_ =	sdelay $0x1  }
0x1be: {  	[tilespmem:s9+$0xFFFFFFC0] =	vst v2  }
0x1bf: {  	v2 =	vld [tilespmem:s10+$0xFFFFFFD0];
	_ =	sdelay $0x2  }
0x1c0: {  	v3 =	vbroadcast v1, $0x4;
	_ =	sdelay $0x1  }
0x1c1: {  	v2 =	vmul.f32 v2, v3;
	_ =	sdelay $0x1  }
0x1c2: {  	[tilespmem:s9+$0xFFFFFFD0] =	vst v2  }
0x1c3: {  	v2 =	vld [tilespmem:s10+$0xFFFFFFE0];
	_ =	sdelay $0x2  }
0x1c4: {  	v3 =	vbroadcast v1, $0x5;
	_ =	sdelay $0x1  }
0x1c5: {  	v2 =	vmul.f32 v2, v3;
	_ =	sdelay $0x1  }
0x1c6: {  	[tilespmem:s9+$0xFFFFFFE0] =	vst v2  }
0x1c7: {  	v2 =	vld [tilespmem:s10+$0xFFFFFFF0];
	_ =	sdelay $0x2  }
0x1c8: {  	v3 =	vbroadcast v1, $0x6;
	_ =	sdelay $0x1  }
0x1c9: {  	v2 =	vmul.f32 v2, v3;
	_ =	sdelay $0x1  }
0x1ca: {  	[tilespmem:s9+$0xFFFFFFF0] =	vst v2  }
0x1cb: {  	v2 =	vld [tilespmem:s10+$0x0];
	_ =	sdelay $0x1  }
0x1cc: {  	p2 =	sne.s32 s8, $0x40  }
.Ltmp1:
0x1cd: {  	v1 =	vbroadcast v1, $0x7;
	(pc) =	sbr.rel @p2 .LBB2_5-.Ltmp1, $3  }
0x1ce: {  	_ = 	snop  }
0x1cf: {  	v1 =	vmul.f32 v2, v1;
	_ =	sdelay $0x1  }
0x1d0: {  	s8 =	sadd.s32 $0x40, s8;
	s10 =	sadd.s32 $0x80, s10;
	[tilespmem:s9+$0x0] =	vst v1;
	s9 =	sadd.s32 $0x80, s9  }
0x1d1: {  	p2 =	seq.s32 s31, $0xC7  }
0x1d2: {  	s8 =	simm.s32 @!p2 $0x5;
	s9 =	sadd.s32 @!p2 $0x2, s0  }
0x1d3: {  	_ =	swait.ge @!p2 [sflag:s8], $0x38;
	s10 =	smulhi.u32 @!p2 $0x2AAAAAAB, s9  }
0x1d4: {  	[sflag:s8] =	ssyncset.done @!p2 $0x0  }
0x1d5: {  	[sflag:s8] =	ssyncadd.s32 @!p2 $0xFFFFFFC8;
	s10 =	smul.u32 @!p2 $0x6, s10  }
0x1d6: {  	_ =	swait.ge @!p2 [sflag:s8], $0x38  }
0x1d7: {  	s12 =	smulhi.u32 $0x2AAAAAAB, s0;
	[sflag:s8] =	ssyncset.done @!p2 $0x0;
	s9 =	ssub.s32 @!p2 s9, s10  }
0x1d8: {  	[sflag:s8] =	ssyncadd.s32 @!p2 $0xFFFFFFC8;
	s8 =	smul.u32 @!p2 $0x38, s9  }
0x1d9: {  	s12 =	smul.u32 $0x6, s12;
	s10 =	simm.s32 @!p2 $0x2A0;
	s9 =	simm.s32 @!p2 $0x32  }
0x1da: {  	[tilespmem:s10], [sflag:$0x1] =	stream.indirect.gather @!p2 [hbm4b:s14+s9], $0x10, s8, s9, $0xb8;
	[tilespmem:$0x1D948] =	vst v63  }
0x1db: {  	s16 =	simm.s32 @!p2 $0x8E0;
	s26 =	ssub.s32 s0, s12;
	s10 =	sadd.s32 @!p2 $0x150, s8  }
0x1dc: {  	[tilespmem:s16], [sflag:$0x1] =	stream.indirect.gather @!p2 [hbm4b:s15+s9], $0x10, s10, s9, $0xb8;
	[tilespmem:$0x1D948] =	vst v63  }
0x1dd: {  	s12 =	simm.s32 @!p2 $0xF20;
	s10 =	smul.u32 $0xE0, s26  }
0x1de: {  	[tilespmem:s12], [sflag:$0x1] =	stream.indirect.gather @!p2 [hbm4b:s17+s9], $0x80, s8, s9, $0xb8;
	[tilespmem:$0x1D948] =	vst v63  }
0x1df: {  	s16 =	sshrl.u32 s10, $0x2  }
0x1e0: {  	s22 =	simm.s32 $0x7320;
	s8 =	sadd.s32 $0x150, s16  }
0x1e1: {  	[spmem:s4] =	stream.indirect.scatter.add.f32 [tilespmem:s22], [sflag:$0x3], $0x10, s8, s11, $0xb8;
	[tilespmem:$0x1D948] =	vst v63  }
0x1e2: {  	_ = 	snop  }
0x1e3: {  	[spmem:s3] =	stream.indirect.scatter.add.f32 [tilespmem:s18], [sflag:$0x3], $0x80, s8, s11, $0xb8;
	[tilespmem:$0x1D948] =	vst v63  }
0x1e4: {  	_ =	swait.ge [sflag:s19], $0x320  }
0x1e5: {  	[sflag:s19] =	ssyncset.done $0x0  }
0x1e6: {  	[sflag:s19] =	ssyncadd.s32 $0xFFFFFCE0  }
0x1e7: {  	_ =	swait.ge [sflag:s19], $0x320  }
0x1e8: {  	[sflag:s19] =	ssyncset.done $0x0  }
0x1e9: {  	[sflag:s19] =	ssyncadd.s32 $0xFFFFFCE0  }
0x1ea: {  	_ =	swait.ge [sflag:s19], $0x1900  }
0x1eb: {  	s8 =	sadd.s32 @p3 $0x5, s0;
	[sflag:s19] =	ssyncset.done $0x0  }
0x1ec: {  	s9 =	simm.s32 @!p1 $0x4;
	s10 =	smulhi.u32 @p3 $0x2AAAAAAB, s8;
	[sflag:s19] =	ssyncadd.s32 $0xFFFFE700  }
0x1ed: {  	s12 =	smul.u32 @p3 $0x38, s8;
	_ =	swait.ge @!p1 [sflag:s9], $0x320  }
0x1ee: {  	s10 =	smul.u32 @p3 $0x6, s10;
	[sflag:s9] =	ssyncset.done @!p1 $0x0  }
0x1ef: {  	[sflag:s9] =	ssyncadd.s32 @!p1 $0xFFFFFCE0  }
0x1f0: {  	s12 =	sadd.s32 @p3 s7, s12;
	s8 =	ssub.s32 @p3 s8, s10;
	_ =	swait.ge @!p1 [sflag:s9], $0x1900  }
0x1f1: {  	s10 =	sshrl.u32 @p3 s12, $0x3;
	s8 =	smul.u32 @p3 $0x38, s8;
	[sflag:s9] =	ssyncset.done @!p1 $0x0  }
0x1f2: {  	s12 =	simm.s32 @p3 $0x0;
	[sflag:s9] =	ssyncadd.s32 @!p1 $0xFFFFE700;
	s9 =	sadd.s32 @p3 s1, s10  }
0x1f3: {  	[tilespmem:s8], [sflag:$0x6] =	stream.linear.gather @p3 [hbm4b:s9+s12], $0x38, $0x38;
	[tilespmem:$0x1D948] =	vst v63  }
0x1f4: {  	s23 =	simm.s32 $0x5E0;
	s8 =	sadd.s32 @p3 $0x150, s8;
	s9 =	sadd.s32 @p3 s2, s10  }
0x1f5: {  	[tilespmem:s8], [sflag:$0x6] =	stream.linear.gather @p3 [hbm4b:s9+s12], $0x38, $0x38;
	[tilespmem:$0x1D948] =	vst v63  }
0x1f6: {  	s24 =	simm.s32 $0xC20;
	v1 =	vld [tilespmem:s23+$0x10]  }
0x1f7: {  	v2 =	vld [tilespmem:s24+$0x10];
	_ =	sdelay $0x4  }
0x1f8: {  	v1 =	vadd.f32 v2, v1;
	_ =	sdelay $0x1  }
0x1f9: {  	v2 =	vmul.f32 $2.000000030e-01, v1;
	_ =	sdelay $0x1  }
0x1fa: {  	v1 =	vmax.f32 v1, v2  }
0x1fb: {  	v1 =	vmul.f32 $1.442695020e+00, v1  }
0x1fc: {  	v3 =	vld [tilespmem:s23+$0xFFFFFFF0]  }
0x1fd: {  	v4 =	vld [tilespmem:s23+$0x0];
	(erf) = vpow2.f32 v1  }
0x1fe: {  	v5 =	vld [tilespmem:s24+$0x0]  }
0x1ff: {  	v1 =	vld [tilespmem:s24+$0xFFFFFFF0]  }
0x200: {  	v6 =	vld [tilespmem:s23+$0xFFFFFFE0]  }
0x201: {  	v2 =	vld [tilespmem:s24+$0xFFFFFFE0];
	_ =	sdelay $0x2  }
0x202: {  	v4 =	vadd.f32 v5, v4;
	v3 =	vadd.f32 v1, v3;
	_ =	sdelay $0x1  }
0x203: {  	v2 =	vadd.f32 v2, v6;
	v6 =	vmul.f32 $2.000000030e-01, v4;
	v5 =	vmul.f32 $2.000000030e-01, v3;
	v1 =	vpop (erf)  }
0x204: {  	v1 =	vmul.f32 v1, v0  }
0x205: {  	v4 =	vmax.f32 v4, v6;
	v3 =	vmax.f32 v3, v5  }
0x206: {  	s25 =	simm.s32 $0x7660;
	v5 =	vmul.f32 $2.000000030e-01, v2;
	v3 =	vmul.f32 $1.442695020e+00, v3;
	v6 =	vnsel vm0, $0x0, v1  }
0x207: {  	s29 =	simm.s32 $0x2920;
	v4 =	vmul.f32 $1.442695020e+00, v4;
	[tilespmem:s25+$0x10] =	vst v6  }
0x208: {  	v2 =	vmax.f32 v2, v5;
	(erf) = vpow2.f32 v3;
	v3 =	vld [tilespmem:s29+$0x80]  }
0x209: {  	v2 =	vmul.f32 $1.442695020e+00, v2;
	(erf) = vpow2.f32 v4;
	_ =	sdelay $0x1  }
0x20a: {  	(erf) = vpow2.f32 v2;
	v2 =	vbroadcast v1, $0x0;
	_ =	sdelay $0x1  }
0x20b: {  	v2 =	vmul.f32 v2, v3  }
0x20c: {  	s9 =	simm.s32 $0x5B20;
	s23 =	simm.s32 $0x660  }
0x20d: {  	v44 =	vld [tilespmem:s23+$0xFFFFFFF0];
	[tilespmem:s9+$0x80] =	vst v2  }
0x20e: {  	s24 =	simm.s32 $0xCA0;
	v2 =	vld [tilespmem:s29+$0x90]  }
0x20f: {  	s16 =	simm.s32 $0xC60;
	v45 =	vld [tilespmem:s24+$0xFFFFFFF0];
	v3 =	vpop (erf)  }
0x210: {  	s26 =	simm.s32 $0x620;
	v5 =	vld [tilespmem:s16+$0x10];
	v9 =	vmul.f32 v3, v0;
	v3 =	vpop (erf)  }
0x211: {  	v4 =	vld [tilespmem:s26+$0x10];
	v10 =	vmul.f32 v3, v0;
	v3 =	vbroadcast v1, $0x1;
	_ =	sdelay $0x1  }
0x212: {  	v6 =	vpop (erf);
	v2 =	vmul.f32 v3, v2  }
0x213: {  	v12 =	vld [tilespmem:s26+$0xFFFFFFF0];
	v11 =	vmul.f32 v6, v0  }
0x214: {  	v14 =	vld [tilespmem:s16+$0xFFFFFFF0];
	v6 =	vnsel vm0, $0x0, v10;
	[tilespmem:s9+$0x90] =	vst v2  }
0x215: {  	v44 =	vadd.f32 v45, v44;
	[tilespmem:s25+$0x0] =	vst v6;
	v6 =	vnsel vm0, $0x0, v11;
	v2 =	vadd.f32 v5, v4;
	v4 =	vld [tilespmem:s29+$0xA0]  }
0x216: {  	v16 =	vld [tilespmem:s26+$0x0];
	[tilespmem:s25+$0xFFFFFFE0] =	vst v6  }
0x217: {  	v63 =	vmul.f32 $2.000000030e-01, v44;
	v7 =	vnsel vm0, $0x0, v9;
	v5 =	vld [tilespmem:s29+$0xFFFFFF00];
	v6 =	vmul.f32 $2.000000030e-01, v2  }
0x218: {  	v18 =	vld [tilespmem:s16+$0x0];
	v15 =	vbroadcast v1, $0x2;
	v24 =	vbroadcast v1, $0x5;
	[tilespmem:s25+$0xFFFFFFF0] =	vst v7  }
0x219: {  	v8 =	vbroadcast v9, $0x0;
	v13 =	vbroadcast v11, $0x0;
	v3 =	vld [tilespmem:s29+$0xFFFFFF80];
	v2 =	vmax.f32 v2, v6  }
0x21a: {  	v7 =	vld [tilespmem:s29+$0x0];
	v2 =	vmul.f32 $1.442695020e+00, v2;
	v4 =	vmul.f32 v15, v4  }
0x21b: {  	v19 =	vbroadcast v9, $0x1;
	v17 =	vbroadcast v10, $0x0;
	v15 =	vld [tilespmem:s16+$0xFFFFFFE0]  }
0x21c: {  	(erf) = vpow2.f32 v2;
	v2 =	vmul.f32 v13, v5;
	v5 =	vld [tilespmem:s26+$0xFFFFFFE0];
	[tilespmem:s9+$0xA0] =	vst v4  }
0x21d: {  	v20 =	vbroadcast v10, $0x1;
	v25 =	vbroadcast v10, $0x2;
	v21 =	vld [tilespmem:s29+$0xB0]  }
0x21e: {  	v28 =	vbroadcast v11, $0x3;
	v3 =	vmul.f32 v8, v3;
	[tilespmem:s9+$0xFFFFFF00] =	vst v2;
	v2 =	vadd.f32 v14, v12  }
0x21f: {  	v7 =	vmul.f32 v17, v7;
	v17 =	vbroadcast v9, $0x3;
	v12 =	vadd.f32 v18, v16  }
0x220: {  	v16 =	vbroadcast v1, $0x3;
	v8 =	vld [tilespmem:s29+$0xFFFFFF10];
	v14 =	vmul.f32 $2.000000030e-01, v2  }
0x221: {  	v6 =	vbroadcast v11, $0x1;
	[tilespmem:s9+$0xFFFFFF80] =	vst v3;
	v3 =	vadd.f32 v15, v5;
	v5 =	vmul.f32 $2.000000030e-01, v12  }
0x222: {  	v13 =	vbroadcast v9, $0x2;
	v2 =	vmax.f32 v2, v14;
	v14 =	vmul.f32 v21, v16  }
0x223: {  	v22 =	vld [tilespmem:s29+$0xFFFFFF90];
	v4 =	vbroadcast v11, $0x2;
	v2 =	vmul.f32 $1.442695020e+00, v2;
	v5 =	vmax.f32 v12, v5  }
0x224: {  	v15 =	vmul.f32 $2.000000030e-01, v3;
	v5 =	vmul.f32 $1.442695020e+00, v5;
	[tilespmem:s9+$0xB0] =	vst v14  }
0x225: {  	[tilespmem:s9+$0x0] =	vst v7;
	v6 =	vmul.f32 v6, v8;
	v8 =	vpop (erf);
	(erf) = vpow2.f32 v2;
	v14 =	vld [tilespmem:s29+$0xC0]  }
0x226: {  	v12 =	vmax.f32 v3, v15;
	v3 =	vmul.f32 v8, v0;
	(erf) = vpow2.f32 v5;
	v5 =	vld [tilespmem:s29+$0x10]  }
0x227: {  	v18 =	vbroadcast v10, $0x3;
	v2 =	vmul.f32 $1.442695020e+00, v12;
	[tilespmem:s9+$0xFFFFFF10] =	vst v6  }
0x228: {  	s22 =	simm.s32 $0x76A0;
	v21 =	vbroadcast v9, $0x4;
	v6 =	vmul.f32 v19, v22;
	v12 =	vld [tilespmem:s29+$0xFFFFFF20];
	v7 =	vnsel vm0, $0x0, v3  }
0x229: {  	s28 =	simm.s32 $0x2B20;
	v8 =	vbroadcast v1, $0x4;
	(erf) = vpow2.f32 v2;
	[tilespmem:s22+$0x10] =	vst v7  }
0x22a: {  	v15 =	vbroadcast v11, $0x4;
	[tilespmem:s9+$0xFFFFFF90] =	vst v6;
	v2 =	vbroadcast v10, $0x4;
	v16 =	vld [tilespmem:s28+$0x80]  }
0x22b: {  	v19 =	vld [tilespmem:s29+$0xFFFFFFA0];
	v14 =	vmul.f32 v14, v8;
	v20 =	vmul.f32 v20, v5  }
0x22c: {  	v6 =	vbroadcast v10, $0x5;
	v46 =	vbroadcast v3, $0x3  }
0x22d: {  	v12 =	vmul.f32 v4, v12;
	[tilespmem:s9+$0xC0] =	vst v14;
	v14 =	vbroadcast v3, $0x0  }
0x22e: {  	v7 =	vbroadcast v11, $0x5;
	v8 =	vbroadcast v9, $0x5;
	v23 =	vld [tilespmem:s29+$0xD0]  }
0x22f: {  	v35 =	vld [tilespmem:s23+$0x10];
	v5 =	vbroadcast v11, $0x6;
	[tilespmem:s9+$0x10] =	vst v20;
	v20 =	vpop (erf);
	v14 =	vmul.f32 v14, v16  }
0x230: {  	s10 =	simm.s32 $0x5D20;
	v58 =	vld [tilespmem:s23+$0x0];
	[tilespmem:s9+$0xFFFFFF20] =	vst v12;
	v19 =	vmul.f32 v13, v19;
	v30 =	vmul.f32 v20, v0  }
0x231: {  	v4 =	vbroadcast v9, $0x6;
	v13 =	vbroadcast v10, $0x6;
	v16 =	vld [tilespmem:s29+$0x20];
	v12 =	vpop (erf);
	[tilespmem:s10+$0x80] =	vst v14  }
0x232: {  	[tilespmem:s9+$0xFFFFFFA0] =	vst v19;
	v22 =	vmul.f32 v12, v0;
	v12 =	vbroadcast v11, $0x7;
	v11 =	vpop (erf);
	v14 =	vnsel vm0, $0x0, v30;
	v19 =	vld [tilespmem:s28+$0x90]  }
0x233: {  	v20 =	vld [tilespmem:s29+$0xFFFFFF30];
	v31 =	vmul.f32 v11, v0;
	[tilespmem:s22+$0xFFFFFFF0] =	vst v14;
	v14 =	vmul.f32 v23, v24  }
0x234: {  	v38 =	vld [tilespmem:s24+$0x10];
	v26 =	vbroadcast v30, $0x0;
	v34 =	vbroadcast v30, $0x1  }
0x235: {  	v29 =	vld [tilespmem:s29+$0xFFFFFFB0];
	v39 =	vbroadcast v30, $0x2;
	v11 =	vnsel vm0, $0x0, v22;
	[tilespmem:s9+$0xD0] =	vst v14;
	v14 =	vbroadcast v3, $0x1  }
0x236: {  	v24 =	vbroadcast v9, $0x7;
	v23 =	vbroadcast v10, $0x7;
	v9 =	vld [tilespmem:s28+$0xFFFFFF80];
	[tilespmem:s22+$0x0] =	vst v11  }
0x237: {  	v10 =	vmul.f32 v25, v16;
	v11 =	vnsel vm0, $0x0, v31;
	v16 =	vld [tilespmem:s28+$0x0];
	v14 =	vmul.f32 v14, v19  }
0x238: {  	v36 =	vbroadcast v22, $0x1;
	[tilespmem:s22+$0xFFFFFFE0] =	vst v11;
	v20 =	vmul.f32 v20, v28;
	v28 =	vld [tilespmem:s24+$0x0]  }
0x239: {  	v40 =	vbroadcast v22, $0x2;
	v32 =	vbroadcast v31, $0x0;
	v27 =	vld [tilespmem:s29+$0xE0];
	[tilespmem:s10+$0x90] =	vst v14  }
0x23a: {  	v33 =	vbroadcast v31, $0x1;
	v37 =	vbroadcast v31, $0x2;
	[tilespmem:s9+$0x20] =	vst v10;
	v10 =	vld [tilespmem:s28+$0xA0]  }
0x23b: {  	v25 =	vbroadcast v31, $0x3;
	v11 =	vld [tilespmem:s28+$0xFFFFFF00];
	v19 =	vbroadcast v22, $0x0  }
0x23c: {  	v41 =	vmul.f32 v26, v9;
	v9 =	vbroadcast v1, $0x6  }
0x23d: {  	v14 =	vld [tilespmem:s29+$0x30];
	v42 =	vmul.f32 v19, v16;
	v16 =	vbroadcast v3, $0x2;
	v19 =	vadd.f32 v38, v35  }
0x23e: {  	v29 =	vmul.f32 v29, v17;
	[tilespmem:s9+$0xFFFFFF30] =	vst v20;
	v9 =	vmul.f32 v27, v9  }
0x23f: {  	v43 =	vld [tilespmem:s24+$0xFFFFFFE0];
	v28 =	vadd.f32 v28, v58;
	[tilespmem:s10+$0xFFFFFF80] =	vst v41;
	v10 =	vmul.f32 v16, v10;
	v16 =	vmul.f32 $2.000000030e-01, v19  }
0x240: {  	v17 =	vbroadcast v31, $0x5;
	v11 =	vmul.f32 v32, v11;
	v62 =	vld [tilespmem:s28+$0xFFFFFF90];
	[tilespmem:s10+$0x0] =	vst v42  }
0x241: {  	v26 =	vbroadcast v30, $0x3;
	v20 =	vmul.f32 $2.000000030e-01, v28;
	[tilespmem:s9+$0xE0] =	vst v9;
	v47 =	vld [tilespmem:s28+$0x10];
	v16 =	vmax.f32 v19, v16  }
0x242: {  	[tilespmem:s10+$0xFFFFFF00] =	vst v11;
	v18 =	vmul.f32 v14, v18;
	v14 =	vld [tilespmem:s23+$0xFFFFFFE0];
	v11 =	vmul.f32 $1.442695020e+00, v16  }
0x243: {  	v1 =	vbroadcast v1, $0x7;
	v27 =	vbroadcast v22, $0x3;
	v60 =	vld [tilespmem:s29+$0xF0]  }
0x244: {  	v48 =	vld [tilespmem:s29+$0xFFFFFF40];
	v9 =	vbroadcast v30, $0x4;
	v20 =	vmax.f32 v28, v20;
	[tilespmem:s10+$0xA0] =	vst v10;
	(erf) = vpow2.f32 v11  }
0x245: {  	v20 =	vmul.f32 $1.442695020e+00, v20;
	v10 =	vbroadcast v31, $0x4;
	v59 =	vld [tilespmem:s28+$0xB0]  }
0x246: {  	v19 =	vbroadcast v22, $0x4;
	v28 =	vmul.f32 v34, v62  }
0x247: {  	v61 =	vld [tilespmem:s28+$0xFFFFFF10];
	[tilespmem:s9+$0x30] =	vst v18;
	v16 =	vbroadcast v30, $0x5;
	v18 =	vmul.f32 v36, v47  }
0x248: {  	s23 =	simm.s32 $0xCE0;
	v43 =	vadd.f32 v43, v14;
	v14 =	vmul.f32 v60, v1;
	v1 =	vmax.f32 v44, v63  }
0x249: {  	[tilespmem:s9+$0xFFFFFFB0] =	vst v29;
	v45 =	vld [tilespmem:s23+$0xFFFFFFE0];
	v47 =	vbroadcast v3, $0x6;
	v1 =	vmul.f32 $1.442695020e+00, v1  }
0x24a: {  	v51 =	vld [tilespmem:s29+$0x40];
	[tilespmem:s10+$0xFFFFFF90] =	vst v28;
	v28 =	vmul.f32 v48, v15;
	v35 =	vmul.f32 v59, v46  }
0x24b: {  	[tilespmem:s10+$0x10] =	vst v18;
	v49 =	vmul.f32 $2.000000030e-01, v43;
	(erf) = vpow2.f32 v1;
	v1 =	vld [tilespmem:s29+$0xFFFFFFC0]  }
0x24c: {  	v33 =	vmul.f32 v33, v61;
	v11 =	vbroadcast v22, $0x5;
	v52 =	vld [tilespmem:s28+$0xFFFFFFA0];
	[tilespmem:s10+$0xB0] =	vst v35  }
0x24d: {  	v18 =	vbroadcast v30, $0x6;
	[tilespmem:s9+$0xFFFFFF40] =	vst v28;
	v29 =	vmax.f32 v43, v49;
	(erf) = vpow2.f32 v20;
	v50 =	vld [tilespmem:s28+$0xC0];
	v15 =	vpop (erf)  }
0x24e: {  	[tilespmem:s10+$0xFFFFFF10] =	vst v33;
	v54 =	vld [tilespmem:s29+$0xFFFFFF50];
	v29 =	vmul.f32 $1.442695020e+00, v29;
	v15 =	vmul.f32 v15, v0  }
0x24f: {  	v28 =	vbroadcast v31, $0x7;
	v33 =	vld [tilespmem:s28+$0xFFFFFF20];
	v20 =	vbroadcast v3, $0x4  }
0x250: {  	s25 =	simm.s32 $0x76E0;
	s26 =	simm.s32 $0x6A0;
	v53 =	vld [tilespmem:s28+$0x20];
	(erf) = vpow2.f32 v29;
	v21 =	vmul.f32 v1, v21;
	v57 =	vnsel vm0, $0x0, v15  }
0x251: {  	s12 =	simm.s32 $0x2D20;
	v29 =	vbroadcast v31, $0x6;
	v31 =	vmul.f32 v51, v2;
	v51 =	vld [tilespmem:s26+$0x10];
	[tilespmem:s25+$0x10] =	vst v57  }
0x252: {  	v2 =	vbroadcast v22, $0x7;
	[tilespmem:s9+$0xFFFFFFC0] =	vst v21;
	v34 =	vmul.f32 v50, v20;
	v21 =	vld [tilespmem:s12+$0x80]  }
0x253: {  	v1 =	vbroadcast v30, $0x7;
	v7 =	vmul.f32 v54, v7;
	v54 =	vld [tilespmem:s26+$0xFFFFFFF0]  }
0x254: {  	v58 =	vmul.f32 v37, v33;
	v59 =	vld [tilespmem:s29+$0xFFFFFFD0];
	v20 =	vbroadcast v22, $0x6;
	v22 =	vpop (erf);
	[tilespmem:s10+$0xC0] =	vst v34  }
0x255: {  	[tilespmem:s9+$0x40] =	vst v31;
	v38 =	vmul.f32 v22, v0;
	v62 =	vbroadcast v15, $0x0;
	v30 =	vld [tilespmem:s28+$0xD0]  }
0x256: {  	v60 =	vmul.f32 v39, v52;
	v31 =	vmul.f32 v40, v53;
	[tilespmem:s10+$0xFFFFFF20] =	vst v58;
	v42 =	vld [tilespmem:s29+$0x50]  }
0x257: {  	[tilespmem:s9+$0xFFFFFF50] =	vst v7;
	v63 =	vld [tilespmem:s28+$0xFFFFFF30];
	v22 =	vbroadcast v3, $0x5;
	v61 =	vpop (erf);
	v56 =	vnsel vm0, $0x0, v38;
	v21 =	vmul.f32 v62, v21  }
0x258: {  	s22 =	simm.s32 $0x5F20;
	v50 =	vld [tilespmem:s29+$0xFFFFFF60];
	v49 =	vbroadcast v15, $0x1;
	v37 =	vmul.f32 v61, v0;
	[tilespmem:s25+$0xFFFFFFF0] =	vst v56  }
0x259: {  	v3 =	vbroadcast v3, $0x7;
	v40 =	vmul.f32 v59, v8;
	v8 =	vld [tilespmem:s12+$0xFFFFFF80];
	[tilespmem:s22+$0x80] =	vst v21  }
0x25a: {  	[tilespmem:s9+$0xF0] =	vst v14;
	v14 =	vbroadcast v15, $0x7;
	v55 =	vpop (erf);
	v57 =	vnsel vm0, $0x0, v37;
	v22 =	vmul.f32 v30, v22;
	v61 =	vld [tilespmem:s12+$0x90]  }
0x25b: {  	v43 =	vbroadcast v38, $0x1;
	v39 =	vmul.f32 v55, v0;
	[tilespmem:s25+$0x0] =	vst v57;
	v55 =	vld [tilespmem:s23+$0xFFFFFFF0]  }
0x25c: {  	v48 =	vbroadcast v38, $0x2;
	v35 =	vbroadcast v38, $0x3;
	v57 =	vld [tilespmem:s26+$0x0];
	[tilespmem:s10+$0xD0] =	vst v22  }
0x25d: {  	[tilespmem:s10+$0xFFFFFFA0] =	vst v60;
	v32 =	vbroadcast v38, $0x4;
	v42 =	vmul.f32 v42, v6;
	v59 =	vld [tilespmem:s28+$0xE0]  }
0x25e: {  	[tilespmem:s10+$0x20] =	vst v31;
	v6 =	vbroadcast v38, $0x6;
	v60 =	vbroadcast v37, $0x0;
	v31 =	vld [tilespmem:s12+$0x0];
	v21 =	vnsel vm0, $0x0, v39  }
0x25f: {  	v30 =	vld [tilespmem:s28+$0xFFFFFFB0];
	v22 =	vbroadcast v38, $0x0;
	[tilespmem:s25+$0xFFFFFFE0] =	vst v21;
	v49 =	vmul.f32 v49, v61  }
0x260: {  	v44 =	vbroadcast v37, $0x1;
	v25 =	vmul.f32 v63, v25;
	v7 =	vld [tilespmem:s12+$0xFFFFFF00]  }
0x261: {  	v56 =	vbroadcast v15, $0x2;
	v52 =	vmul.f32 v22, v8;
	v8 =	vld [tilespmem:s23+$0x10];
	[tilespmem:s22+$0x90] =	vst v49  }
0x262: {  	v33 =	vbroadcast v37, $0x4;
	v34 =	vmul.f32 v59, v47;
	v63 =	vld [tilespmem:s12+$0xA0]  }
0x263: {  	v5 =	vmul.f32 v50, v5;
	v58 =	vbroadcast v39, $0x0;
	v62 =	vld [tilespmem:s28+$0x30];
	[tilespmem:s22+$0xFFFFFF80] =	vst v52  }
0x264: {  	v41 =	vbroadcast v39, $0x1;
	v46 =	vbroadcast v39, $0x2;
	v52 =	vadd.f32 v55, v54;
	v54 =	vld [tilespmem:s12+$0xFFFFFF90];
	[tilespmem:s10+$0xE0] =	vst v34  }
0x265: {  	v21 =	vbroadcast v39, $0x3;
	v53 =	vmul.f32 v60, v31;
	v49 =	vld [tilespmem:s28+$0xF0]  }
0x266: {  	[tilespmem:s9+$0x50] =	vst v42;
	v31 =	vbroadcast v39, $0x5;
	v26 =	vmul.f32 v30, v26;
	v59 =	vld [tilespmem:s26+$0xFFFFFFE0];
	v51 =	vadd.f32 v8, v51  }
0x267: {  	[tilespmem:s10+$0xFFFFFF30] =	vst v25;
	v7 =	vmul.f32 v58, v7;
	v58 =	vld [tilespmem:s23+$0x0];
	v56 =	vmul.f32 v56, v63  }
0x268: {  	v22 =	vbroadcast v37, $0x3;
	[tilespmem:s10+$0xFFFFFFB0] =	vst v26;
	v26 =	vld [tilespmem:s28+$0xFFFFFF40];
	v60 =	vmul.f32 $2.000000030e-01, v51  }
0x269: {  	v27 =	vmul.f32 v62, v27;
	v61 =	vmul.f32 $2.000000030e-01, v52;
	[tilespmem:s22+$0xA0] =	vst v56  }
0x26a: {  	[tilespmem:s9+$0xFFFFFFD0] =	vst v40;
	v30 =	vbroadcast v38, $0x5;
	v36 =	vmul.f32 v49, v3;
	v3 =	vmax.f32 v51, v60;
	v51 =	vld [tilespmem:s12+$0xB0]  }
0x26b: {  	[tilespmem:s10+$0x30] =	vst v27;
	v47 =	vbroadcast v37, $0x2;
	v27 =	vmax.f32 v52, v61;
	v25 =	vadd.f32 v45, v59;
	v59 =	vld [tilespmem:s28+$0xFFFFFFC0]  }
0x26c: {  	v61 =	vld [tilespmem:s28+$0x40];
	[tilespmem:s22+$0xFFFFFF00] =	vst v7;
	v43 =	vmul.f32 v43, v54;
	v62 =	vadd.f32 v58, v57;
	v60 =	vmul.f32 $1.442695020e+00, v3  }
0x26d: {  	[tilespmem:s9+$0xFFFFFF60] =	vst v5;
	v10 =	vmul.f32 v26, v10;
	v49 =	vld [tilespmem:s12+$0xFFFFFF10];
	v63 =	vbroadcast v15, $0x3  }
0x26e: {  	[tilespmem:s22+$0x0] =	vst v53;
	v57 =	vld [tilespmem:s29+$0xFFFFFFE0];
	v58 =	vmul.f32 $2.000000030e-01, v62;
	(erf) = vpow2.f32 v60  }
0x26f: {  	v8 =	vbroadcast v37, $0x5;
	[tilespmem:s22+$0xFFFFFF90] =	vst v43;
	v56 =	vld [tilespmem:s12+$0x10];
	v45 =	vmul.f32 v51, v63  }
0x270: {  	v27 =	vmul.f32 $1.442695020e+00, v27;
	[tilespmem:s10+$0xFFFFFF40] =	vst v10;
	v62 =	vmax.f32 v62, v58;
	v5 =	vmul.f32 v59, v9  }
0x271: {  	v54 =	vld [tilespmem:s28+$0xFFFFFF50];
	v60 =	vmul.f32 $2.000000030e-01, v25;
	v53 =	vmul.f32 $1.442695020e+00, v62;
	[tilespmem:s22+$0xB0] =	vst v45  }
0x272: {  	(erf) = vpow2.f32 v27;
	[tilespmem:s10+$0xFFFFFFC0] =	vst v5;
	v41 =	vmul.f32 v41, v49;
	v27 =	vld [tilespmem:s12+$0xC0]  }
0x273: {  	[tilespmem:s10+$0xF0] =	vst v36;
	v26 =	vmul.f32 v57, v4;
	v4 =	vmul.f32 v61, v19;
	v55 =	vld [tilespmem:s28+$0xFFFFFFD0]  }
0x274: {  	v43 =	vld [tilespmem:s12+$0xFFFFFFA0];
	v25 =	vmax.f32 v25, v60;
	(erf) = vpow2.f32 v53;
	v44 =	vmul.f32 v44, v56;
	[tilespmem:s22+$0xFFFFFF10] =	vst v41  }
0x275: {  	v9 =	vbroadcast v15, $0x4;
	[tilespmem:s10+$0x40] =	vst v4;
	v25 =	vmul.f32 $1.442695020e+00, v25;
	v41 =	vld [tilespmem:s12+$0xFFFFFF20]  }
0x276: {  	v34 =	vbroadcast v39, $0x4;
	v19 =	vld [tilespmem:s29+$0xFFFFFF70];
	v17 =	vmul.f32 v54, v17;
	[tilespmem:s22+$0x10] =	vst v44  }
0x277: {  	[tilespmem:s9+$0xFFFFFFE0] =	vst v26;
	(erf) = vpow2.f32 v25;
	v25 =	vld [tilespmem:s12+$0x20];
	v10 =	vpop (erf);
	v27 =	vmul.f32 v27, v9  }
0x278: {  	[tilespmem:s10+$0xFFFFFF50] =	vst v17;
	v16 =	vmul.f32 v55, v16;
	v10 =	vmul.f32 v10, v0  }
0x279: {  	v7 =	vbroadcast v39, $0x6;
	v63 =	vld [tilespmem:s29+$0x60];
	[tilespmem:s22+$0xC0] =	vst v27;
	v27 =	vmul.f32 v48, v43  }
0x27a: {  	s24 =	simm.s32 $0x7720;
	v3 =	vbroadcast v37, $0x6;
	[tilespmem:s10+$0xFFFFFFD0] =	vst v16;
	v56 =	vmul.f32 v46, v41;
	v41 =	vld [tilespmem:s28+$0x50];
	v57 =	vnsel vm0, $0x0, v10  }
0x27b: {  	s23 =	simm.s32 $0x2F20;
	v5 =	vbroadcast v38, $0x7;
	v4 =	vbroadcast v37, $0x7;
	v54 =	vld [tilespmem:s28+$0xFFFFFFE0];
	[tilespmem:s24+$0x10] =	vst v57  }
0x27c: {  	v12 =	vmul.f32 v19, v12;
	v59 =	vpop (erf);
	[tilespmem:s22+$0xFFFFFF20] =	vst v56;
	v25 =	vmul.f32 v47, v25;
	v19 =	vld [tilespmem:s23+$0x80]  }
0x27d: {  	v26 =	vbroadcast v15, $0x6;
	v46 =	vld [tilespmem:s28+$0xFFFFFF60];
	v38 =	vmul.f32 v59, v0;
	[tilespmem:s22+$0xFFFFFFA0] =	vst v27;
	v27 =	vpop (erf)  }
0x27e: {  	v13 =	vmul.f32 v63, v13;
	[tilespmem:s22+$0x20] =	vst v25;
	v43 =	vld [tilespmem:s12+$0xFFFFFF30];
	v37 =	vmul.f32 v27, v0  }
0x27f: {  	s25 =	simm.s32 $0x6E0;
	[tilespmem:s9+$0xFFFFFF70] =	vst v12;
	v60 =	vbroadcast v10, $0x0;
	v9 =	vbroadcast v39, $0x7;
	v17 =	vnsel vm0, $0x0, v38;
	v39 =	vld [tilespmem:s12+$0x30]  }
0x280: {  	v36 =	vld [tilespmem:s25+$0xFFFFFFF0];
	v49 =	vbroadcast v38, $0x1;
	[tilespmem:s24+$0xFFFFFFF0] =	vst v17;
	v18 =	vmul.f32 v54, v18;
	v17 =	vnsel vm0, $0x0, v37  }
0x281: {  	v53 =	vbroadcast v38, $0x2;
	v58 =	vld [tilespmem:s12+$0xD0];
	[tilespmem:s24+$0x0] =	vst v17;
	v17 =	vmul.f32 v60, v19  }
0x282: {  	s30 =	simm.s32 $0xD20;
	s26 =	simm.s32 $0x6120;
	v25 =	vbroadcast v15, $0x5;
	v61 =	vld [tilespmem:s23+$0xFFFFFF80];
	v41 =	vmul.f32 v41, v11;
	[tilespmem:s10+$0xFFFFFFE0] =	vst v18  }
0x283: {  	v12 =	vld [tilespmem:s30+$0xFFFFFFF0];
	v29 =	vmul.f32 v46, v29;
	v18 =	vbroadcast v38, $0x7;
	[tilespmem:s26+$0x80] =	vst v17  }
0x284: {  	v27 =	vpop (erf);
	v43 =	vmul.f32 v43, v21;
	v39 =	vmul.f32 v39, v22;
	v60 =	vld [tilespmem:s23+$0x90]  }
0x285: {  	v56 =	vld [tilespmem:s30+$0x10];
	v45 =	vmul.f32 v27, v0;
	v27 =	vbroadcast v38, $0x0  }
0x286: {  	v57 =	vld [tilespmem:s25+$0x10];
	v22 =	vbroadcast v38, $0x4;
	v25 =	vmul.f32 v58, v25  }
0x287: {  	[tilespmem:s9+$0x60] =	vst v13;
	v40 =	vld [tilespmem:s12+$0xFFFFFFB0];
	v13 =	vmul.f32 v27, v61;
	v61 =	vbroadcast v10, $0x1  }
0x288: {  	v63 =	vbroadcast v37, $0x0;
	v50 =	vbroadcast v37, $0x1;
	[tilespmem:s22+$0xD0] =	vst v25;
	v25 =	vnsel vm0, $0x0, v45;
	v62 =	vld [tilespmem:s23+$0x0]  }
0x289: {  	v59 =	vld [tilespmem:s30+$0xFFFFFFE0];
	v55 =	vbroadcast v37, $0x2;
	[tilespmem:s24+$0xFFFFFFE0] =	vst v25;
	v52 =	vmul.f32 v61, v60  }
0x28a: {  	v15 =	vbroadcast v37, $0x5;
	v19 =	vbroadcast v45, $0x0;
	v16 =	vld [tilespmem:s23+$0xFFFFFF00]  }
0x28b: {  	v44 =	vbroadcast v45, $0x1;
	v51 =	vbroadcast v45, $0x2;
	v17 =	vld [tilespmem:s12+$0xE0];
	[tilespmem:s26+$0x90] =	vst v52  }
0x28c: {  	v27 =	vbroadcast v38, $0x3;
	v35 =	vmul.f32 v40, v35;
	v52 =	vld [tilespmem:s23+$0xA0]  }
0x28d: {  	[tilespmem:s10+$0xFFFFFF60] =	vst v29;
	v56 =	vadd.f32 v56, v57;
	v57 =	vld [tilespmem:s25+$0x0];
	v21 =	vbroadcast v45, $0x4;
	v47 =	vmul.f32 v63, v62  }
0x28e: {  	v25 =	vbroadcast v45, $0x3;
	[tilespmem:s26+$0xFFFFFF80] =	vst v13;
	v13 =	vbroadcast v37, $0x6;
	v62 =	vld [tilespmem:s30+$0x0]  }
0x28f: {  	v36 =	vadd.f32 v12, v36;
	v54 =	vld [tilespmem:s23+$0xFFFFFF90];
	v58 =	vmul.f32 v19, v16;
	v60 =	vbroadcast v10, $0x2;
	[tilespmem:s26+$0x0] =	vst v47  }
0x290: {  	[tilespmem:s22+$0xFFFFFFB0] =	vst v35;
	v63 =	vmul.f32 $2.000000030e-01, v56;
	v17 =	vmul.f32 v17, v26;
	v47 =	vld [tilespmem:s23+$0x10]  }
0x291: {  	v61 =	vmul.f32 $2.000000030e-01, v36;
	[tilespmem:s26+$0xFFFFFF00] =	vst v58;
	v58 =	vld [tilespmem:s12+$0xFFFFFFC0];
	v11 =	vmul.f32 v60, v52  }
0x292: {  	[tilespmem:s22+$0xFFFFFF30] =	vst v43;
	v26 =	vbroadcast v37, $0x3;
	v16 =	vbroadcast v45, $0x5;
	v12 =	vmax.f32 v56, v63;
	v52 =	vld [tilespmem:s25+$0xFFFFFFE0]  }
0x293: {  	v42 =	vld [tilespmem:s29+$0xFFFFFFF0];
	v56 =	vbroadcast v10, $0x3;
	v29 =	vmax.f32 v36, v61;
	v62 =	vadd.f32 v62, v57;
	[tilespmem:s26+$0xA0] =	vst v11  }
0x294: {  	[tilespmem:s22+$0xE0] =	vst v17;
	v61 =	vmul.f32 v49, v54;
	v29 =	vmul.f32 $1.442695020e+00, v29;
	v43 =	vld [tilespmem:s23+$0xB0]  }
0x295: {  	v40 =	vld [tilespmem:s12+$0xF0];
	v57 =	vmul.f32 $2.000000030e-01, v62;
	v60 =	vmul.f32 $1.442695020e+00, v12  }
0x296: {  	[tilespmem:s10+$0x50] =	vst v41;
	v46 =	vld [tilespmem:s23+$0xFFFFFF10];
	v49 =	vmul.f32 v50, v47;
	v32 =	vmul.f32 v58, v32  }
0x297: {  	[tilespmem:s22+$0x30] =	vst v39;
	v41 =	vmax.f32 v62, v57;
	(erf) = vpow2.f32 v60;
	v63 =	vadd.f32 v59, v52;
	v52 =	vld [tilespmem:s12+$0xFFFFFF40]  }
0x298: {  	v62 =	vmul.f32 $1.442695020e+00, v41;
	v60 =	vld [tilespmem:s12+$0x40];
	(erf) = vpow2.f32 v29  }
0x299: {  	v48 =	vld [tilespmem:s29+$0x70];
	[tilespmem:s22+$0xFFFFFFC0] =	vst v32;
	v59 =	vmul.f32 $2.000000030e-01, v63;
	v35 =	vmul.f32 v43, v56  }
0x29a: {  	v19 =	vbroadcast v37, $0x4;
	[tilespmem:s26+$0x10] =	vst v49;
	(erf) = vpow2.f32 v62;
	v62 =	vld [tilespmem:s12+$0xFFFFFFD0]  }
0x29b: {  	v40 =	vmul.f32 v40, v14;
	v44 =	vmul.f32 v44, v46;
	v57 =	vld [tilespmem:s23+$0x20];
	v36 =	vmax.f32 v63, v59;
	[tilespmem:s26+$0xB0] =	vst v35  }
0x29c: {  	[tilespmem:s26+$0xFFFFFF90] =	vst v61;
	v50 =	vmul.f32 $1.442695020e+00, v36;
	v29 =	vmul.f32 v52, v34;
	v54 =	vld [tilespmem:s23+$0xC0]  }
0x29d: {  	v17 =	vbroadcast v38, $0x5;
	[tilespmem:s26+$0xFFFFFF10] =	vst v44;
	v33 =	vmul.f32 v60, v33;
	v56 =	vld [tilespmem:s23+$0xFFFFFFA0]  }
0x29e: {  	v58 =	vbroadcast v10, $0x4;
	[tilespmem:s22+$0xF0] =	vst v40;
	v63 =	vld [tilespmem:s23+$0xFFFFFF20];
	(erf) = vpow2.f32 v50  }
0x29f: {  	v14 =	vbroadcast v45, $0x6;
	v44 =	vld [tilespmem:s28+$0x60];
	[tilespmem:s22+$0x40] =	vst v33;
	v30 =	vmul.f32 v62, v30  }
0x2a0: {  	v12 =	vbroadcast v45, $0x7;
	v59 =	vld [tilespmem:s28+$0xFFFFFF70];
	v34 =	vmul.f32 v55, v57;
	[tilespmem:s22+$0xFFFFFF40] =	vst v29;
	v29 =	vpop (erf)  }
0x2a1: {  	[tilespmem:s22+$0xFFFFFFD0] =	vst v30;
	v61 =	vld [tilespmem:s12+$0xFFFFFF50];
	v29 =	vmul.f32 v29, v0;
	v35 =	vmul.f32 v54, v58  }
0x2a2: {  	v11 =	vbroadcast v38, $0x6;
	v57 =	vbroadcast v10, $0x5;
	[tilespmem:s26+$0x20] =	vst v34  }
0x2a3: {  	s8 =	simm.s32 $0x7760;
	v32 =	vld [tilespmem:s12+$0x50];
	v47 =	vmul.f32 v53, v56;
	v60 =	vmul.f32 v51, v63;
	v54 =	vnsel vm0, $0x0, v29;
	[tilespmem:s26+$0xC0] =	vst v35  }
0x2a4: {  	s24 =	simm.s32 $0x3120;
	v63 =	vmul.f32 v44, v20;
	v51 =	vmul.f32 v42, v24;
	[tilespmem:s8+$0x10] =	vst v54;
	v55 =	vld [tilespmem:s23+$0xD0]  }
0x2a5: {  	v50 =	vmul.f32 v59, v28;
	[tilespmem:s26+$0xFFFFFFA0] =	vst v47;
	v35 =	vmul.f32 v48, v23;
	v23 =	vpop (erf);
	v56 =	vld [tilespmem:s24+$0x80]  }
0x2a6: {  	v38 =	vld [tilespmem:s12+$0xFFFFFFE0];
	[tilespmem:s26+$0xFFFFFF20] =	vst v60;
	v28 =	vmul.f32 v61, v31;
	v24 =	vmul.f32 v23, v0;
	v23 =	vpop (erf)  }
0x2a7: {  	v20 =	vbroadcast v37, $0x7;
	v44 =	vld [tilespmem:s23+$0x30];
	[tilespmem:s10+$0x60] =	vst v63;
	v23 =	vmul.f32 v23, v0;
	v31 =	vpop (erf)  }
0x2a8: {  	v43 =	vld [tilespmem:s23+$0xFFFFFFB0];
	v58 =	vbroadcast v29, $0x0;
	[tilespmem:s22+$0xFFFFFF50] =	vst v28;
	v28 =	vmul.f32 v31, v0;
	v31 =	vnsel vm0, $0x0, v24  }
0x2a9: {  	v63 =	vbroadcast v10, $0x6;
	v42 =	vld [tilespmem:s23+$0xFFFFFF30];
	[tilespmem:s8+$0xFFFFFFF0] =	vst v31;
	v31 =	vnsel vm0, $0x0, v23;
	v33 =	vmul.f32 v55, v57  }
0x2aa: {  	v52 =	vbroadcast v29, $0x1;
	v59 =	vld [tilespmem:s24+$0xFFFFFF80];
	[tilespmem:s8+$0x0] =	vst v31;
	v31 =	vmul.f32 v58, v56  }
0x2ab: {  	s29 =	simm.s32 $0x6320;
	v30 =	vbroadcast v24, $0x0;
	v40 =	vbroadcast v24, $0x1;
	v53 =	vld [tilespmem:s24+$0x0];
	[tilespmem:s26+$0xD0] =	vst v33  }
0x2ac: {  	v34 =	vbroadcast v24, $0x2;
	v46 =	vbroadcast v24, $0x3;
	v60 =	vnsel vm0, $0x0, v28;
	[tilespmem:s29+$0x80] =	vst v31;
	v61 =	vld [tilespmem:s23+$0xE0]  }
0x2ad: {  	v54 =	vbroadcast v23, $0x0;
	v39 =	vbroadcast v23, $0x1;
	[tilespmem:s8+$0xFFFFFFE0] =	vst v60;
	v48 =	vld [tilespmem:s24+$0x90]  }
0x2ae: {  	v47 =	vbroadcast v28, $0x0;
	v41 =	vbroadcast v28, $0x1;
	v49 =	vld [tilespmem:s24+$0xFFFFFF00]  }
0x2af: {  	[tilespmem:s10+$0xFFFFFF70] =	vst v50;
	v37 =	vld [tilespmem:s12+$0xFFFFFF60];
	v36 =	vbroadcast v28, $0x2;
	v62 =	vmul.f32 v30, v59  }
0x2b0: {  	[tilespmem:s9+$0xFFFFFFF0] =	vst v51;
	v45 =	vbroadcast v28, $0x3;
	v31 =	vld [tilespmem:s28+$0xFFFFFFF0];
	v50 =	vmul.f32 v54, v53  }
0x2b1: {  	s16 =	simm.s32 $0x720;
	s25 =	simm.s32 $0x10;
	v33 =	vbroadcast v23, $0x2;
	v30 =	vld [tilespmem:s28+$0x70];
	s28 =	simm.s32 $0x3120;
	[tilespmem:s29+$0xFFFFFF80] =	vst v62;
	v51 =	vmul.f32 v61, v63  }
.LBB2_7:
0x2b2: {  	v53 =	vld [tilespmem:s16+$0x10];
	[tilespmem:s29+$0x0] =	vst v50;
	v50 =	vbroadcast v23, $0x3;
	v48 =	vmul.f32 v52, v48;
	s30 =	sadd.s32 $0x40, s30  }
0x2b3: {  	v42 =	vmul.f32 v42, v25;
	v25 =	vmov v45;
	v52 =	vld [tilespmem:s30+$0x10];
	v47 =	vmul.f32 v47, v49;
	[tilespmem:s26+$0xE0] =	vst v51  }
0x2b4: {  	s25 =	sadd.s32 $0x4, s25;
	v45 =	vmul.f32 v43, v27;
	v27 =	vmovc v46;
	[tilespmem:s29+$0x90] =	vst v48;
	v48 =	vmul.f32 v44, v26;
	v49 =	vld [tilespmem:s23+$0xF0];
	v26 =	vmov v50  }
0x2b5: {  	p1 =	slt.u32 s25, $0x2C;
	v46 =	vbroadcast v28, $0x4;
	[tilespmem:s29+$0xFFFFFF00] =	vst v47;
	v47 =	vbroadcast v24, $0x4;
	v50 =	vld [tilespmem:s24+$0xA0]  }
0x2b6: {  	v43 =	vbroadcast v28, $0x5;
	v54 =	vbroadcast v23, $0x4;
	v51 =	vld [tilespmem:s30+$0xFFFFFFE0];
	[tilespmem:s26+$0xFFFFFF30] =	vst v42  }
0x2b7: {  	v44 =	vbroadcast v24, $0x5;
	v42 =	vld [tilespmem:s16+$0xFFFFFFF0];
	[tilespmem:s26+$0xFFFFFFB0] =	vst v45;
	v45 =	vbroadcast v10, $0x7;
	v10 =	vmov v29  }
0x2b8: {  	v55 =	vbroadcast v23, $0x5;
	v29 =	vld [tilespmem:s30+$0xFFFFFFF0];
	v56 =	vbroadcast v10, $0x2;
	[tilespmem:s26+$0x30] =	vst v48  }
0x2b9: {  	v32 =	vmul.f32 v32, v8;
	v52 =	vadd.f32 v52, v53;
	v48 =	vld [tilespmem:s16+$0x0];
	v45 =	vmul.f32 v49, v45;
	[tilespmem:s9+$0x70] =	vst v35;
	s9 =	smov.u32 s10;
	s10 =	smov.u32 s22;
	s22 =	smov.u32 s26  }
0x2ba: {  	v8 =	vmovc v15;
	v15 =	vmov v55;
	v49 =	vbroadcast v28, $0x6;
	s26 =	smov.u32 s29;
	v35 =	vld [tilespmem:s30+$0x0];
	v50 =	vmul.f32 v56, v50  }
0x2bb: {  	v55 =	vmul.f32 $2.000000030e-01, v52;
	v56 =	vbroadcast v24, $0x6;
	v53 =	vld [tilespmem:s16+$0xFFFFFFE0];
	[tilespmem:s22+$0xF0] =	vst v45  }
0x2bc: {  	v57 =	vbroadcast v23, $0x6;
	v37 =	vmul.f32 v37, v7;
	v7 =	vmovc v14;
	v14 =	vmov v49;
	v45 =	vld [tilespmem:s24+$0xFFFFFF10];
	[tilespmem:s29+$0xA0] =	vst v50  }
0x2bd: {  	v38 =	vmul.f32 v38, v6;
	v29 =	vadd.f32 v29, v42;
	v42 =	vmax.f32 v52, v55;
	v49 =	vld [tilespmem:s24+$0xB0];
	[tilespmem:s10+$0x50] =	vst v32  }
0x2be: {  	v6 =	vmovc v11;
	v28 =	vbroadcast v28, $0x7;
	v11 =	vmov v56;
	v32 =	vmul.f32 $1.442695020e+00, v42;
	v42 =	vld [tilespmem:s24+$0xFFFFFF90];
	[tilespmem:s10+$0xFFFFFF60] =	vst v37  }
0x2bf: {  	v37 =	vmul.f32 $2.000000030e-01, v29;
	v35 =	vadd.f32 v35, v48;
	v48 =	vbroadcast v24, $0x7;
	v24 =	vld [tilespmem:s24+$0x10];
	[tilespmem:s10+$0xFFFFFFE0] =	vst v38  }
0x2c0: {  	v38 =	vadd.f32 v51, v53;
	(erf) = vpow2.f32 v32;
	v32 =	vbroadcast v10, $0x3;
	v50 =	vld [tilespmem:s23+$0xFFFFFF40]  }
0x2c1: {  	v29 =	vmax.f32 v29, v37;
	v37 =	vmul.f32 $2.000000030e-01, v35;
	v41 =	vmul.f32 v41, v45;
	v45 =	vld [tilespmem:s23+$0xFFFFFFC0]  }
0x2c2: {  	v51 =	vmul.f32 $2.000000030e-01, v38;
	v32 =	vmul.f32 v49, v32;
	v49 =	vld [tilespmem:s23+$0x40]  }
0x2c3: {  	v29 =	vmul.f32 $1.442695020e+00, v29;
	v35 =	vmax.f32 v35, v37;
	[tilespmem:s29+$0xFFFFFF10] =	vst v41;
	v37 =	vmul.f32 v40, v42;
	v40 =	vld [tilespmem:s12+$0x60]  }
0x2c4: {  	v38 =	vmax.f32 v38, v51;
	v35 =	vmul.f32 $1.442695020e+00, v35;
	v41 =	vld [tilespmem:s24+$0xFFFFFF20];
	v24 =	vmul.f32 v39, v24;
	[tilespmem:s29+$0xB0] =	vst v32  }
0x2c5: {  	v32 =	vmul.f32 $1.442695020e+00, v38;
	(erf) = vpow2.f32 v29;
	[tilespmem:s29+$0xFFFFFF90] =	vst v37;
	v37 =	vld [tilespmem:s24+$0xC0]  }
0x2c6: {  	(erf) = vpow2.f32 v35;
	v35 =	vld [tilespmem:s24+$0xFFFFFFA0];
	[tilespmem:s29+$0x10] =	vst v24;
	v24 =	vmul.f32 v50, v21;
	v21 =	vmov v46  }
0x2c7: {  	v29 =	vmul.f32 v45, v22;
	v22 =	vmov v47;
	(erf) = vpow2.f32 v32;
	v38 =	vld [tilespmem:s24+$0x20]  }
0x2c8: {  	v32 =	vbroadcast v10, $0x4;
	[tilespmem:s22+$0xFFFFFF40] =	vst v24;
	v24 =	vmul.f32 v49, v19;
	v39 =	vld [tilespmem:s12+$0xFFFFFF70];
	v19 =	vmov v54  }
0x2c9: {  	v46 =	vmul.f32 v40, v3;
	v3 =	vmov v13;
	v42 =	vpop (erf);
	v36 =	vmul.f32 v36, v41;
	v41 =	vld [tilespmem:s23+$0xFFFFFF50];
	[tilespmem:s22+$0xFFFFFFC0] =	vst v29  }
0x2ca: {  	v13 =	vmov v57;
	v29 =	vmul.f32 v42, v0;
	v37 =	vmul.f32 v37, v32;
	v40 =	vld [tilespmem:s23+$0xFFFFFFD0];
	[tilespmem:s22+$0x40] =	vst v24  }
0x2cb: {  	[tilespmem:s29+$0xFFFFFF20] =	vst v36;
	v24 =	vmul.f32 v34, v35;
	v34 =	vbroadcast v23, $0x7;
	v32 =	vld [tilespmem:s23+$0x50]  }
0x2cc: {  	s8 =	sadd.s32 $0x40, s8;
	v51 =	vmul.f32 v31, v1;
	v1 =	vmovc v5;
	v23 =	vnsel vm0, $0x0, v29;
	v42 =	vld [tilespmem:s24+$0xFFFFFF30];
	v33 =	vmul.f32 v33, v38;
	[tilespmem:s29+$0xC0] =	vst v37  }
0x2cd: {  	v35 =	vmul.f32 v30, v2;
	s24 =	sadd.s32 $0x200, s24;
	[tilespmem:s8+$0x10] =	vst v23;
	v31 =	vld [tilespmem:s28+$0xD0];
	v50 =	vmul.f32 v39, v9;
	v9 =	vmovc v12;
	v12 =	vmov v28  }
0x2ce: {  	v5 =	vmov v18;
	v30 =	vld [tilespmem:s24+$0x80];
	v2 =	vpop (erf);
	[tilespmem:s29+$0xFFFFFFA0] =	vst v24;
	v28 =	vmul.f32 v41, v16;
	v16 =	vmov v43  }
0x2cf: {  	v24 =	vmul.f32 v2, v0;
	v2 =	vpop (erf);
	v43 =	vld [tilespmem:s28+$0xFFFFFFB0];
	[tilespmem:s29+$0x20] =	vst v33;
	v33 =	vmul.f32 v40, v17;
	v17 =	vmov v44  }
0x2d0: {  	v18 =	vmov v48;
	v36 =	vbroadcast v10, $0x5;
	v23 =	vmul.f32 v2, v0;
	v2 =	vpop (erf);
	v44 =	vld [tilespmem:s28+$0x30];
	[tilespmem:s22+$0xFFFFFF50] =	vst v28  }
0x2d1: {  	v39 =	vbroadcast v29, $0x0;
	v28 =	vmul.f32 v2, v0;
	v38 =	vnsel vm0, $0x0, v24;
	v37 =	vld [tilespmem:s23+$0xFFFFFF60];
	[tilespmem:s22+$0xFFFFFFD0] =	vst v33;
	v2 =	vmovc v4;
	v4 =	vmovc v20  }
0x2d2: {  	v52 =	vbroadcast v24, $0x0;
	v20 =	vmovc v34;
	[tilespmem:s8+$0xFFFFFFF0] =	vst v38;
	v33 =	vnsel vm0, $0x0, v23;
	v31 =	vmul.f32 v31, v36;
	v38 =	vld [tilespmem:s23+$0xFFFFFFE0]  }
0x2d3: {  	v34 =	vnsel vm0, $0x0, v28;
	v47 =	vbroadcast v28, $0x0;
	v53 =	vld [tilespmem:s24+$0xFFFFFF80];
	[tilespmem:s8+$0x0] =	vst v33;
	v30 =	vmul.f32 v39, v30  }
0x2d4: {  	s29 =	sadd.s32 $0x200, s29;
	v55 =	vbroadcast v23, $0x0;
	v41 =	vbroadcast v28, $0x1;
	v54 =	vld [tilespmem:s24+$0x0];
	[tilespmem:s26+$0xD0] =	vst v31  }
0x2d5: {  	v40 =	vbroadcast v24, $0x1;
	v39 =	vbroadcast v23, $0x1;
	[tilespmem:s29+$0x80] =	vst v30;
	v56 =	vld [tilespmem:s28+$0xE0]  }
.Ltmp2:
0x2d6: {  	v36 =	vbroadcast v28, $0x2;
	[tilespmem:s8+$0xFFFFFFE0] =	vst v34;
	v34 =	vbroadcast v24, $0x2;
	v48 =	vld [tilespmem:s24+$0x90];
	(pc) =	sbr.rel @p1 .LBB2_7-.Ltmp2, $4  }
0x2d7: {  	v45 =	vbroadcast v28, $0x3;
	v33 =	vbroadcast v23, $0x2;
	v49 =	vld [tilespmem:s24+$0xFFFFFF00];
	[tilespmem:s10+$0x60] =	vst v46  }
0x2d8: {  	v46 =	vmul.f32 v52, v53;
	v53 =	vbroadcast v10, $0x6;
	[tilespmem:s10+$0xFFFFFF70] =	vst v50;
	v31 =	vld [tilespmem:s12+$0xFFFFFFF0]  }
0x2d9: {  	v52 =	vbroadcast v29, $0x1;
	v50 =	vmul.f32 v55, v54;
	v30 =	vld [tilespmem:s12+$0x70];
	[tilespmem:s9+$0xFFFFFFF0] =	vst v51;
	s12 =	smov.u32 s23;
	s23 =	smov.u32 s28;
	s28 =	smov.u32 s24  }
0x2da: {  	s16 =	sadd.s32 $0x40, s16;
	[tilespmem:s29+$0xFFFFFF80] =	vst v46;
	v46 =	vbroadcast v24, $0x3;
	v51 =	vmul.f32 v56, v53  }
0x2db: {  	v48 =	vmul.f32 v52, v48  }
0x2dc: {  	v47 =	vmul.f32 v47, v49  }
0x2dd: {  	[tilespmem:s29+$0x90] =	vst v48  }
0x2de: {  	[tilespmem:s29+$0xFFFFFF00] =	vst v47;
	v53 =	vld [tilespmem:s24+$0xA0]  }
0x2df: {  	v54 =	vld [tilespmem:s24+$0xFFFFFF10];
	_ =	sdelay $0x1  }
0x2e0: {  	v55 =	vbroadcast v29, $0x2;
	[tilespmem:s29+$0x0] =	vst v50;
	v56 =	vld [tilespmem:s24+$0xFFFFFF90]  }
0x2e1: {  	v57 =	vld [tilespmem:s24+$0x10]  }
0x2e2: {  	v47 =	vmul.f32 v55, v53  }
0x2e3: {  	[tilespmem:s9+$0x70] =	vst v35;
	v41 =	vmul.f32 v41, v54  }
0x2e4: {  	[tilespmem:s29+$0xA0] =	vst v47  }
0x2e5: {  	v40 =	vmul.f32 v40, v56;
	v58 =	vld [tilespmem:s24+$0xB0];
	[tilespmem:s29+$0xFFFFFF10] =	vst v41  }
0x2e6: {  	[tilespmem:s26+$0xE0] =	vst v51;
	v59 =	vmul.f32 v39, v57;
	v41 =	vld [tilespmem:s24+$0xFFFFFF20]  }
0x2e7: {  	v25 =	vmul.f32 v42, v25;
	[tilespmem:s29+$0xFFFFFF90] =	vst v40  }
0x2e8: {  	v27 =	vmul.f32 v43, v27;
	v61 =	vbroadcast v29, $0x3;
	v40 =	vld [tilespmem:s24+$0xFFFFFFA0];
	[tilespmem:s29+$0x10] =	vst v59  }
0x2e9: {  	v26 =	vmul.f32 v44, v26;
	[tilespmem:s26+$0xFFFFFF30] =	vst v25;
	v63 =	vld [tilespmem:s24+$0x20]  }
0x2ea: {  	[tilespmem:s26+$0xFFFFFFB0] =	vst v27;
	v62 =	vmul.f32 v58, v61  }
0x2eb: {  	[tilespmem:s26+$0x30] =	vst v26;
	v42 =	vmul.f32 v36, v41  }
0x2ec: {  	v8 =	vmul.f32 v32, v8;
	[tilespmem:s29+$0xB0] =	vst v62  }
0x2ed: {  	v43 =	vmul.f32 v34, v40;
	v25 =	vld [tilespmem:s24+$0xC0];
	[tilespmem:s29+$0xFFFFFF20] =	vst v42  }
0x2ee: {  	[tilespmem:s22+$0x50] =	vst v8;
	v27 =	vmul.f32 v33, v63;
	v44 =	vld [tilespmem:s24+$0xFFFFFF30]  }
0x2ef: {  	v7 =	vmul.f32 v37, v7;
	v60 =	vld [tilespmem:s23+$0xF0];
	[tilespmem:s29+$0xFFFFFFA0] =	vst v43  }
0x2f0: {  	v6 =	vmul.f32 v38, v6;
	v49 =	vbroadcast v29, $0x4;
	v26 =	vld [tilespmem:s28+$0xFFFFFFB0];
	[tilespmem:s29+$0x20] =	vst v27  }
0x2f1: {  	[tilespmem:s22+$0xFFFFFF60] =	vst v7;
	v1 =	vmul.f32 v31, v1;
	v51 =	vld [tilespmem:s28+$0x30]  }
0x2f2: {  	v10 =	vbroadcast v10, $0x7;
	[tilespmem:s22+$0xFFFFFFE0] =	vst v6;
	v47 =	vld [tilespmem:s23+$0xFFFFFF40];
	v50 =	vmul.f32 v25, v49  }
0x2f3: {  	[tilespmem:s10+$0xFFFFFFF0] =	vst v1;
	v52 =	vmul.f32 v44, v45  }
0x2f4: {  	v10 =	vmul.f32 v60, v10;
	v53 =	vld [tilespmem:s23+$0x40];
	v54 =	vbroadcast v23, $0x3;
	[tilespmem:s29+$0xC0] =	vst v50  }
0x2f5: {  	v57 =	vmul.f32 v26, v46;
	v56 =	vld [tilespmem:s28+$0xD0];
	[tilespmem:s29+$0xFFFFFF30] =	vst v52  }
0x2f6: {  	[tilespmem:s26+$0xF0] =	vst v10;
	v8 =	vmul.f32 v51, v54;
	v58 =	vld [tilespmem:s28+$0xFFFFFF40]  }
0x2f7: {  	v48 =	vld [tilespmem:s23+$0xFFFFFFC0];
	v10 =	vmul.f32 v47, v21;
	[tilespmem:s29+$0xFFFFFFB0] =	vst v57  }
0x2f8: {  	v2 =	vmul.f32 v30, v2;
	v60 =	vbroadcast v29, $0x5;
	[tilespmem:s29+$0x30] =	vst v8;
	v62 =	vld [tilespmem:s28+$0xFFFFFFC0]  }
0x2f9: {  	v19 =	vmul.f32 v53, v19;
	v61 =	vbroadcast v28, $0x4;
	[tilespmem:s26+$0xFFFFFF40] =	vst v10;
	v32 =	vld [tilespmem:s28+$0x40]  }
0x2fa: {  	[tilespmem:s10+$0x70] =	vst v2;
	v59 =	vld [tilespmem:s23+$0xFFFFFF50];
	v63 =	vmul.f32 v56, v60  }
0x2fb: {  	v34 =	vbroadcast v24, $0x4;
	v33 =	vld [tilespmem:s12+$0x60];
	[tilespmem:s26+$0x40] =	vst v19;
	v7 =	vmul.f32 v58, v61  }
0x2fc: {  	v55 =	vmul.f32 v48, v22;
	v40 =	vld [tilespmem:s23+$0x50];
	v36 =	vbroadcast v23, $0x4;
	[tilespmem:s29+$0xD0] =	vst v63  }
0x2fd: {  	v38 =	vmul.f32 v62, v34;
	v37 =	vld [tilespmem:s28+$0xE0];
	[tilespmem:s29+$0xFFFFFF40] =	vst v7  }
0x2fe: {  	[tilespmem:s26+$0xFFFFFFC0] =	vst v55;
	v6 =	vmul.f32 v32, v36;
	v39 =	vld [tilespmem:s28+$0xFFFFFF50]  }
0x2ff: {  	v21 =	vld [tilespmem:s23+$0xFFFFFFD0];
	v16 =	vmul.f32 v59, v16;
	[tilespmem:s29+$0xFFFFFFC0] =	vst v38  }
0x300: {  	v41 =	vbroadcast v29, $0x6;
	v3 =	vmul.f32 v33, v3;
	v43 =	vld [tilespmem:s28+$0xFFFFFFD0];
	[tilespmem:s29+$0x40] =	vst v6  }
0x301: {  	v42 =	vbroadcast v28, $0x5;
	v10 =	vmul.f32 v40, v15;
	[tilespmem:s26+$0xFFFFFF50] =	vst v16;
	v6 =	vld [tilespmem:s28+$0x50]  }
0x302: {  	[tilespmem:s22+$0x60] =	vst v3;
	v44 =	vld [tilespmem:s23+$0xFFFFFF60];
	v3 =	vmul.f32 v37, v41  }
0x303: {  	v35 =	vld [tilespmem:s12+$0xFFFFFF70];
	[tilespmem:s26+$0x50] =	vst v10;
	v45 =	vbroadcast v24, $0x5;
	v7 =	vmul.f32 v39, v42  }
0x304: {  	v17 =	vmul.f32 v21, v17;
	v50 =	vld [tilespmem:s23+$0x60];
	[tilespmem:s29+$0xE0] =	vst v3;
	v3 =	vbroadcast v23, $0x5  }
0x305: {  	v1 =	vmul.f32 v43, v45;
	v46 =	vld [tilespmem:s28+$0xF0];
	[tilespmem:s29+$0xFFFFFF50] =	vst v7  }
0x306: {  	[tilespmem:s26+$0xFFFFFFD0] =	vst v17;
	v7 =	vld [tilespmem:s28+$0xFFFFFF60];
	v3 =	vmul.f32 v6, v3  }
0x307: {  	v47 =	vld [tilespmem:s23+$0xFFFFFFE0];
	v49 =	vmul.f32 v44, v14;
	[tilespmem:s29+$0xFFFFFFD0] =	vst v1  }
0x308: {  	v9 =	vmul.f32 v35, v9;
	v48 =	vbroadcast v29, $0x7;
	v51 =	vld [tilespmem:s28+$0xFFFFFFE0];
	[tilespmem:s29+$0x50] =	vst v3  }
0x309: {  	v57 =	vmul.f32 v50, v13;
	[tilespmem:s26+$0xFFFFFF60] =	vst v49;
	v1 =	vbroadcast v28, $0x6;
	v52 =	vld [tilespmem:s28+$0x60]  }
0x30a: {  	[tilespmem:s22+$0xFFFFFF70] =	vst v9;
	v2 =	vld [tilespmem:s23+$0xFFFFFF70];
	v3 =	vmul.f32 v46, v48  }
0x30b: {  	v53 =	vbroadcast v24, $0x6;
	v54 =	vld [tilespmem:s12+$0xFFFFFFF0];
	[tilespmem:s26+$0x60] =	vst v57;
	v1 =	vmul.f32 v7, v1  }
0x30c: {  	v55 =	vbroadcast v23, $0x6;
	v56 =	vld [tilespmem:s12+$0x70];
	[tilespmem:s29+$0xF0] =	vst v3;
	v3 =	vmul.f32 v47, v11  }
0x30d: {  	v59 =	vld [tilespmem:s23+$0x70];
	[tilespmem:s29+$0xFFFFFF60] =	vst v1;
	v1 =	vmul.f32 v51, v53  }
0x30e: {  	[tilespmem:s26+$0xFFFFFFE0] =	vst v3;
	v3 =	vld [tilespmem:s28+$0xFFFFFF70];
	v6 =	vmul.f32 v52, v55  }
0x30f: {  	v2 =	vmul.f32 v2, v12;
	v58 =	vld [tilespmem:s23+$0xFFFFFFF0];
	[tilespmem:s29+$0xFFFFFFE0] =	vst v1  }
0x310: {  	v5 =	vmul.f32 v54, v5;
	[tilespmem:s29+$0x60] =	vst v6;
	v60 =	vld [tilespmem:s28+$0xFFFFFFF0]  }
0x311: {  	v4 =	vmul.f32 v56, v4;
	[tilespmem:s26+$0xFFFFFF70] =	vst v2;
	v1 =	vbroadcast v28, $0x7;
	v2 =	vld [tilespmem:s28+$0x70]  }
0x312: {  	[tilespmem:s22+$0xFFFFFFF0] =	vst v5;
	v63 =	vmul.f32 v59, v20  }
0x313: {  	[tilespmem:s22+$0x70] =	vst v4;
	v1 =	vmul.f32 v3, v1;
	v3 =	vbroadcast v24, $0x7  }
0x314: {  	v62 =	vbroadcast v23, $0x7;
	[tilespmem:s26+$0x70] =	vst v63;
	v61 =	vmul.f32 v58, v18  }
0x315: {  	[tilespmem:s29+$0xFFFFFF70] =	vst v1;
	v1 =	vmul.f32 v60, v3  }
0x316: {  	[tilespmem:s26+$0xFFFFFFF0] =	vst v61;
	v2 =	vmul.f32 v2, v62  }
0x317: {  	[tilespmem:s29+$0xFFFFFFF0] =	vst v1  }
0x318: {  	s8 =	simm.s32 $0x0;
	s9 =	simm.s32 $0x7290;
	s10 =	simm.s32 $0x4090;
	[tilespmem:s29+$0x70] =	vst v2  }
.LBB2_9:
0x319: {  	s12 =	sshra.s32 s8, $0x2  }
0x31a: {  	v1 =	vld [tilespmem:s12+$0x8C0]  }
0x31b: {  	v2 =	vld [tilespmem:s12+$0xF00];
	_ =	sdelay $0x4  }
0x31c: {  	v1 =	vadd.f32 v2, v1;
	_ =	sdelay $0x1  }
0x31d: {  	v2 =	vmul.f32 $2.000000030e-01, v1;
	_ =	sdelay $0x1  }
0x31e: {  	v1 =	vmax.f32 v1, v2  }
0x31f: {  	v1 =	vmul.f32 $1.442695020e+00, v1;
	_ =	sdelay $0x1  }
0x320: {  	(erf) = vpow2.f32 v1;
	_ =	sdelay $0x8  }
0x321: {  	v1 =	vpop (erf)  }
0x322: {  	v1 =	vmul.f32 v1, v0;
	_ =	sdelay $0x1  }
0x323: {  	v2 =	vnsel vm0, $0x0, v1  }
0x324: {  	[tilespmem:s12+$0x7940] =	vst v2  }
0x325: {  	v2 =	vld [tilespmem:s10+$0xFFFFFF90];
	_ =	sdelay $0x2  }
0x326: {  	v3 =	vbroadcast v1, $0x0;
	_ =	sdelay $0x1  }
0x327: {  	v2 =	vmul.f32 v3, v2;
	_ =	sdelay $0x1  }
0x328: {  	[tilespmem:s9+$0xFFFFFF90] =	vst v2  }
0x329: {  	v2 =	vld [tilespmem:s10+$0xFFFFFFA0];
	_ =	sdelay $0x2  }
0x32a: {  	v3 =	vbroadcast v1, $0x1;
	_ =	sdelay $0x1  }
0x32b: {  	v2 =	vmul.f32 v3, v2;
	_ =	sdelay $0x1  }
0x32c: {  	[tilespmem:s9+$0xFFFFFFA0] =	vst v2  }
0x32d: {  	v2 =	vld [tilespmem:s10+$0xFFFFFFB0];
	_ =	sdelay $0x2  }
0x32e: {  	v3 =	vbroadcast v1, $0x2;
	_ =	sdelay $0x1  }
0x32f: {  	v2 =	vmul.f32 v3, v2;
	_ =	sdelay $0x1  }
0x330: {  	[tilespmem:s9+$0xFFFFFFB0] =	vst v2  }
0x331: {  	v2 =	vld [tilespmem:s10+$0xFFFFFFC0];
	_ =	sdelay $0x2  }
0x332: {  	v3 =	vbroadcast v1, $0x3;
	_ =	sdelay $0x1  }
0x333: {  	v2 =	vmul.f32 v2, v3;
	_ =	sdelay $0x1  }
0x334: {  	[tilespmem:s9+$0xFFFFFFC0] =	vst v2  }
0x335: {  	v2 =	vld [tilespmem:s10+$0xFFFFFFD0];
	_ =	sdelay $0x2  }
0x336: {  	v3 =	vbroadcast v1, $0x4;
	_ =	sdelay $0x1  }
0x337: {  	v2 =	vmul.f32 v2, v3;
	_ =	sdelay $0x1  }
0x338: {  	[tilespmem:s9+$0xFFFFFFD0] =	vst v2  }
0x339: {  	v2 =	vld [tilespmem:s10+$0xFFFFFFE0];
	_ =	sdelay $0x2  }
0x33a: {  	v3 =	vbroadcast v1, $0x5;
	_ =	sdelay $0x1  }
0x33b: {  	v2 =	vmul.f32 v2, v3;
	_ =	sdelay $0x1  }
0x33c: {  	[tilespmem:s9+$0xFFFFFFE0] =	vst v2  }
0x33d: {  	v2 =	vld [tilespmem:s10+$0xFFFFFFF0];
	_ =	sdelay $0x2  }
0x33e: {  	v3 =	vbroadcast v1, $0x6;
	_ =	sdelay $0x1  }
0x33f: {  	v2 =	vmul.f32 v2, v3;
	_ =	sdelay $0x1  }
0x340: {  	[tilespmem:s9+$0xFFFFFFF0] =	vst v2  }
0x341: {  	v2 =	vld [tilespmem:s10+$0x0];
	_ =	sdelay $0x1  }
0x342: {  	p1 =	sne.s32 s8, $0x40  }
.Ltmp3:
0x343: {  	v1 =	vbroadcast v1, $0x7;
	(pc) =	sbr.rel @p1 .LBB2_9-.Ltmp3, $3  }
0x344: {  	_ = 	snop  }
0x345: {  	v1 =	vmul.f32 v2, v1;
	_ =	sdelay $0x1  }
0x346: {  	s8 =	sadd.s32 $0x40, s8;
	s10 =	sadd.s32 $0x80, s10;
	[tilespmem:s9+$0x0] =	vst v1;
	s9 =	sadd.s32 $0x80, s9  }
0x347: {  	s0 =	sadd.s32 @!p2 $0x3, s0  }
0x348: {  	s8 =	simm.s32 @!p2 $0x6;
	s9 =	smulhi.u32 @!p2 $0x2AAAAAAB, s0  }
0x349: {  	s10 =	smulhi.u32 $0x2AAAAAAB, s6;
	_ =	swait.ge @!p2 [sflag:s8], $0x38  }
0x34a: {  	[sflag:s8] =	ssyncset.done @!p2 $0x0;
	s9 =	smul.u32 @!p2 $0x6, s9  }
0x34b: {  	[sflag:s8] =	ssyncadd.s32 @!p2 $0xFFFFFFC8  }
0x34c: {  	s10 =	smul.u32 $0x6, s10;
	_ =	swait.ge @!p2 [sflag:s8], $0x38;
	s0 =	ssub.s32 @!p2 s0, s9  }
0x34d: {  	s12 =	simm.s32 @!p2 $0xC00;
	[sflag:s8] =	ssyncset.done @!p2 $0x0;
	s0 =	smul.u32 @!p2 $0x38, s0  }
0x34e: {  	s9 =	simm.s32 @!p2 $0x5C0;
	[sflag:s8] =	ssyncadd.s32 @!p2 $0xFFFFFFC8;
	s8 =	simm.s32 @!p2 $0x32  }
0x34f: {  	[tilespmem:s9], [sflag:$0x2] =	stream.indirect.gather @!p2 [hbm4b:s14+s8], $0x10, s0, s8, $0xb8;
	[tilespmem:$0x1D948] =	vst v63  }
0x350: {  	s31 =	sadd.s32 $0x1, s31;
	s29 =	ssub.s32 s6, s10;
	s9 =	sadd.s32 @!p2 $0x150, s0  }
0x351: {  	[tilespmem:s12], [sflag:$0x2] =	stream.indirect.gather @!p2 [hbm4b:s15+s8], $0x10, s9, s8, $0xb8;
	[tilespmem:$0x1D948] =	vst v63  }
0x352: {  	p1 =	sne.s32 s31, $0xC8;
	s6 =	smul.u32 $0xE0, s29;
	s9 =	simm.s32 @!p2 $0x2820  }
0x353: {  	[tilespmem:s9], [sflag:$0x2] =	stream.indirect.gather @!p2 [hbm4b:s17+s8], $0x80, s0, s8, $0xb8;
	[tilespmem:$0x1D948] =	vst v63  }
.Ltmp4:
0x354: {  	s30 =	sshrl.u32 s6, $0x2;
	(pc) =	sbr.rel @p1 .LBB2_2-.Ltmp4, $4  }
0x355: {  	s0 =	sadd.s32 $0x150, s30  }
0x356: {  	[spmem:s4] =	stream.indirect.scatter.add.f32 [tilespmem:s20], [sflag:$0x4], $0x10, s0, s11, $0xb8;
	[tilespmem:$0x1D948] =	vst v63  }
0x357: {  	_ = 	snop  }
0x358: {  	[spmem:s3] =	stream.indirect.scatter.add.f32 [tilespmem:s21], [sflag:$0x4], $0x80, s0, s11, $0xb8;
	[tilespmem:$0x1D948] =	vst v63  }
0x359: {  	s0 =	simm.s32 $0x3  }
0x35a: {  	_ =	swait.ge [sflag:s0], $0x320  }
0x35b: {  	[sflag:s0] =	ssyncset.done $0x0  }
0x35c: {  	[sflag:s0] =	ssyncadd.s32 $0xFFFFFCE0  }
0x35d: {  	_ =	swait.ge [sflag:s0], $0x1900  }
0x35e: {  	[sflag:s0] =	ssyncset.done $0x0  }
0x35f: {  	s25 =	simm.s32 $0x4;
	[sflag:s0] =	ssyncadd.s32 $0xFFFFE700  }
0x360: {  	_ =	swait.ge [sflag:s25], $0x320  }
0x361: {  	[sflag:s25] =	ssyncset.done $0x0  }
0x362: {  	[sflag:s25] =	ssyncadd.s32 $0xFFFFFCE0  }
0x363: {  	_ =	swait.ge [sflag:s25], $0x1900  }
0x364: {  	[sflag:s25] =	ssyncset.done $0x0  }
0x365: {  	[sflag:s25] =	ssyncadd.s32 $0xFFFFE700  }
0x366: {  	[bflag:$0x0] =	sbarrier.arrive $0xFFFF  }
0x367: {  	s26 =	rddreg [dreg:$0x8]  }
0x368: {  	s9 =	rddreg [dreg:$0x1d]  }
0x369: {  	s8 =	simm.s32 $0x7;
	s6 =	rddreg [dreg:$0x1e]  }
0x36a: {  	[hbm:s26], [sflag:s9] =	dma.local [spmem:s6], $0x2700  }
0x36b: {  	_ =	swait.ge [sflag:s8], $0x2700  }
0x36c: {  	[sflag:s8] =	ssyncset.done $0x0;
	s28 =	rddreg [dreg:$0xb]  }
0x36d: {  	s29 =	rddreg [dreg:$0x1f];
	[sflag:s8] =	ssyncadd.s32 $0xFFFFD900  }
0x36e: {  	[hbm:s28], [sflag:s9] =	dma.local [spmem:s29], $0x4E0  }
0x36f: {  	_ =	swait.ge [sflag:s8], $0x4E0  }
0x370: {  	s6 =	sld [smem:$0x7FC]  }
0x371: {  	[sflag:s8] =	ssyncset.done $0x0  }
0x372: {  	s0 =	rddreg [dreg:$0x17];
	[sflag:s8] =	ssyncadd.s32 $0xFFFFFB20  }
0x373: {  	[hbm:s0], [sflag:s9] =	dma.local @!p0 [spmem:s6], $0x100  }
0x374: {  	s0 =	simm.s32 @!p0 $0x7  }
0x375: {  	_ =	swait.ge @!p0 [sflag:s0], $0x100  }
0x376: {  	s10 =	sld [smem:$0x7FD]  }
0x377: {  	[sflag:s0] =	ssyncset.done @!p0 $0x0  }
0x378: {  	s6 =	rddreg [dreg:$0x18];
	[sflag:s0] =	ssyncadd.s32 @!p0 $0xFFFFFF00  }
0x379: {  	[hbm:s6], [sflag:s9] =	dma.local @!p0 [spmem:s10], $0x20  }
0x37a: {  	_ =	swait.ge @!p0 [sflag:s0], $0x20  }
0x37b: {  	s30 =	rddreg [dreg:$0x1c]  }
0x37c: {  	s31 =	rddreg [dreg:$0x19];
	s9 =	sadd.s32 $0x1, s30  }
0x37d: {  	p1 =	sne.s32 s9, s31  }
.Ltmp5:
0x37e: {  	_ = 	snop;
	(pc) =	sbr.rel @p1 .LBB2_1-.Ltmp5, $3  }
0x37f: {  	_ =	sdelay $0x1  }
0x380: {  	[sflag:s0] =	ssyncset.done @!p0 $0x0  }
0x381: {  	[sflag:s0] =	ssyncadd.s32 @!p0 $0xFFFFFFE0  }
0x382: {  	_ =	sfence.sel $0x180000  }
0x383: {  	[bflag:$0x0] =	sbarrier.arrive $0xFFFF  }
0x384: {  	_ =	strace $0x90000047  }
0x385: {  	s0 =	stileid.u32;
	[bflag:$0x2] =	sbarrier.arrive $0xFFFF  }
0x386: {  	p0 =	sne.s32 s0, $0x0;
	s0 =	rddreg [dreg:$0x5]  }
0x387: {  	s0 =	sadd.s32 @!p0 $0x100000, s0  }
0x388: {  	[sflag:s0] =	ssyncadd.tile.s32 @!p0 $0x1;
	_ =	shalt  }
.Lfunc_end2:
_tile_overlayer_lowered:
.L_overlay_start_2:
0x389: {  	(tag) =	ssettag $0x2  }
0x38a: {  	s0 =	rddreg [dreg:$0x0];
	s2 =	stileid.u32  }
0x38b: {  	s1 =	rddreg [dreg:$0x1];
	p0 =	sne.s32 s2, $0x0  }
0x38c: {  	s3 =	rddreg [dreg:$0x2];
	[bflag:$0x3] =	sbarrier.arrive $0xFFFF;
	s2 =	simm.s32 @!p0 $0x1C07  }
0x38d: {  	[timem:s3], [sflag:s2] =	dma.local @!p0 [hbm:s0], s1  }
0x38e: {  	s0 =	simm.s32 @!p0 $0x7  }
0x38f: {  	_ =	swait.ge @!p0 [sflag:s0], s1  }
0x390: {  	s1 =	ssub.s32 @!p0 $0x0, s1;
	[sflag:s0] =	ssyncset.done @!p0 $0x0  }
0x391: {  	[sflag:s0] =	ssyncadd.s32 @!p0 s1  }
0x392: {  	[bflag:$0x3] =	sbarrier.arrive $0xFFFF  }
0x393: {  	_ =	shalt  }

</sc_bundles>
